<compile_context>
chip_gen: v7x
topology: tpu7x:2x2x1
jax: 0.10.2.dev20260603
libtpu: 0.0.44.dev20260713+nightly
codegen_flags: <defaults>
</compile_context>

<pallas_src>
import functools

import jax
import jax.numpy as jnp
from jax import lax
from jax.experimental import pallas as pl
from jax.experimental.pallas import tpu as pltpu
from jax.experimental.pallas import tpu_sc as plsc

_N = 8192
_IN = 256
_ROWS = 8
_LANES = _N // _ROWS
_K = 10
_L = 16


def _score_kernel(x_ref, w_ref, b_ref, o_ref):
    w = w_ref[...]
    rows = []
    for r in range(_ROWS):
        xc = x_ref[0, pl.ds(r * _LANES, _LANES), :]
        rows.append(
            jax.lax.dot_general(
                w, xc, (((1,), (1,)), ((), ())),
                preferred_element_type=jnp.float32,
            )
        )
    s = jnp.concatenate(rows, axis=1) + b_ref[...]
    o_ref[...] = s.reshape(_N)


def _sc_select_body(scores_hbm, out_hbm, buf, res):
    info = plsc.get_sparse_core_info()
    ns = info.num_subcores
    wid = lax.axis_index("c") * ns + lax.axis_index("s")

    @pl.when(wid < scores_hbm.shape[0] // _N)
    def _work():
        pltpu.sync_copy(scores_hbm.at[pl.ds(wid * _N, _N)], buf)
        ninf = jnp.full((_L,), float("-inf"), jnp.float32)
        pinf = jnp.full((_L,), float("inf"), jnp.float32)
        lane = lax.iota(jnp.int32, _L)

        def step(i, carry):
            t = list(carry[:_K])
            u = list(carry[_K:])
            c = buf[pl.ds(pl.multiple_of(i * _L, _L), _L)]
            d = c
            for j in range(_K):
                t_hi = jnp.maximum(t[j], c)
                c = jnp.minimum(t[j], c)
                t[j] = t_hi
                u_lo = jnp.minimum(u[j], d)
                d = jnp.maximum(u[j], d)
                u[j] = u_lo
            return tuple(t) + tuple(u)

        init = tuple(ninf for _ in range(_K)) + tuple(pinf for _ in range(_K))
        fin = lax.fori_loop(0, _N // _L, step, init)
        t = list(fin[:_K])
        u = list(fin[_K:])

        top_sum = jnp.float32(0.0)
        bot_sum = jnp.float32(0.0)
        for _ in range(_K):
            best_t = jnp.float32(float("-inf"))
            best_u = jnp.float32(float("inf"))
            bl_t = jnp.int32(0)
            bl_u = jnp.int32(0)
            for l in range(_L):
                vt = t[0][l]
                vu = u[0][l]
                bt = vt > best_t
                bu = vu < best_u
                best_t = jnp.where(bt, vt, best_t)
                bl_t = jnp.where(bt, l, bl_t)
                best_u = jnp.where(bu, vu, best_u)
                bl_u = jnp.where(bu, l, bl_u)
            top_sum = top_sum + best_t
            bot_sum = bot_sum + best_u
            hot_t = lane == jnp.full((_L,), bl_t, jnp.int32)
            hot_u = lane == jnp.full((_L,), bl_u, jnp.int32)
            for j in range(_K - 1):
                t[j] = jnp.where(hot_t, t[j + 1], t[j])
                u[j] = jnp.where(hot_u, u[j + 1], u[j])
            t[_K - 1] = jnp.where(hot_t, ninf, t[_K - 1])
            u[_K - 1] = jnp.where(hot_u, pinf, u[_K - 1])

        mean = (top_sum + bot_sum) * jnp.float32(1.0 / (2 * _K))
        mvec = jnp.full((_L,), mean, jnp.float32)
        res[...] = 1.0 / (1.0 + jnp.exp(-mvec))
        pltpu.sync_copy(res, out_hbm.at[wid])


def _score_call(x, W, b2):
    B = x.shape[0]
    return pl.pallas_call(
        _score_kernel,
        grid=(B,),
        in_specs=[
            pl.BlockSpec((1, _N, _IN), lambda i: (i, 0, 0)),
            pl.BlockSpec((1, _IN), lambda i: (0, 0)),
            pl.BlockSpec((1, 1), lambda i: (0, 0)),
        ],
        out_specs=pl.BlockSpec((_N,), lambda i: (i,)),
        out_shape=jax.ShapeDtypeStruct((B * _N,), jnp.float32),
        compiler_params=pltpu.CompilerParams(
            dimension_semantics=("parallel",),
        ),
    )(x, W, b2)


def _sc_call(scores):
    B = scores.shape[0] // _N
    sc_select = functools.partial(
        pl.kernel,
        mesh=plsc.VectorSubcoreMesh(core_axis_name="c", subcore_axis_name="s"),
        out_type=jax.ShapeDtypeStruct((B, _L), jnp.float32),
        scratch_types=[
            pltpu.VMEM((_N,), jnp.float32),
            pltpu.VMEM((_L,), jnp.float32),
        ],
    )(_sc_select_body)
    return sc_select(scores)[:, 0]


@jax.jit
def kernel(x, W, b):
    scores = _score_call(x, W, jnp.reshape(b, (1, 1)))
    return _sc_call(scores)

# --- scband reference (transcript-rebuilt; emitter-appended) ---
"""Pipeline reference for scband-weldon-12369505812883 (READ-ONLY COPY).

The authoritative reference and input builder live on the scoring server;
editing this copy changes nothing except your own understanding.
"""

import jax, jax.numpy as jnp
import numpy as np

N_TOP = 10
N_BOTTOM = 10

def setup_inputs(seed: int = 0) -> dict:
    key = jax.random.key(seed)
    k1, k2 = jax.random.split(key, 2)
    B, N, IN, OUT = 16, 8192, 256, 1
    x = jax.random.normal(k1, (B, N, IN), dtype=jnp.float32)
    # Linear(in_features=256, out_features=1) with xavier_uniform weight, zero bias
    fan_in, fan_out = IN, OUT
    limit = float(np.sqrt(6.0 / (fan_in + fan_out)))
    W = jax.random.uniform(k2, (OUT, IN), dtype=jnp.float32, minval=-limit, maxval=limit)
    b = jnp.zeros((OUT,), dtype=jnp.float32)
    return {"x": x, "W": W, "b": b}

def reference(x, W, b):
    # scores = score_model(x): [B, N, OUT]
    scores = jnp.einsum('bni,oi->bno', x, W) + b
    # top-k and bottom-k along tile axis (dim=1)
    s = jnp.swapaxes(scores, 1, 2)  # [B, OUT, N]
    top_vals, _ = jax.lax.top_k(s, N_TOP)          # [B, OUT, n_top]
    bot_vals_neg, _ = jax.lax.top_k(-s, N_BOTTOM)  # [B, OUT, n_bottom]
    top = jnp.swapaxes(top_vals, 1, 2)             # [B, n_top, OUT]
    bottom = jnp.swapaxes(-bot_vals_neg, 1, 2)     # [B, n_bottom, OUT]
    extreme_scores = jnp.concatenate([top, bottom], axis=1)  # [B, n_top+n_bottom, OUT]
    output = jnp.mean(extreme_scores, axis=1).reshape(-1)    # [B*OUT]
    output = jax.nn.sigmoid(output)
    return output

if __name__ == "__main__":
    import jax
    _d = setup_inputs()
    print(jax.jit(kernel)(*tuple(_d.values())))

</pallas_src>

<mosaic_0001>
#map = affine_map<(d0, d1) -> (0)>
#map1 = affine_map<(d0, d1) -> (0, 0)>
module attributes {stable_mosaic.version = 14 : i64} {
  func.func @_sc_select_body(%arg0: i32, %arg1: i32, %arg2: memref<131072xf32, #tpu.memory_space<hbm>>, %arg3: memref<16x16xf32, #tpu.memory_space<hbm>>, %arg4: memref<8192xf32, #tpu.memory_space<vmem>>, %arg5: memref<16xf32, #tpu.memory_space<vmem>>) attributes {dimension_semantics = [#tpu.dimension_semantics<core_parallel>, #tpu.dimension_semantics<subcore_parallel>], iteration_bounds = array<i64: 2, 16>, scalar_prefetch = 0 : i64, scratch_operands = 2 : i64, tpu.core_type = #tpu.core_type<sc_vector_subcore>, window_params = [{transform_indices = #map}, {transform_indices = #map1}]} {
    %mul3A = arith.constant 16 : i32
    %mul3A_0 = arith.muli %arg0, %mul3A : i32
    %add3A = arith.addi %mul3A_0, %arg1 : i32
    %lt3A = arith.constant 16 : i32
    %lt3A_1 = arith.cmpi slt, %add3A, %lt3A : i32
    %convert_element_type3A = arith.extui %lt3A_1 : i1 to i32
    %cond3A = arith.constant 0 : i32
    %cond3A_2 = arith.cmpi ne, %convert_element_type3A, %cond3A : i32
    scf.if %cond3A_2 {
      %mul3A_3 = arith.constant 8192 : i32
      %mul3A_4 = arith.muli %add3A, %mul3A_3 : i32
      "tpu.region"() ({
        %run_scoped3A = tpu.sem_alloc : memref<!tpu.dma_semaphore, #tpu.memory_space<semaphore_mem>>
        %dma_start3A = tpu.memref_slice %arg2[%mul3A_4] : memref<131072xf32, #tpu.memory_space<hbm>> -> memref<8192xf32, #tpu.memory_space<hbm>>
        %dma_start3A_2263 = tpu.memref_slice %arg2[%mul3A_4] : memref<131072xf32, #tpu.memory_space<hbm>> -> memref<8192xf32, #tpu.memory_space<hbm>>
        tpu.enqueue_dma source(%dma_start3A_2263 : memref<8192xf32, #tpu.memory_space<hbm>>) target(%arg4 : memref<8192xf32, #tpu.memory_space<vmem>>) target_semaphore(%run_scoped3A : memref<!tpu.dma_semaphore, #tpu.memory_space<semaphore_mem>>)
        %dma_wait3A = tpu.memref_slice %arg2[%mul3A_4] : memref<131072xf32, #tpu.memory_space<hbm>> -> memref<8192xf32, #tpu.memory_space<hbm>>
        %dma_wait3A_2264 = tpu.memref_slice %arg2[%mul3A_4] : memref<131072xf32, #tpu.memory_space<hbm>> -> memref<8192xf32, #tpu.memory_space<hbm>>
        tpu.wait_dma2 semaphore(%run_scoped3A : memref<!tpu.dma_semaphore, #tpu.memory_space<semaphore_mem>>) src(%dma_wait3A_2264 : memref<8192xf32, #tpu.memory_space<hbm>>) dst(%arg4 : memref<8192xf32, #tpu.memory_space<vmem>>)
        tpu.yield
      }) : () -> ()
      %broadcast_in_dim3A = arith.constant 0xFF800000 : f32
      %broadcast_in_dim3A_5 = vector.broadcast %broadcast_in_dim3A : f32 to vector<16xf32>
      %broadcast_in_dim3A_6 = arith.constant 0x7F800000 : f32
      %broadcast_in_dim3A_7 = vector.broadcast %broadcast_in_dim3A_6 : f32 to vector<16xf32>
      %iota3A = tpu.iota {dimensions = array<i32: 0>} : vector<16xi32>
      %scan3A = arith.constant 0 : i32
      %scan3A_8 = arith.constant 512 : i32
      %scan3A_9 = arith.addi %scan3A, %scan3A_8 : i32
      %scan3A_10 = arith.constant 1 : i32
      %scan3A_11:20 = scf.for %scan3A_2263 = %scan3A to %scan3A_9 step %scan3A_10 iter_args(%scan3A_2264 = %broadcast_in_dim3A_5, %scan3A_2265 = %broadcast_in_dim3A_5, %scan3A_2266 = %broadcast_in_dim3A_5, %scan3A_2267 = %broadcast_in_dim3A_5, %scan3A_2268 = %broadcast_in_dim3A_5, %scan3A_2269 = %broadcast_in_dim3A_5, %scan3A_2270 = %broadcast_in_dim3A_5, %scan3A_2271 = %broadcast_in_dim3A_5, %scan3A_2272 = %broadcast_in_dim3A_5, %scan3A_2273 = %broadcast_in_dim3A_5, %scan3A_2274 = %broadcast_in_dim3A_7, %scan3A_2275 = %broadcast_in_dim3A_7, %scan3A_2276 = %broadcast_in_dim3A_7, %scan3A_2277 = %broadcast_in_dim3A_7, %scan3A_2278 = %broadcast_in_dim3A_7, %scan3A_2279 = %broadcast_in_dim3A_7, %scan3A_2280 = %broadcast_in_dim3A_7, %scan3A_2281 = %broadcast_in_dim3A_7, %scan3A_2282 = %broadcast_in_dim3A_7, %scan3A_2283 = %broadcast_in_dim3A_7) -> (vector<16xf32>, vector<16xf32>, vector<16xf32>, vector<16xf32>, vector<16xf32>, vector<16xf32>, vector<16xf32>, vector<16xf32>, vector<16xf32>, vector<16xf32>, vector<16xf32>, vector<16xf32>, vector<16xf32>, vector<16xf32>, vector<16xf32>, vector<16xf32>, vector<16xf32>, vector<16xf32>, vector<16xf32>, vector<16xf32>)  : i32 {
        %mul3A_2284 = arith.constant 16 : i32
        %mul3A_2285 = arith.muli %scan3A_2263, %mul3A_2284 : i32
        %multiple_of3A = tpu.assume_multiple %mul3A_2285, 16 : i32
        %get3A = arith.index_cast %multiple_of3A : i32 to index
        %get3A_2286 = tpu.vector_load %arg4[%get3A] {strides = array<i32>} : memref<8192xf32, #tpu.memory_space<vmem>>, vector<16xf32>,
        %get3A_2287 = vector.shape_cast %get3A_2286 : vector<16xf32> to vector<16xf32>
        %max3A = arith.maximumf %scan3A_2264, %get3A_2287 : vector<16xf32>
        %min3A = arith.minimumf %scan3A_2264, %get3A_2287 : vector<16xf32>
        %min3A_2288 = arith.minimumf %scan3A_2274, %get3A_2287 : vector<16xf32>
        %max3A_2289 = arith.maximumf %scan3A_2274, %get3A_2287 : vector<16xf32>
        %max3A_2290 = arith.maximumf %scan3A_2265, %min3A : vector<16xf32>
        %min3A_2291 = arith.minimumf %scan3A_2265, %min3A : vector<16xf32>
        %min3A_2292 = arith.minimumf %scan3A_2275, %max3A_2289 : vector<16xf32>
        %max3A_2293 = arith.maximumf %scan3A_2275, %max3A_2289 : vector<16xf32>
        %max3A_2294 = arith.maximumf %scan3A_2266, %min3A_2291 : vector<16xf32>
        %min3A_2295 = arith.minimumf %scan3A_2266, %min3A_2291 : vector<16xf32>
        %min3A_2296 = arith.minimumf %scan3A_2276, %max3A_2293 : vector<16xf32>
        %max3A_2297 = arith.maximumf %scan3A_2276, %max3A_2293 : vector<16xf32>
        %max3A_2298 = arith.maximumf %scan3A_2267, %min3A_2295 : vector<16xf32>
        %min3A_2299 = arith.minimumf %scan3A_2267, %min3A_2295 : vector<16xf32>
        %min3A_2300 = arith.minimumf %scan3A_2277, %max3A_2297 : vector<16xf32>
        %max3A_2301 = arith.maximumf %scan3A_2277, %max3A_2297 : vector<16xf32>
        %max3A_2302 = arith.maximumf %scan3A_2268, %min3A_2299 : vector<16xf32>
        %min3A_2303 = arith.minimumf %scan3A_2268, %min3A_2299 : vector<16xf32>
        %min3A_2304 = arith.minimumf %scan3A_2278, %max3A_2301 : vector<16xf32>
        %max3A_2305 = arith.maximumf %scan3A_2278, %max3A_2301 : vector<16xf32>
        %max3A_2306 = arith.maximumf %scan3A_2269, %min3A_2303 : vector<16xf32>
        %min3A_2307 = arith.minimumf %scan3A_2269, %min3A_2303 : vector<16xf32>
        %min3A_2308 = arith.minimumf %scan3A_2279, %max3A_2305 : vector<16xf32>
        %max3A_2309 = arith.maximumf %scan3A_2279, %max3A_2305 : vector<16xf32>
        %max3A_2310 = arith.maximumf %scan3A_2270, %min3A_2307 : vector<16xf32>
        %min3A_2311 = arith.minimumf %scan3A_2270, %min3A_2307 : vector<16xf32>
        %min3A_2312 = arith.minimumf %scan3A_2280, %max3A_2309 : vector<16xf32>
        %max3A_2313 = arith.maximumf %scan3A_2280, %max3A_2309 : vector<16xf32>
        %max3A_2314 = arith.maximumf %scan3A_2271, %min3A_2311 : vector<16xf32>
        %min3A_2315 = arith.minimumf %scan3A_2271, %min3A_2311 : vector<16xf32>
        %min3A_2316 = arith.minimumf %scan3A_2281, %max3A_2313 : vector<16xf32>
        %max3A_2317 = arith.maximumf %scan3A_2281, %max3A_2313 : vector<16xf32>
        %max3A_2318 = arith.maximumf %scan3A_2272, %min3A_2315 : vector<16xf32>
        %min3A_2319 = arith.minimumf %scan3A_2272, %min3A_2315 : vector<16xf32>
        %min3A_2320 = arith.minimumf %scan3A_2282, %max3A_2317 : vector<16xf32>
        %max3A_2321 = arith.maximumf %scan3A_2282, %max3A_2317 : vector<16xf32>
        %max3A_2322 = arith.maximumf %scan3A_2273, %min3A_2319 : vector<16xf32>
        %min3A_2323 = arith.minimumf %scan3A_2273, %min3A_2319 : vector<16xf32>
        %min3A_2324 = arith.minimumf %scan3A_2283, %max3A_2321 : vector<16xf32>
        %max3A_2325 = arith.maximumf %scan3A_2283, %max3A_2321 : vector<16xf32>
        scf.yield %max3A, %max3A_2290, %max3A_2294, %max3A_2298, %max3A_2302, %max3A_2306, %max3A_2310, %max3A_2314, %max3A_2318, %max3A_2322, %min3A_2288, %min3A_2292, %min3A_2296, %min3A_2300, %min3A_2304, %min3A_2308, %min3A_2312, %min3A_2316, %min3A_2320, %min3A_2324 : vector<16xf32>, vector<16xf32>, vector<16xf32>, vector<16xf32>, vector<16xf32>, vector<16xf32>, vector<16xf32>, vector<16xf32>, vector<16xf32>, vector<16xf32>, vector<16xf32>, vector<16xf32>, vector<16xf32>, vector<16xf32>, vector<16xf32>, vector<16xf32>, vector<16xf32>, vector<16xf32>, vector<16xf32>, vector<16xf32>
      }
      %scan3A_12 = arith.constant 512 : i32
      %slice3A = vector.extract_strided_slice %scan3A_11#0 {offsets = [0], sizes = [1], strides = [1]} : vector<16xf32> to vector<1xf32>
      %squeeze3A = vector.extract %slice3A[0] : f32 from vector<1xf32>
      %slice3A_13 = vector.extract_strided_slice %scan3A_11#10 {offsets = [0], sizes = [1], strides = [1]} : vector<16xf32> to vector<1xf32>
      %squeeze3A_14 = vector.extract %slice3A_13[0] : f32 from vector<1xf32>
      %gt3A = arith.constant 0xFF800000 : f32
      %gt3A_15 = arith.cmpf ogt, %squeeze3A, %gt3A : f32
      %lt3A_16 = arith.constant 0x7F800000 : f32
      %lt3A_17 = arith.cmpf olt, %squeeze3A_14, %lt3A_16 : f32
      %jit3A = arith.constant 0xFF800000 : f32
      %select_n3A = arith.select %gt3A_15, %squeeze3A, %jit3A : f32
      %jit3A_18 = arith.constant 0 : i32
      %jit3A_19 = arith.constant 0 : i32
      %select_n3A_20 = arith.select %gt3A_15, %jit3A_18, %jit3A_19 : i32
      %jit3A_21 = arith.constant 0x7F800000 : f32
      %select_n3A_22 = arith.select %lt3A_17, %squeeze3A_14, %jit3A_21 : f32
      %jit3A_23 = arith.constant 0 : i32
      %jit3A_24 = arith.constant 0 : i32
      %select_n3A_25 = arith.select %lt3A_17, %jit3A_23, %jit3A_24 : i32
      %slice3A_26 = vector.extract_strided_slice %scan3A_11#0 {offsets = [1], sizes = [1], strides = [1]} : vector<16xf32> to vector<1xf32>
      %squeeze3A_27 = vector.extract %slice3A_26[0] : f32 from vector<1xf32>
      %slice3A_28 = vector.extract_strided_slice %scan3A_11#10 {offsets = [1], sizes = [1], strides = [1]} : vector<16xf32> to vector<1xf32>
      %squeeze3A_29 = vector.extract %slice3A_28[0] : f32 from vector<1xf32>
      %gt3A_30 = arith.cmpf ogt, %squeeze3A_27, %select_n3A : f32
      %lt3A_31 = arith.cmpf olt, %squeeze3A_29, %select_n3A_22 : f32
      %select_n3A_32 = arith.select %gt3A_30, %squeeze3A_27, %select_n3A : f32
      %jit3A_33 = arith.constant 1 : i32
      %select_n3A_34 = arith.select %gt3A_30, %jit3A_33, %select_n3A_20 : i32
      %select_n3A_35 = arith.select %lt3A_31, %squeeze3A_29, %select_n3A_22 : f32
      %jit3A_36 = arith.constant 1 : i32
      %select_n3A_37 = arith.select %lt3A_31, %jit3A_36, %select_n3A_25 : i32
      %slice3A_38 = vector.extract_strided_slice %scan3A_11#0 {offsets = [2], sizes = [1], strides = [1]} : vector<16xf32> to vector<1xf32>
      %squeeze3A_39 = vector.extract %slice3A_38[0] : f32 from vector<1xf32>
      %slice3A_40 = vector.extract_strided_slice %scan3A_11#10 {offsets = [2], sizes = [1], strides = [1]} : vector<16xf32> to vector<1xf32>
      %squeeze3A_41 = vector.extract %slice3A_40[0] : f32 from vector<1xf32>
      %gt3A_42 = arith.cmpf ogt, %squeeze3A_39, %select_n3A_32 : f32
      %lt3A_43 = arith.cmpf olt, %squeeze3A_41, %select_n3A_35 : f32
      %select_n3A_44 = arith.select %gt3A_42, %squeeze3A_39, %select_n3A_32 : f32
      %jit3A_45 = arith.constant 2 : i32
      %select_n3A_46 = arith.select %gt3A_42, %jit3A_45, %select_n3A_34 : i32
      %select_n3A_47 = arith.select %lt3A_43, %squeeze3A_41, %select_n3A_35 : f32
      %jit3A_48 = arith.constant 2 : i32
      %select_n3A_49 = arith.select %lt3A_43, %jit3A_48, %select_n3A_37 : i32
      %slice3A_50 = vector.extract_strided_slice %scan3A_11#0 {offsets = [3], sizes = [1], strides = [1]} : vector<16xf32> to vector<1xf32>
      %squeeze3A_51 = vector.extract %slice3A_50[0] : f32 from vector<1xf32>
      %slice3A_52 = vector.extract_strided_slice %scan3A_11#10 {offsets = [3], sizes = [1], strides = [1]} : vector<16xf32> to vector<1xf32>
      %squeeze3A_53 = vector.extract %slice3A_52[0] : f32 from vector<1xf32>
      %gt3A_54 = arith.cmpf ogt, %squeeze3A_51, %select_n3A_44 : f32
      %lt3A_55 = arith.cmpf olt, %squeeze3A_53, %select_n3A_47 : f32
      %select_n3A_56 = arith.select %gt3A_54, %squeeze3A_51, %select_n3A_44 : f32
      %jit3A_57 = arith.constant 3 : i32
      %select_n3A_58 = arith.select %gt3A_54, %jit3A_57, %select_n3A_46 : i32
      %select_n3A_59 = arith.select %lt3A_55, %squeeze3A_53, %select_n3A_47 : f32
      %jit3A_60 = arith.constant 3 : i32
      %select_n3A_61 = arith.select %lt3A_55, %jit3A_60, %select_n3A_49 : i32
      %slice3A_62 = vector.extract_strided_slice %scan3A_11#0 {offsets = [4], sizes = [1], strides = [1]} : vector<16xf32> to vector<1xf32>
      %squeeze3A_63 = vector.extract %slice3A_62[0] : f32 from vector<1xf32>
      %slice3A_64 = vector.extract_strided_slice %scan3A_11#10 {offsets = [4], sizes = [1], strides = [1]} : vector<16xf32> to vector<1xf32>
      %squeeze3A_65 = vector.extract %slice3A_64[0] : f32 from vector<1xf32>
      %gt3A_66 = arith.cmpf ogt, %squeeze3A_63, %select_n3A_56 : f32
      %lt3A_67 = arith.cmpf olt, %squeeze3A_65, %select_n3A_59 : f32
      %select_n3A_68 = arith.select %gt3A_66, %squeeze3A_63, %select_n3A_56 : f32
      %jit3A_69 = arith.constant 4 : i32
      %select_n3A_70 = arith.select %gt3A_66, %jit3A_69, %select_n3A_58 : i32
      %select_n3A_71 = arith.select %lt3A_67, %squeeze3A_65, %select_n3A_59 : f32
      %jit3A_72 = arith.constant 4 : i32
      %select_n3A_73 = arith.select %lt3A_67, %jit3A_72, %select_n3A_61 : i32
      %slice3A_74 = vector.extract_strided_slice %scan3A_11#0 {offsets = [5], sizes = [1], strides = [1]} : vector<16xf32> to vector<1xf32>
      %squeeze3A_75 = vector.extract %slice3A_74[0] : f32 from vector<1xf32>
      %slice3A_76 = vector.extract_strided_slice %scan3A_11#10 {offsets = [5], sizes = [1], strides = [1]} : vector<16xf32> to vector<1xf32>
      %squeeze3A_77 = vector.extract %slice3A_76[0] : f32 from vector<1xf32>
      %gt3A_78 = arith.cmpf ogt, %squeeze3A_75, %select_n3A_68 : f32
      %lt3A_79 = arith.cmpf olt, %squeeze3A_77, %select_n3A_71 : f32
      %select_n3A_80 = arith.select %gt3A_78, %squeeze3A_75, %select_n3A_68 : f32
      %jit3A_81 = arith.constant 5 : i32
      %select_n3A_82 = arith.select %gt3A_78, %jit3A_81, %select_n3A_70 : i32
      %select_n3A_83 = arith.select %lt3A_79, %squeeze3A_77, %select_n3A_71 : f32
      %jit3A_84 = arith.constant 5 : i32
      %select_n3A_85 = arith.select %lt3A_79, %jit3A_84, %select_n3A_73 : i32
      %slice3A_86 = vector.extract_strided_slice %scan3A_11#0 {offsets = [6], sizes = [1], strides = [1]} : vector<16xf32> to vector<1xf32>
      %squeeze3A_87 = vector.extract %slice3A_86[0] : f32 from vector<1xf32>
      %slice3A_88 = vector.extract_strided_slice %scan3A_11#10 {offsets = [6], sizes = [1], strides = [1]} : vector<16xf32> to vector<1xf32>
      %squeeze3A_89 = vector.extract %slice3A_88[0] : f32 from vector<1xf32>
      %gt3A_90 = arith.cmpf ogt, %squeeze3A_87, %select_n3A_80 : f32
      %lt3A_91 = arith.cmpf olt, %squeeze3A_89, %select_n3A_83 : f32
      %select_n3A_92 = arith.select %gt3A_90, %squeeze3A_87, %select_n3A_80 : f32
      %jit3A_93 = arith.constant 6 : i32
      %select_n3A_94 = arith.select %gt3A_90, %jit3A_93, %select_n3A_82 : i32
      %select_n3A_95 = arith.select %lt3A_91, %squeeze3A_89, %select_n3A_83 : f32
      %jit3A_96 = arith.constant 6 : i32
      %select_n3A_97 = arith.select %lt3A_91, %jit3A_96, %select_n3A_85 : i32
      %slice3A_98 = vector.extract_strided_slice %scan3A_11#0 {offsets = [7], sizes = [1], strides = [1]} : vector<16xf32> to vector<1xf32>
      %squeeze3A_99 = vector.extract %slice3A_98[0] : f32 from vector<1xf32>
      %slice3A_100 = vector.extract_strided_slice %scan3A_11#10 {offsets = [7], sizes = [1], strides = [1]} : vector<16xf32> to vector<1xf32>
      %squeeze3A_101 = vector.extract %slice3A_100[0] : f32 from vector<1xf32>
      %gt3A_102 = arith.cmpf ogt, %squeeze3A_99, %select_n3A_92 : f32
      %lt3A_103 = arith.cmpf olt, %squeeze3A_101, %select_n3A_95 : f32
      %select_n3A_104 = arith.select %gt3A_102, %squeeze3A_99, %select_n3A_92 : f32
      %jit3A_105 = arith.constant 7 : i32
      %select_n3A_106 = arith.select %gt3A_102, %jit3A_105, %select_n3A_94 : i32
      %select_n3A_107 = arith.select %lt3A_103, %squeeze3A_101, %select_n3A_95 : f32
      %jit3A_108 = arith.constant 7 : i32
      %select_n3A_109 = arith.select %lt3A_103, %jit3A_108, %select_n3A_97 : i32
      %slice3A_110 = vector.extract_strided_slice %scan3A_11#0 {offsets = [8], sizes = [1], strides = [1]} : vector<16xf32> to vector<1xf32>
      %squeeze3A_111 = vector.extract %slice3A_110[0] : f32 from vector<1xf32>
      %slice3A_112 = vector.extract_strided_slice %scan3A_11#10 {offsets = [8], sizes = [1], strides = [1]} : vector<16xf32> to vector<1xf32>
      %squeeze3A_113 = vector.extract %slice3A_112[0] : f32 from vector<1xf32>
      %gt3A_114 = arith.cmpf ogt, %squeeze3A_111, %select_n3A_104 : f32
      %lt3A_115 = arith.cmpf olt, %squeeze3A_113, %select_n3A_107 : f32
      %select_n3A_116 = arith.select %gt3A_114, %squeeze3A_111, %select_n3A_104 : f32
      %jit3A_117 = arith.constant 8 : i32
      %select_n3A_118 = arith.select %gt3A_114, %jit3A_117, %select_n3A_106 : i32
      %select_n3A_119 = arith.select %lt3A_115, %squeeze3A_113, %select_n3A_107 : f32
      %jit3A_120 = arith.constant 8 : i32
      %select_n3A_121 = arith.select %lt3A_115, %jit3A_120, %select_n3A_109 : i32
      %slice3A_122 = vector.extract_strided_slice %scan3A_11#0 {offsets = [9], sizes = [1], strides = [1]} : vector<16xf32> to vector<1xf32>
      %squeeze3A_123 = vector.extract %slice3A_122[0] : f32 from vector<1xf32>
      %slice3A_124 = vector.extract_strided_slice %scan3A_11#10 {offsets = [9], sizes = [1], strides = [1]} : vector<16xf32> to vector<1xf32>
      %squeeze3A_125 = vector.extract %slice3A_124[0] : f32 from vector<1xf32>
      %gt3A_126 = arith.cmpf ogt, %squeeze3A_123, %select_n3A_116 : f32
      %lt3A_127 = arith.cmpf olt, %squeeze3A_125, %select_n3A_119 : f32
      %select_n3A_128 = arith.select %gt3A_126, %squeeze3A_123, %select_n3A_116 : f32
      %jit3A_129 = arith.constant 9 : i32
      %select_n3A_130 = arith.select %gt3A_126, %jit3A_129, %select_n3A_118 : i32
      %select_n3A_131 = arith.select %lt3A_127, %squeeze3A_125, %select_n3A_119 : f32
      %jit3A_132 = arith.constant 9 : i32
      %select_n3A_133 = arith.select %lt3A_127, %jit3A_132, %select_n3A_121 : i32
      %slice3A_134 = vector.extract_strided_slice %scan3A_11#0 {offsets = [10], sizes = [1], strides = [1]} : vector<16xf32> to vector<1xf32>
      %squeeze3A_135 = vector.extract %slice3A_134[0] : f32 from vector<1xf32>
      %slice3A_136 = vector.extract_strided_slice %scan3A_11#10 {offsets = [10], sizes = [1], strides = [1]} : vector<16xf32> to vector<1xf32>
      %squeeze3A_137 = vector.extract %slice3A_136[0] : f32 from vector<1xf32>
      %gt3A_138 = arith.cmpf ogt, %squeeze3A_135, %select_n3A_128 : f32
      %lt3A_139 = arith.cmpf olt, %squeeze3A_137, %select_n3A_131 : f32
      %select_n3A_140 = arith.select %gt3A_138, %squeeze3A_135, %select_n3A_128 : f32
      %jit3A_141 = arith.constant 10 : i32
      %select_n3A_142 = arith.select %gt3A_138, %jit3A_141, %select_n3A_130 : i32
      %select_n3A_143 = arith.select %lt3A_139, %squeeze3A_137, %select_n3A_131 : f32
      %jit3A_144 = arith.constant 10 : i32
      %select_n3A_145 = arith.select %lt3A_139, %jit3A_144, %select_n3A_133 : i32
      %slice3A_146 = vector.extract_strided_slice %scan3A_11#0 {offsets = [11], sizes = [1], strides = [1]} : vector<16xf32> to vector<1xf32>
      %squeeze3A_147 = vector.extract %slice3A_146[0] : f32 from vector<1xf32>
      %slice3A_148 = vector.extract_strided_slice %scan3A_11#10 {offsets = [11], sizes = [1], strides = [1]} : vector<16xf32> to vector<1xf32>
      %squeeze3A_149 = vector.extract %slice3A_148[0] : f32 from vector<1xf32>
      %gt3A_150 = arith.cmpf ogt, %squeeze3A_147, %select_n3A_140 : f32
      %lt3A_151 = arith.cmpf olt, %squeeze3A_149, %select_n3A_143 : f32
      %select_n3A_152 = arith.select %gt3A_150, %squeeze3A_147, %select_n3A_140 : f32
      %jit3A_153 = arith.constant 11 : i32
      %select_n3A_154 = arith.select %gt3A_150, %jit3A_153, %select_n3A_142 : i32
      %select_n3A_155 = arith.select %lt3A_151, %squeeze3A_149, %select_n3A_143 : f32
      %jit3A_156 = arith.constant 11 : i32
      %select_n3A_157 = arith.select %lt3A_151, %jit3A_156, %select_n3A_145 : i32
      %slice3A_158 = vector.extract_strided_slice %scan3A_11#0 {offsets = [12], sizes = [1], strides = [1]} : vector<16xf32> to vector<1xf32>
      %squeeze3A_159 = vector.extract %slice3A_158[0] : f32 from vector<1xf32>
      %slice3A_160 = vector.extract_strided_slice %scan3A_11#10 {offsets = [12], sizes = [1], strides = [1]} : vector<16xf32> to vector<1xf32>
      %squeeze3A_161 = vector.extract %slice3A_160[0] : f32 from vector<1xf32>
      %gt3A_162 = arith.cmpf ogt, %squeeze3A_159, %select_n3A_152 : f32
      %lt3A_163 = arith.cmpf olt, %squeeze3A_161, %select_n3A_155 : f32
      %select_n3A_164 = arith.select %gt3A_162, %squeeze3A_159, %select_n3A_152 : f32
      %jit3A_165 = arith.constant 12 : i32
      %select_n3A_166 = arith.select %gt3A_162, %jit3A_165, %select_n3A_154 : i32
      %select_n3A_167 = arith.select %lt3A_163, %squeeze3A_161, %select_n3A_155 : f32
      %jit3A_168 = arith.constant 12 : i32
      %select_n3A_169 = arith.select %lt3A_163, %jit3A_168, %select_n3A_157 : i32
      %slice3A_170 = vector.extract_strided_slice %scan3A_11#0 {offsets = [13], sizes = [1], strides = [1]} : vector<16xf32> to vector<1xf32>
      %squeeze3A_171 = vector.extract %slice3A_170[0] : f32 from vector<1xf32>
      %slice3A_172 = vector.extract_strided_slice %scan3A_11#10 {offsets = [13], sizes = [1], strides = [1]} : vector<16xf32> to vector<1xf32>
      %squeeze3A_173 = vector.extract %slice3A_172[0] : f32 from vector<1xf32>
      %gt3A_174 = arith.cmpf ogt, %squeeze3A_171, %select_n3A_164 : f32
      %lt3A_175 = arith.cmpf olt, %squeeze3A_173, %select_n3A_167 : f32
      %select_n3A_176 = arith.select %gt3A_174, %squeeze3A_171, %select_n3A_164 : f32
      %jit3A_177 = arith.constant 13 : i32
      %select_n3A_178 = arith.select %gt3A_174, %jit3A_177, %select_n3A_166 : i32
      %select_n3A_179 = arith.select %lt3A_175, %squeeze3A_173, %select_n3A_167 : f32
      %jit3A_180 = arith.constant 13 : i32
      %select_n3A_181 = arith.select %lt3A_175, %jit3A_180, %select_n3A_169 : i32
      %slice3A_182 = vector.extract_strided_slice %scan3A_11#0 {offsets = [14], sizes = [1], strides = [1]} : vector<16xf32> to vector<1xf32>
      %squeeze3A_183 = vector.extract %slice3A_182[0] : f32 from vector<1xf32>
      %slice3A_184 = vector.extract_strided_slice %scan3A_11#10 {offsets = [14], sizes = [1], strides = [1]} : vector<16xf32> to vector<1xf32>
      %squeeze3A_185 = vector.extract %slice3A_184[0] : f32 from vector<1xf32>
      %gt3A_186 = arith.cmpf ogt, %squeeze3A_183, %select_n3A_176 : f32
      %lt3A_187 = arith.cmpf olt, %squeeze3A_185, %select_n3A_179 : f32
      %select_n3A_188 = arith.select %gt3A_186, %squeeze3A_183, %select_n3A_176 : f32
      %jit3A_189 = arith.constant 14 : i32
      %select_n3A_190 = arith.select %gt3A_186, %jit3A_189, %select_n3A_178 : i32
      %select_n3A_191 = arith.select %lt3A_187, %squeeze3A_185, %select_n3A_179 : f32
      %jit3A_192 = arith.constant 14 : i32
      %select_n3A_193 = arith.select %lt3A_187, %jit3A_192, %select_n3A_181 : i32
      %slice3A_194 = vector.extract_strided_slice %scan3A_11#0 {offsets = [15], sizes = [1], strides = [1]} : vector<16xf32> to vector<1xf32>
      %squeeze3A_195 = vector.extract %slice3A_194[0] : f32 from vector<1xf32>
      %slice3A_196 = vector.extract_strided_slice %scan3A_11#10 {offsets = [15], sizes = [1], strides = [1]} : vector<16xf32> to vector<1xf32>
      %squeeze3A_197 = vector.extract %slice3A_196[0] : f32 from vector<1xf32>
      %gt3A_198 = arith.cmpf ogt, %squeeze3A_195, %select_n3A_188 : f32
      %lt3A_199 = arith.cmpf olt, %squeeze3A_197, %select_n3A_191 : f32
      %select_n3A_200 = arith.select %gt3A_198, %squeeze3A_195, %select_n3A_188 : f32
      %jit3A_201 = arith.constant 15 : i32
      %select_n3A_202 = arith.select %gt3A_198, %jit3A_201, %select_n3A_190 : i32
      %select_n3A_203 = arith.select %lt3A_199, %squeeze3A_197, %select_n3A_191 : f32
      %jit3A_204 = arith.constant 15 : i32
      %select_n3A_205 = arith.select %lt3A_199, %jit3A_204, %select_n3A_193 : i32
      %add3A_206 = arith.constant 0.000000e+00 : f32
      %add3A_207 = arith.addf %add3A_206, %select_n3A_200 : f32
      %add3A_208 = arith.constant 0.000000e+00 : f32
      %add3A_209 = arith.addf %add3A_208, %select_n3A_203 : f32
      %broadcast_in_dim3A_210 = vector.broadcast %select_n3A_202 : i32 to vector<16xi32>
      %eq3A = arith.cmpi eq, %iota3A, %broadcast_in_dim3A_210 : vector<16xi32>
      %broadcast_in_dim3A_211 = vector.broadcast %select_n3A_205 : i32 to vector<16xi32>
      %eq3A_212 = arith.cmpi eq, %iota3A, %broadcast_in_dim3A_211 : vector<16xi32>
      %select_n3A_213 = arith.select %eq3A, %scan3A_11#1, %scan3A_11#0 : vector<16xi1>, vector<16xf32>
      %select_n3A_214 = arith.select %eq3A_212, %scan3A_11#11, %scan3A_11#10 : vector<16xi1>, vector<16xf32>
      %select_n3A_215 = arith.select %eq3A, %scan3A_11#2, %scan3A_11#1 : vector<16xi1>, vector<16xf32>
      %select_n3A_216 = arith.select %eq3A_212, %scan3A_11#12, %scan3A_11#11 : vector<16xi1>, vector<16xf32>
      %select_n3A_217 = arith.select %eq3A, %scan3A_11#3, %scan3A_11#2 : vector<16xi1>, vector<16xf32>
      %select_n3A_218 = arith.select %eq3A_212, %scan3A_11#13, %scan3A_11#12 : vector<16xi1>, vector<16xf32>
      %select_n3A_219 = arith.select %eq3A, %scan3A_11#4, %scan3A_11#3 : vector<16xi1>, vector<16xf32>
      %select_n3A_220 = arith.select %eq3A_212, %scan3A_11#14, %scan3A_11#13 : vector<16xi1>, vector<16xf32>
      %select_n3A_221 = arith.select %eq3A, %scan3A_11#5, %scan3A_11#4 : vector<16xi1>, vector<16xf32>
      %select_n3A_222 = arith.select %eq3A_212, %scan3A_11#15, %scan3A_11#14 : vector<16xi1>, vector<16xf32>
      %select_n3A_223 = arith.select %eq3A, %scan3A_11#6, %scan3A_11#5 : vector<16xi1>, vector<16xf32>
      %select_n3A_224 = arith.select %eq3A_212, %scan3A_11#16, %scan3A_11#15 : vector<16xi1>, vector<16xf32>
      %select_n3A_225 = arith.select %eq3A, %scan3A_11#7, %scan3A_11#6 : vector<16xi1>, vector<16xf32>
      %select_n3A_226 = arith.select %eq3A_212, %scan3A_11#17, %scan3A_11#16 : vector<16xi1>, vector<16xf32>
      %select_n3A_227 = arith.select %eq3A, %scan3A_11#8, %scan3A_11#7 : vector<16xi1>, vector<16xf32>
      %select_n3A_228 = arith.select %eq3A_212, %scan3A_11#18, %scan3A_11#17 : vector<16xi1>, vector<16xf32>
      %select_n3A_229 = arith.select %eq3A, %scan3A_11#9, %scan3A_11#8 : vector<16xi1>, vector<16xf32>
      %select_n3A_230 = arith.select %eq3A_212, %scan3A_11#19, %scan3A_11#18 : vector<16xi1>, vector<16xf32>
      %select_n3A_231 = arith.select %eq3A, %broadcast_in_dim3A_5, %scan3A_11#9 : vector<16xi1>, vector<16xf32>
      %select_n3A_232 = arith.select %eq3A_212, %broadcast_in_dim3A_7, %scan3A_11#19 : vector<16xi1>, vector<16xf32>
      %slice3A_233 = vector.extract_strided_slice %select_n3A_213 {offsets = [0], sizes = [1], strides = [1]} : vector<16xf32> to vector<1xf32>
      %squeeze3A_234 = vector.extract %slice3A_233[0] : f32 from vector<1xf32>
      %slice3A_235 = vector.extract_strided_slice %select_n3A_214 {offsets = [0], sizes = [1], strides = [1]} : vector<16xf32> to vector<1xf32>
      %squeeze3A_236 = vector.extract %slice3A_235[0] : f32 from vector<1xf32>
      %gt3A_237 = arith.constant 0xFF800000 : f32
      %gt3A_238 = arith.cmpf ogt, %squeeze3A_234, %gt3A_237 : f32
      %lt3A_239 = arith.constant 0x7F800000 : f32
      %lt3A_240 = arith.cmpf olt, %squeeze3A_236, %lt3A_239 : f32
      %jit3A_241 = arith.constant 0xFF800000 : f32
      %select_n3A_242 = arith.select %gt3A_238, %squeeze3A_234, %jit3A_241 : f32
      %jit3A_243 = arith.constant 0 : i32
      %jit3A_244 = arith.constant 0 : i32
      %select_n3A_245 = arith.select %gt3A_238, %jit3A_243, %jit3A_244 : i32
      %jit3A_246 = arith.constant 0x7F800000 : f32
      %select_n3A_247 = arith.select %lt3A_240, %squeeze3A_236, %jit3A_246 : f32
      %jit3A_248 = arith.constant 0 : i32
      %jit3A_249 = arith.constant 0 : i32
      %select_n3A_250 = arith.select %lt3A_240, %jit3A_248, %jit3A_249 : i32
      %slice3A_251 = vector.extract_strided_slice %select_n3A_213 {offsets = [1], sizes = [1], strides = [1]} : vector<16xf32> to vector<1xf32>
      %squeeze3A_252 = vector.extract %slice3A_251[0] : f32 from vector<1xf32>
      %slice3A_253 = vector.extract_strided_slice %select_n3A_214 {offsets = [1], sizes = [1], strides = [1]} : vector<16xf32> to vector<1xf32>
      %squeeze3A_254 = vector.extract %slice3A_253[0] : f32 from vector<1xf32>
      %gt3A_255 = arith.cmpf ogt, %squeeze3A_252, %select_n3A_242 : f32
      %lt3A_256 = arith.cmpf olt, %squeeze3A_254, %select_n3A_247 : f32
      %select_n3A_257 = arith.select %gt3A_255, %squeeze3A_252, %select_n3A_242 : f32
      %jit3A_258 = arith.constant 1 : i32
      %select_n3A_259 = arith.select %gt3A_255, %jit3A_258, %select_n3A_245 : i32
      %select_n3A_260 = arith.select %lt3A_256, %squeeze3A_254, %select_n3A_247 : f32
      %jit3A_261 = arith.constant 1 : i32
      %select_n3A_262 = arith.select %lt3A_256, %jit3A_261, %select_n3A_250 : i32
      %slice3A_263 = vector.extract_strided_slice %select_n3A_213 {offsets = [2], sizes = [1], strides = [1]} : vector<16xf32> to vector<1xf32>
      %squeeze3A_264 = vector.extract %slice3A_263[0] : f32 from vector<1xf32>
      %slice3A_265 = vector.extract_strided_slice %select_n3A_214 {offsets = [2], sizes = [1], strides = [1]} : vector<16xf32> to vector<1xf32>
      %squeeze3A_266 = vector.extract %slice3A_265[0] : f32 from vector<1xf32>
      %gt3A_267 = arith.cmpf ogt, %squeeze3A_264, %select_n3A_257 : f32
      %lt3A_268 = arith.cmpf olt, %squeeze3A_266, %select_n3A_260 : f32
      %select_n3A_269 = arith.select %gt3A_267, %squeeze3A_264, %select_n3A_257 : f32
      %jit3A_270 = arith.constant 2 : i32
      %select_n3A_271 = arith.select %gt3A_267, %jit3A_270, %select_n3A_259 : i32
      %select_n3A_272 = arith.select %lt3A_268, %squeeze3A_266, %select_n3A_260 : f32
      %jit3A_273 = arith.constant 2 : i32
      %select_n3A_274 = arith.select %lt3A_268, %jit3A_273, %select_n3A_262 : i32
      %slice3A_275 = vector.extract_strided_slice %select_n3A_213 {offsets = [3], sizes = [1], strides = [1]} : vector<16xf32> to vector<1xf32>
      %squeeze3A_276 = vector.extract %slice3A_275[0] : f32 from vector<1xf32>
      %slice3A_277 = vector.extract_strided_slice %select_n3A_214 {offsets = [3], sizes = [1], strides = [1]} : vector<16xf32> to vector<1xf32>
      %squeeze3A_278 = vector.extract %slice3A_277[0] : f32 from vector<1xf32>
      %gt3A_279 = arith.cmpf ogt, %squeeze3A_276, %select_n3A_269 : f32
      %lt3A_280 = arith.cmpf olt, %squeeze3A_278, %select_n3A_272 : f32
      %select_n3A_281 = arith.select %gt3A_279, %squeeze3A_276, %select_n3A_269 : f32
      %jit3A_282 = arith.constant 3 : i32
      %select_n3A_283 = arith.select %gt3A_279, %jit3A_282, %select_n3A_271 : i32
      %select_n3A_284 = arith.select %lt3A_280, %squeeze3A_278, %select_n3A_272 : f32
      %jit3A_285 = arith.constant 3 : i32
      %select_n3A_286 = arith.select %lt3A_280, %jit3A_285, %select_n3A_274 : i32
      %slice3A_287 = vector.extract_strided_slice %select_n3A_213 {offsets = [4], sizes = [1], strides = [1]} : vector<16xf32> to vector<1xf32>
      %squeeze3A_288 = vector.extract %slice3A_287[0] : f32 from vector<1xf32>
      %slice3A_289 = vector.extract_strided_slice %select_n3A_214 {offsets = [4], sizes = [1], strides = [1]} : vector<16xf32> to vector<1xf32>
      %squeeze3A_290 = vector.extract %slice3A_289[0] : f32 from vector<1xf32>
      %gt3A_291 = arith.cmpf ogt, %squeeze3A_288, %select_n3A_281 : f32
      %lt3A_292 = arith.cmpf olt, %squeeze3A_290, %select_n3A_284 : f32
      %select_n3A_293 = arith.select %gt3A_291, %squeeze3A_288, %select_n3A_281 : f32
      %jit3A_294 = arith.constant 4 : i32
      %select_n3A_295 = arith.select %gt3A_291, %jit3A_294, %select_n3A_283 : i32
      %select_n3A_296 = arith.select %lt3A_292, %squeeze3A_290, %select_n3A_284 : f32
      %jit3A_297 = arith.constant 4 : i32
      %select_n3A_298 = arith.select %lt3A_292, %jit3A_297, %select_n3A_286 : i32
      %slice3A_299 = vector.extract_strided_slice %select_n3A_213 {offsets = [5], sizes = [1], strides = [1]} : vector<16xf32> to vector<1xf32>
      %squeeze3A_300 = vector.extract %slice3A_299[0] : f32 from vector<1xf32>
      %slice3A_301 = vector.extract_strided_slice %select_n3A_214 {offsets = [5], sizes = [1], strides = [1]} : vector<16xf32> to vector<1xf32>
      %squeeze3A_302 = vector.extract %slice3A_301[0] : f32 from vector<1xf32>
      %gt3A_303 = arith.cmpf ogt, %squeeze3A_300, %select_n3A_293 : f32
      %lt3A_304 = arith.cmpf olt, %squeeze3A_302, %select_n3A_296 : f32
      %select_n3A_305 = arith.select %gt3A_303, %squeeze3A_300, %select_n3A_293 : f32
      %jit3A_306 = arith.constant 5 : i32
      %select_n3A_307 = arith.select %gt3A_303, %jit3A_306, %select_n3A_295 : i32
      %select_n3A_308 = arith.select %lt3A_304, %squeeze3A_302, %select_n3A_296 : f32
      %jit3A_309 = arith.constant 5 : i32
      %select_n3A_310 = arith.select %lt3A_304, %jit3A_309, %select_n3A_298 : i32
      %slice3A_311 = vector.extract_strided_slice %select_n3A_213 {offsets = [6], sizes = [1], strides = [1]} : vector<16xf32> to vector<1xf32>
      %squeeze3A_312 = vector.extract %slice3A_311[0] : f32 from vector<1xf32>
      %slice3A_313 = vector.extract_strided_slice %select_n3A_214 {offsets = [6], sizes = [1], strides = [1]} : vector<16xf32> to vector<1xf32>
      %squeeze3A_314 = vector.extract %slice3A_313[0] : f32 from vector<1xf32>
      %gt3A_315 = arith.cmpf ogt, %squeeze3A_312, %select_n3A_305 : f32
      %lt3A_316 = arith.cmpf olt, %squeeze3A_314, %select_n3A_308 : f32
      %select_n3A_317 = arith.select %gt3A_315, %squeeze3A_312, %select_n3A_305 : f32
      %jit3A_318 = arith.constant 6 : i32
      %select_n3A_319 = arith.select %gt3A_315, %jit3A_318, %select_n3A_307 : i32
      %select_n3A_320 = arith.select %lt3A_316, %squeeze3A_314, %select_n3A_308 : f32
      %jit3A_321 = arith.constant 6 : i32
      %select_n3A_322 = arith.select %lt3A_316, %jit3A_321, %select_n3A_310 : i32
      %slice3A_323 = vector.extract_strided_slice %select_n3A_213 {offsets = [7], sizes = [1], strides = [1]} : vector<16xf32> to vector<1xf32>
      %squeeze3A_324 = vector.extract %slice3A_323[0] : f32 from vector<1xf32>
      %slice3A_325 = vector.extract_strided_slice %select_n3A_214 {offsets = [7], sizes = [1], strides = [1]} : vector<16xf32> to vector<1xf32>
      %squeeze3A_326 = vector.extract %slice3A_325[0] : f32 from vector<1xf32>
      %gt3A_327 = arith.cmpf ogt, %squeeze3A_324, %select_n3A_317 : f32
      %lt3A_328 = arith.cmpf olt, %squeeze3A_326, %select_n3A_320 : f32
      %select_n3A_329 = arith.select %gt3A_327, %squeeze3A_324, %select_n3A_317 : f32
      %jit3A_330 = arith.constant 7 : i32
      %select_n3A_331 = arith.select %gt3A_327, %jit3A_330, %select_n3A_319 : i32
      %select_n3A_332 = arith.select %lt3A_328, %squeeze3A_326, %select_n3A_320 : f32
      %jit3A_333 = arith.constant 7 : i32
      %select_n3A_334 = arith.select %lt3A_328, %jit3A_333, %select_n3A_322 : i32
      %slice3A_335 = vector.extract_strided_slice %select_n3A_213 {offsets = [8], sizes = [1], strides = [1]} : vector<16xf32> to vector<1xf32>
      %squeeze3A_336 = vector.extract %slice3A_335[0] : f32 from vector<1xf32>
      %slice3A_337 = vector.extract_strided_slice %select_n3A_214 {offsets = [8], sizes = [1], strides = [1]} : vector<16xf32> to vector<1xf32>
      %squeeze3A_338 = vector.extract %slice3A_337[0] : f32 from vector<1xf32>
      %gt3A_339 = arith.cmpf ogt, %squeeze3A_336, %select_n3A_329 : f32
      %lt3A_340 = arith.cmpf olt, %squeeze3A_338, %select_n3A_332 : f32
      %select_n3A_341 = arith.select %gt3A_339, %squeeze3A_336, %select_n3A_329 : f32
      %jit3A_342 = arith.constant 8 : i32
      %select_n3A_343 = arith.select %gt3A_339, %jit3A_342, %select_n3A_331 : i32
      %select_n3A_344 = arith.select %lt3A_340, %squeeze3A_338, %select_n3A_332 : f32
      %jit3A_345 = arith.constant 8 : i32
      %select_n3A_346 = arith.select %lt3A_340, %jit3A_345, %select_n3A_334 : i32
      %slice3A_347 = vector.extract_strided_slice %select_n3A_213 {offsets = [9], sizes = [1], strides = [1]} : vector<16xf32> to vector<1xf32>
      %squeeze3A_348 = vector.extract %slice3A_347[0] : f32 from vector<1xf32>
      %slice3A_349 = vector.extract_strided_slice %select_n3A_214 {offsets = [9], sizes = [1], strides = [1]} : vector<16xf32> to vector<1xf32>
      %squeeze3A_350 = vector.extract %slice3A_349[0] : f32 from vector<1xf32>
      %gt3A_351 = arith.cmpf ogt, %squeeze3A_348, %select_n3A_341 : f32
      %lt3A_352 = arith.cmpf olt, %squeeze3A_350, %select_n3A_344 : f32
      %select_n3A_353 = arith.select %gt3A_351, %squeeze3A_348, %select_n3A_341 : f32
      %jit3A_354 = arith.constant 9 : i32
      %select_n3A_355 = arith.select %gt3A_351, %jit3A_354, %select_n3A_343 : i32
      %select_n3A_356 = arith.select %lt3A_352, %squeeze3A_350, %select_n3A_344 : f32
      %jit3A_357 = arith.constant 9 : i32
      %select_n3A_358 = arith.select %lt3A_352, %jit3A_357, %select_n3A_346 : i32
      %slice3A_359 = vector.extract_strided_slice %select_n3A_213 {offsets = [10], sizes = [1], strides = [1]} : vector<16xf32> to vector<1xf32>
      %squeeze3A_360 = vector.extract %slice3A_359[0] : f32 from vector<1xf32>
      %slice3A_361 = vector.extract_strided_slice %select_n3A_214 {offsets = [10], sizes = [1], strides = [1]} : vector<16xf32> to vector<1xf32>
      %squeeze3A_362 = vector.extract %slice3A_361[0] : f32 from vector<1xf32>
      %gt3A_363 = arith.cmpf ogt, %squeeze3A_360, %select_n3A_353 : f32
      %lt3A_364 = arith.cmpf olt, %squeeze3A_362, %select_n3A_356 : f32
      %select_n3A_365 = arith.select %gt3A_363, %squeeze3A_360, %select_n3A_353 : f32
      %jit3A_366 = arith.constant 10 : i32
      %select_n3A_367 = arith.select %gt3A_363, %jit3A_366, %select_n3A_355 : i32
      %select_n3A_368 = arith.select %lt3A_364, %squeeze3A_362, %select_n3A_356 : f32
      %jit3A_369 = arith.constant 10 : i32
      %select_n3A_370 = arith.select %lt3A_364, %jit3A_369, %select_n3A_358 : i32
      %slice3A_371 = vector.extract_strided_slice %select_n3A_213 {offsets = [11], sizes = [1], strides = [1]} : vector<16xf32> to vector<1xf32>
      %squeeze3A_372 = vector.extract %slice3A_371[0] : f32 from vector<1xf32>
      %slice3A_373 = vector.extract_strided_slice %select_n3A_214 {offsets = [11], sizes = [1], strides = [1]} : vector<16xf32> to vector<1xf32>
      %squeeze3A_374 = vector.extract %slice3A_373[0] : f32 from vector<1xf32>
      %gt3A_375 = arith.cmpf ogt, %squeeze3A_372, %select_n3A_365 : f32
      %lt3A_376 = arith.cmpf olt, %squeeze3A_374, %select_n3A_368 : f32
      %select_n3A_377 = arith.select %gt3A_375, %squeeze3A_372, %select_n3A_365 : f32
      %jit3A_378 = arith.constant 11 : i32
      %select_n3A_379 = arith.select %gt3A_375, %jit3A_378, %select_n3A_367 : i32
      %select_n3A_380 = arith.select %lt3A_376, %squeeze3A_374, %select_n3A_368 : f32
      %jit3A_381 = arith.constant 11 : i32
      %select_n3A_382 = arith.select %lt3A_376, %jit3A_381, %select_n3A_370 : i32
      %slice3A_383 = vector.extract_strided_slice %select_n3A_213 {offsets = [12], sizes = [1], strides = [1]} : vector<16xf32> to vector<1xf32>
      %squeeze3A_384 = vector.extract %slice3A_383[0] : f32 from vector<1xf32>
      %slice3A_385 = vector.extract_strided_slice %select_n3A_214 {offsets = [12], sizes = [1], strides = [1]} : vector<16xf32> to vector<1xf32>
      %squeeze3A_386 = vector.extract %slice3A_385[0] : f32 from vector<1xf32>
      %gt3A_387 = arith.cmpf ogt, %squeeze3A_384, %select_n3A_377 : f32
      %lt3A_388 = arith.cmpf olt, %squeeze3A_386, %select_n3A_380 : f32
      %select_n3A_389 = arith.select %gt3A_387, %squeeze3A_384, %select_n3A_377 : f32
      %jit3A_390 = arith.constant 12 : i32
      %select_n3A_391 = arith.select %gt3A_387, %jit3A_390, %select_n3A_379 : i32
      %select_n3A_392 = arith.select %lt3A_388, %squeeze3A_386, %select_n3A_380 : f32
      %jit3A_393 = arith.constant 12 : i32
      %select_n3A_394 = arith.select %lt3A_388, %jit3A_393, %select_n3A_382 : i32
      %slice3A_395 = vector.extract_strided_slice %select_n3A_213 {offsets = [13], sizes = [1], strides = [1]} : vector<16xf32> to vector<1xf32>
      %squeeze3A_396 = vector.extract %slice3A_395[0] : f32 from vector<1xf32>
      %slice3A_397 = vector.extract_strided_slice %select_n3A_214 {offsets = [13], sizes = [1], strides = [1]} : vector<16xf32> to vector<1xf32>
      %squeeze3A_398 = vector.extract %slice3A_397[0] : f32 from vector<1xf32>
      %gt3A_399 = arith.cmpf ogt, %squeeze3A_396, %select_n3A_389 : f32
      %lt3A_400 = arith.cmpf olt, %squeeze3A_398, %select_n3A_392 : f32
      %select_n3A_401 = arith.select %gt3A_399, %squeeze3A_396, %select_n3A_389 : f32
      %jit3A_402 = arith.constant 13 : i32
      %select_n3A_403 = arith.select %gt3A_399, %jit3A_402, %select_n3A_391 : i32
      %select_n3A_404 = arith.select %lt3A_400, %squeeze3A_398, %select_n3A_392 : f32
      %jit3A_405 = arith.constant 13 : i32
      %select_n3A_406 = arith.select %lt3A_400, %jit3A_405, %select_n3A_394 : i32
      %slice3A_407 = vector.extract_strided_slice %select_n3A_213 {offsets = [14], sizes = [1], strides = [1]} : vector<16xf32> to vector<1xf32>
      %squeeze3A_408 = vector.extract %slice3A_407[0] : f32 from vector<1xf32>
      %slice3A_409 = vector.extract_strided_slice %select_n3A_214 {offsets = [14], sizes = [1], strides = [1]} : vector<16xf32> to vector<1xf32>
      %squeeze3A_410 = vector.extract %slice3A_409[0] : f32 from vector<1xf32>
      %gt3A_411 = arith.cmpf ogt, %squeeze3A_408, %select_n3A_401 : f32
      %lt3A_412 = arith.cmpf olt, %squeeze3A_410, %select_n3A_404 : f32
      %select_n3A_413 = arith.select %gt3A_411, %squeeze3A_408, %select_n3A_401 : f32
      %jit3A_414 = arith.constant 14 : i32
      %select_n3A_415 = arith.select %gt3A_411, %jit3A_414, %select_n3A_403 : i32
      %select_n3A_416 = arith.select %lt3A_412, %squeeze3A_410, %select_n3A_404 : f32
      %jit3A_417 = arith.constant 14 : i32
      %select_n3A_418 = arith.select %lt3A_412, %jit3A_417, %select_n3A_406 : i32
      %slice3A_419 = vector.extract_strided_slice %select_n3A_213 {offsets = [15], sizes = [1], strides = [1]} : vector<16xf32> to vector<1xf32>
      %squeeze3A_420 = vector.extract %slice3A_419[0] : f32 from vector<1xf32>
      %slice3A_421 = vector.extract_strided_slice %select_n3A_214 {offsets = [15], sizes = [1], strides = [1]} : vector<16xf32> to vector<1xf32>
      %squeeze3A_422 = vector.extract %slice3A_421[0] : f32 from vector<1xf32>
      %gt3A_423 = arith.cmpf ogt, %squeeze3A_420, %select_n3A_413 : f32
      %lt3A_424 = arith.cmpf olt, %squeeze3A_422, %select_n3A_416 : f32
      %select_n3A_425 = arith.select %gt3A_423, %squeeze3A_420, %select_n3A_413 : f32
      %jit3A_426 = arith.constant 15 : i32
      %select_n3A_427 = arith.select %gt3A_423, %jit3A_426, %select_n3A_415 : i32
      %select_n3A_428 = arith.select %lt3A_424, %squeeze3A_422, %select_n3A_416 : f32
      %jit3A_429 = arith.constant 15 : i32
      %select_n3A_430 = arith.select %lt3A_424, %jit3A_429, %select_n3A_418 : i32
      %add3A_431 = arith.addf %add3A_207, %select_n3A_425 : f32
      %add3A_432 = arith.addf %add3A_209, %select_n3A_428 : f32
      %broadcast_in_dim3A_433 = vector.broadcast %select_n3A_427 : i32 to vector<16xi32>
      %eq3A_434 = arith.cmpi eq, %iota3A, %broadcast_in_dim3A_433 : vector<16xi32>
      %broadcast_in_dim3A_435 = vector.broadcast %select_n3A_430 : i32 to vector<16xi32>
      %eq3A_436 = arith.cmpi eq, %iota3A, %broadcast_in_dim3A_435 : vector<16xi32>
      %select_n3A_437 = arith.select %eq3A_434, %select_n3A_215, %select_n3A_213 : vector<16xi1>, vector<16xf32>
      %select_n3A_438 = arith.select %eq3A_436, %select_n3A_216, %select_n3A_214 : vector<16xi1>, vector<16xf32>
      %select_n3A_439 = arith.select %eq3A_434, %select_n3A_217, %select_n3A_215 : vector<16xi1>, vector<16xf32>
      %select_n3A_440 = arith.select %eq3A_436, %select_n3A_218, %select_n3A_216 : vector<16xi1>, vector<16xf32>
      %select_n3A_441 = arith.select %eq3A_434, %select_n3A_219, %select_n3A_217 : vector<16xi1>, vector<16xf32>
      %select_n3A_442 = arith.select %eq3A_436, %select_n3A_220, %select_n3A_218 : vector<16xi1>, vector<16xf32>
      %select_n3A_443 = arith.select %eq3A_434, %select_n3A_221, %select_n3A_219 : vector<16xi1>, vector<16xf32>
      %select_n3A_444 = arith.select %eq3A_436, %select_n3A_222, %select_n3A_220 : vector<16xi1>, vector<16xf32>
      %select_n3A_445 = arith.select %eq3A_434, %select_n3A_223, %select_n3A_221 : vector<16xi1>, vector<16xf32>
      %select_n3A_446 = arith.select %eq3A_436, %select_n3A_224, %select_n3A_222 : vector<16xi1>, vector<16xf32>
      %select_n3A_447 = arith.select %eq3A_434, %select_n3A_225, %select_n3A_223 : vector<16xi1>, vector<16xf32>
      %select_n3A_448 = arith.select %eq3A_436, %select_n3A_226, %select_n3A_224 : vector<16xi1>, vector<16xf32>
      %select_n3A_449 = arith.select %eq3A_434, %select_n3A_227, %select_n3A_225 : vector<16xi1>, vector<16xf32>
      %select_n3A_450 = arith.select %eq3A_436, %select_n3A_228, %select_n3A_226 : vector<16xi1>, vector<16xf32>
      %select_n3A_451 = arith.select %eq3A_434, %select_n3A_229, %select_n3A_227 : vector<16xi1>, vector<16xf32>
      %select_n3A_452 = arith.select %eq3A_436, %select_n3A_230, %select_n3A_228 : vector<16xi1>, vector<16xf32>
      %select_n3A_453 = arith.select %eq3A_434, %select_n3A_231, %select_n3A_229 : vector<16xi1>, vector<16xf32>
      %select_n3A_454 = arith.select %eq3A_436, %select_n3A_232, %select_n3A_230 : vector<16xi1>, vector<16xf32>
      %select_n3A_455 = arith.select %eq3A_434, %broadcast_in_dim3A_5, %select_n3A_231 : vector<16xi1>, vector<16xf32>
      %select_n3A_456 = arith.select %eq3A_436, %broadcast_in_dim3A_7, %select_n3A_232 : vector<16xi1>, vector<16xf32>
      %slice3A_457 = vector.extract_strided_slice %select_n3A_437 {offsets = [0], sizes = [1], strides = [1]} : vector<16xf32> to vector<1xf32>
      %squeeze3A_458 = vector.extract %slice3A_457[0] : f32 from vector<1xf32>
      %slice3A_459 = vector.extract_strided_slice %select_n3A_438 {offsets = [0], sizes = [1], strides = [1]} : vector<16xf32> to vector<1xf32>
      %squeeze3A_460 = vector.extract %slice3A_459[0] : f32 from vector<1xf32>
      %gt3A_461 = arith.constant 0xFF800000 : f32
      %gt3A_462 = arith.cmpf ogt, %squeeze3A_458, %gt3A_461 : f32
      %lt3A_463 = arith.constant 0x7F800000 : f32
      %lt3A_464 = arith.cmpf olt, %squeeze3A_460, %lt3A_463 : f32
      %jit3A_465 = arith.constant 0xFF800000 : f32
      %select_n3A_466 = arith.select %gt3A_462, %squeeze3A_458, %jit3A_465 : f32
      %jit3A_467 = arith.constant 0 : i32
      %jit3A_468 = arith.constant 0 : i32
      %select_n3A_469 = arith.select %gt3A_462, %jit3A_467, %jit3A_468 : i32
      %jit3A_470 = arith.constant 0x7F800000 : f32
      %select_n3A_471 = arith.select %lt3A_464, %squeeze3A_460, %jit3A_470 : f32
      %jit3A_472 = arith.constant 0 : i32
      %jit3A_473 = arith.constant 0 : i32
      %select_n3A_474 = arith.select %lt3A_464, %jit3A_472, %jit3A_473 : i32
      %slice3A_475 = vector.extract_strided_slice %select_n3A_437 {offsets = [1], sizes = [1], strides = [1]} : vector<16xf32> to vector<1xf32>
      %squeeze3A_476 = vector.extract %slice3A_475[0] : f32 from vector<1xf32>
      %slice3A_477 = vector.extract_strided_slice %select_n3A_438 {offsets = [1], sizes = [1], strides = [1]} : vector<16xf32> to vector<1xf32>
      %squeeze3A_478 = vector.extract %slice3A_477[0] : f32 from vector<1xf32>
      %gt3A_479 = arith.cmpf ogt, %squeeze3A_476, %select_n3A_466 : f32
      %lt3A_480 = arith.cmpf olt, %squeeze3A_478, %select_n3A_471 : f32
      %select_n3A_481 = arith.select %gt3A_479, %squeeze3A_476, %select_n3A_466 : f32
      %jit3A_482 = arith.constant 1 : i32
      %select_n3A_483 = arith.select %gt3A_479, %jit3A_482, %select_n3A_469 : i32
      %select_n3A_484 = arith.select %lt3A_480, %squeeze3A_478, %select_n3A_471 : f32
      %jit3A_485 = arith.constant 1 : i32
      %select_n3A_486 = arith.select %lt3A_480, %jit3A_485, %select_n3A_474 : i32
      %slice3A_487 = vector.extract_strided_slice %select_n3A_437 {offsets = [2], sizes = [1], strides = [1]} : vector<16xf32> to vector<1xf32>
      %squeeze3A_488 = vector.extract %slice3A_487[0] : f32 from vector<1xf32>
      %slice3A_489 = vector.extract_strided_slice %select_n3A_438 {offsets = [2], sizes = [1], strides = [1]} : vector<16xf32> to vector<1xf32>
      %squeeze3A_490 = vector.extract %slice3A_489[0] : f32 from vector<1xf32>
      %gt3A_491 = arith.cmpf ogt, %squeeze3A_488, %select_n3A_481 : f32
      %lt3A_492 = arith.cmpf olt, %squeeze3A_490, %select_n3A_484 : f32
      %select_n3A_493 = arith.select %gt3A_491, %squeeze3A_488, %select_n3A_481 : f32
      %jit3A_494 = arith.constant 2 : i32
      %select_n3A_495 = arith.select %gt3A_491, %jit3A_494, %select_n3A_483 : i32
      %select_n3A_496 = arith.select %lt3A_492, %squeeze3A_490, %select_n3A_484 : f32
      %jit3A_497 = arith.constant 2 : i32
      %select_n3A_498 = arith.select %lt3A_492, %jit3A_497, %select_n3A_486 : i32
      %slice3A_499 = vector.extract_strided_slice %select_n3A_437 {offsets = [3], sizes = [1], strides = [1]} : vector<16xf32> to vector<1xf32>
      %squeeze3A_500 = vector.extract %slice3A_499[0] : f32 from vector<1xf32>
      %slice3A_501 = vector.extract_strided_slice %select_n3A_438 {offsets = [3], sizes = [1], strides = [1]} : vector<16xf32> to vector<1xf32>
      %squeeze3A_502 = vector.extract %slice3A_501[0] : f32 from vector<1xf32>
      %gt3A_503 = arith.cmpf ogt, %squeeze3A_500, %select_n3A_493 : f32
      %lt3A_504 = arith.cmpf olt, %squeeze3A_502, %select_n3A_496 : f32
      %select_n3A_505 = arith.select %gt3A_503, %squeeze3A_500, %select_n3A_493 : f32
      %jit3A_506 = arith.constant 3 : i32
      %select_n3A_507 = arith.select %gt3A_503, %jit3A_506, %select_n3A_495 : i32
      %select_n3A_508 = arith.select %lt3A_504, %squeeze3A_502, %select_n3A_496 : f32
      %jit3A_509 = arith.constant 3 : i32
      %select_n3A_510 = arith.select %lt3A_504, %jit3A_509, %select_n3A_498 : i32
      %slice3A_511 = vector.extract_strided_slice %select_n3A_437 {offsets = [4], sizes = [1], strides = [1]} : vector<16xf32> to vector<1xf32>
      %squeeze3A_512 = vector.extract %slice3A_511[0] : f32 from vector<1xf32>
      %slice3A_513 = vector.extract_strided_slice %select_n3A_438 {offsets = [4], sizes = [1], strides = [1]} : vector<16xf32> to vector<1xf32>
      %squeeze3A_514 = vector.extract %slice3A_513[0] : f32 from vector<1xf32>
      %gt3A_515 = arith.cmpf ogt, %squeeze3A_512, %select_n3A_505 : f32
      %lt3A_516 = arith.cmpf olt, %squeeze3A_514, %select_n3A_508 : f32
      %select_n3A_517 = arith.select %gt3A_515, %squeeze3A_512, %select_n3A_505 : f32
      %jit3A_518 = arith.constant 4 : i32
      %select_n3A_519 = arith.select %gt3A_515, %jit3A_518, %select_n3A_507 : i32
      %select_n3A_520 = arith.select %lt3A_516, %squeeze3A_514, %select_n3A_508 : f32
      %jit3A_521 = arith.constant 4 : i32
      %select_n3A_522 = arith.select %lt3A_516, %jit3A_521, %select_n3A_510 : i32
      %slice3A_523 = vector.extract_strided_slice %select_n3A_437 {offsets = [5], sizes = [1], strides = [1]} : vector<16xf32> to vector<1xf32>
      %squeeze3A_524 = vector.extract %slice3A_523[0] : f32 from vector<1xf32>
      %slice3A_525 = vector.extract_strided_slice %select_n3A_438 {offsets = [5], sizes = [1], strides = [1]} : vector<16xf32> to vector<1xf32>
      %squeeze3A_526 = vector.extract %slice3A_525[0] : f32 from vector<1xf32>
      %gt3A_527 = arith.cmpf ogt, %squeeze3A_524, %select_n3A_517 : f32
      %lt3A_528 = arith.cmpf olt, %squeeze3A_526, %select_n3A_520 : f32
      %select_n3A_529 = arith.select %gt3A_527, %squeeze3A_524, %select_n3A_517 : f32
      %jit3A_530 = arith.constant 5 : i32
      %select_n3A_531 = arith.select %gt3A_527, %jit3A_530, %select_n3A_519 : i32
      %select_n3A_532 = arith.select %lt3A_528, %squeeze3A_526, %select_n3A_520 : f32
      %jit3A_533 = arith.constant 5 : i32
      %select_n3A_534 = arith.select %lt3A_528, %jit3A_533, %select_n3A_522 : i32
      %slice3A_535 = vector.extract_strided_slice %select_n3A_437 {offsets = [6], sizes = [1], strides = [1]} : vector<16xf32> to vector<1xf32>
      %squeeze3A_536 = vector.extract %slice3A_535[0] : f32 from vector<1xf32>
      %slice3A_537 = vector.extract_strided_slice %select_n3A_438 {offsets = [6], sizes = [1], strides = [1]} : vector<16xf32> to vector<1xf32>
      %squeeze3A_538 = vector.extract %slice3A_537[0] : f32 from vector<1xf32>
      %gt3A_539 = arith.cmpf ogt, %squeeze3A_536, %select_n3A_529 : f32
      %lt3A_540 = arith.cmpf olt, %squeeze3A_538, %select_n3A_532 : f32
      %select_n3A_541 = arith.select %gt3A_539, %squeeze3A_536, %select_n3A_529 : f32
      %jit3A_542 = arith.constant 6 : i32
      %select_n3A_543 = arith.select %gt3A_539, %jit3A_542, %select_n3A_531 : i32
      %select_n3A_544 = arith.select %lt3A_540, %squeeze3A_538, %select_n3A_532 : f32
      %jit3A_545 = arith.constant 6 : i32
      %select_n3A_546 = arith.select %lt3A_540, %jit3A_545, %select_n3A_534 : i32
      %slice3A_547 = vector.extract_strided_slice %select_n3A_437 {offsets = [7], sizes = [1], strides = [1]} : vector<16xf32> to vector<1xf32>
      %squeeze3A_548 = vector.extract %slice3A_547[0] : f32 from vector<1xf32>
      %slice3A_549 = vector.extract_strided_slice %select_n3A_438 {offsets = [7], sizes = [1], strides = [1]} : vector<16xf32> to vector<1xf32>
      %squeeze3A_550 = vector.extract %slice3A_549[0] : f32 from vector<1xf32>
      %gt3A_551 = arith.cmpf ogt, %squeeze3A_548, %select_n3A_541 : f32
      %lt3A_552 = arith.cmpf olt, %squeeze3A_550, %select_n3A_544 : f32
      %select_n3A_553 = arith.select %gt3A_551, %squeeze3A_548, %select_n3A_541 : f32
      %jit3A_554 = arith.constant 7 : i32
      %select_n3A_555 = arith.select %gt3A_551, %jit3A_554, %select_n3A_543 : i32
      %select_n3A_556 = arith.select %lt3A_552, %squeeze3A_550, %select_n3A_544 : f32
      %jit3A_557 = arith.constant 7 : i32
      %select_n3A_558 = arith.select %lt3A_552, %jit3A_557, %select_n3A_546 : i32
      %slice3A_559 = vector.extract_strided_slice %select_n3A_437 {offsets = [8], sizes = [1], strides = [1]} : vector<16xf32> to vector<1xf32>
      %squeeze3A_560 = vector.extract %slice3A_559[0] : f32 from vector<1xf32>
      %slice3A_561 = vector.extract_strided_slice %select_n3A_438 {offsets = [8], sizes = [1], strides = [1]} : vector<16xf32> to vector<1xf32>
      %squeeze3A_562 = vector.extract %slice3A_561[0] : f32 from vector<1xf32>
      %gt3A_563 = arith.cmpf ogt, %squeeze3A_560, %select_n3A_553 : f32
      %lt3A_564 = arith.cmpf olt, %squeeze3A_562, %select_n3A_556 : f32
      %select_n3A_565 = arith.select %gt3A_563, %squeeze3A_560, %select_n3A_553 : f32
      %jit3A_566 = arith.constant 8 : i32
      %select_n3A_567 = arith.select %gt3A_563, %jit3A_566, %select_n3A_555 : i32
      %select_n3A_568 = arith.select %lt3A_564, %squeeze3A_562, %select_n3A_556 : f32
      %jit3A_569 = arith.constant 8 : i32
      %select_n3A_570 = arith.select %lt3A_564, %jit3A_569, %select_n3A_558 : i32
      %slice3A_571 = vector.extract_strided_slice %select_n3A_437 {offsets = [9], sizes = [1], strides = [1]} : vector<16xf32> to vector<1xf32>
      %squeeze3A_572 = vector.extract %slice3A_571[0] : f32 from vector<1xf32>
      %slice3A_573 = vector.extract_strided_slice %select_n3A_438 {offsets = [9], sizes = [1], strides = [1]} : vector<16xf32> to vector<1xf32>
      %squeeze3A_574 = vector.extract %slice3A_573[0] : f32 from vector<1xf32>
      %gt3A_575 = arith.cmpf ogt, %squeeze3A_572, %select_n3A_565 : f32
      %lt3A_576 = arith.cmpf olt, %squeeze3A_574, %select_n3A_568 : f32
      %select_n3A_577 = arith.select %gt3A_575, %squeeze3A_572, %select_n3A_565 : f32
      %jit3A_578 = arith.constant 9 : i32
      %select_n3A_579 = arith.select %gt3A_575, %jit3A_578, %select_n3A_567 : i32
      %select_n3A_580 = arith.select %lt3A_576, %squeeze3A_574, %select_n3A_568 : f32
      %jit3A_581 = arith.constant 9 : i32
      %select_n3A_582 = arith.select %lt3A_576, %jit3A_581, %select_n3A_570 : i32
      %slice3A_583 = vector.extract_strided_slice %select_n3A_437 {offsets = [10], sizes = [1], strides = [1]} : vector<16xf32> to vector<1xf32>
      %squeeze3A_584 = vector.extract %slice3A_583[0] : f32 from vector<1xf32>
      %slice3A_585 = vector.extract_strided_slice %select_n3A_438 {offsets = [10], sizes = [1], strides = [1]} : vector<16xf32> to vector<1xf32>
      %squeeze3A_586 = vector.extract %slice3A_585[0] : f32 from vector<1xf32>
      %gt3A_587 = arith.cmpf ogt, %squeeze3A_584, %select_n3A_577 : f32
      %lt3A_588 = arith.cmpf olt, %squeeze3A_586, %select_n3A_580 : f32
      %select_n3A_589 = arith.select %gt3A_587, %squeeze3A_584, %select_n3A_577 : f32
      %jit3A_590 = arith.constant 10 : i32
      %select_n3A_591 = arith.select %gt3A_587, %jit3A_590, %select_n3A_579 : i32
      %select_n3A_592 = arith.select %lt3A_588, %squeeze3A_586, %select_n3A_580 : f32
      %jit3A_593 = arith.constant 10 : i32
      %select_n3A_594 = arith.select %lt3A_588, %jit3A_593, %select_n3A_582 : i32
      %slice3A_595 = vector.extract_strided_slice %select_n3A_437 {offsets = [11], sizes = [1], strides = [1]} : vector<16xf32> to vector<1xf32>
      %squeeze3A_596 = vector.extract %slice3A_595[0] : f32 from vector<1xf32>
      %slice3A_597 = vector.extract_strided_slice %select_n3A_438 {offsets = [11], sizes = [1], strides = [1]} : vector<16xf32> to vector<1xf32>
      %squeeze3A_598 = vector.extract %slice3A_597[0] : f32 from vector<1xf32>
      %gt3A_599 = arith.cmpf ogt, %squeeze3A_596, %select_n3A_589 : f32
      %lt3A_600 = arith.cmpf olt, %squeeze3A_598, %select_n3A_592 : f32
      %select_n3A_601 = arith.select %gt3A_599, %squeeze3A_596, %select_n3A_589 : f32
      %jit3A_602 = arith.constant 11 : i32
      %select_n3A_603 = arith.select %gt3A_599, %jit3A_602, %select_n3A_591 : i32
      %select_n3A_604 = arith.select %lt3A_600, %squeeze3A_598, %select_n3A_592 : f32
      %jit3A_605 = arith.constant 11 : i32
      %select_n3A_606 = arith.select %lt3A_600, %jit3A_605, %select_n3A_594 : i32
      %slice3A_607 = vector.extract_strided_slice %select_n3A_437 {offsets = [12], sizes = [1], strides = [1]} : vector<16xf32> to vector<1xf32>
      %squeeze3A_608 = vector.extract %slice3A_607[0] : f32 from vector<1xf32>
      %slice3A_609 = vector.extract_strided_slice %select_n3A_438 {offsets = [12], sizes = [1], strides = [1]} : vector<16xf32> to vector<1xf32>
      %squeeze3A_610 = vector.extract %slice3A_609[0] : f32 from vector<1xf32>
      %gt3A_611 = arith.cmpf ogt, %squeeze3A_608, %select_n3A_601 : f32
      %lt3A_612 = arith.cmpf olt, %squeeze3A_610, %select_n3A_604 : f32
      %select_n3A_613 = arith.select %gt3A_611, %squeeze3A_608, %select_n3A_601 : f32
      %jit3A_614 = arith.constant 12 : i32
      %select_n3A_615 = arith.select %gt3A_611, %jit3A_614, %select_n3A_603 : i32
      %select_n3A_616 = arith.select %lt3A_612, %squeeze3A_610, %select_n3A_604 : f32
      %jit3A_617 = arith.constant 12 : i32
      %select_n3A_618 = arith.select %lt3A_612, %jit3A_617, %select_n3A_606 : i32
      %slice3A_619 = vector.extract_strided_slice %select_n3A_437 {offsets = [13], sizes = [1], strides = [1]} : vector<16xf32> to vector<1xf32>
      %squeeze3A_620 = vector.extract %slice3A_619[0] : f32 from vector<1xf32>
      %slice3A_621 = vector.extract_strided_slice %select_n3A_438 {offsets = [13], sizes = [1], strides = [1]} : vector<16xf32> to vector<1xf32>
      %squeeze3A_622 = vector.extract %slice3A_621[0] : f32 from vector<1xf32>
      %gt3A_623 = arith.cmpf ogt, %squeeze3A_620, %select_n3A_613 : f32
      %lt3A_624 = arith.cmpf olt, %squeeze3A_622, %select_n3A_616 : f32
      %select_n3A_625 = arith.select %gt3A_623, %squeeze3A_620, %select_n3A_613 : f32
      %jit3A_626 = arith.constant 13 : i32
      %select_n3A_627 = arith.select %gt3A_623, %jit3A_626, %select_n3A_615 : i32
      %select_n3A_628 = arith.select %lt3A_624, %squeeze3A_622, %select_n3A_616 : f32
      %jit3A_629 = arith.constant 13 : i32
      %select_n3A_630 = arith.select %lt3A_624, %jit3A_629, %select_n3A_618 : i32
      %slice3A_631 = vector.extract_strided_slice %select_n3A_437 {offsets = [14], sizes = [1], strides = [1]} : vector<16xf32> to vector<1xf32>
      %squeeze3A_632 = vector.extract %slice3A_631[0] : f32 from vector<1xf32>
      %slice3A_633 = vector.extract_strided_slice %select_n3A_438 {offsets = [14], sizes = [1], strides = [1]} : vector<16xf32> to vector<1xf32>
      %squeeze3A_634 = vector.extract %slice3A_633[0] : f32 from vector<1xf32>
      %gt3A_635 = arith.cmpf ogt, %squeeze3A_632, %select_n3A_625 : f32
      %lt3A_636 = arith.cmpf olt, %squeeze3A_634, %select_n3A_628 : f32
      %select_n3A_637 = arith.select %gt3A_635, %squeeze3A_632, %select_n3A_625 : f32
      %jit3A_638 = arith.constant 14 : i32
      %select_n3A_639 = arith.select %gt3A_635, %jit3A_638, %select_n3A_627 : i32
      %select_n3A_640 = arith.select %lt3A_636, %squeeze3A_634, %select_n3A_628 : f32
      %jit3A_641 = arith.constant 14 : i32
      %select_n3A_642 = arith.select %lt3A_636, %jit3A_641, %select_n3A_630 : i32
      %slice3A_643 = vector.extract_strided_slice %select_n3A_437 {offsets = [15], sizes = [1], strides = [1]} : vector<16xf32> to vector<1xf32>
      %squeeze3A_644 = vector.extract %slice3A_643[0] : f32 from vector<1xf32>
      %slice3A_645 = vector.extract_strided_slice %select_n3A_438 {offsets = [15], sizes = [1], strides = [1]} : vector<16xf32> to vector<1xf32>
      %squeeze3A_646 = vector.extract %slice3A_645[0] : f32 from vector<1xf32>
      %gt3A_647 = arith.cmpf ogt, %squeeze3A_644, %select_n3A_637 : f32
      %lt3A_648 = arith.cmpf olt, %squeeze3A_646, %select_n3A_640 : f32
      %select_n3A_649 = arith.select %gt3A_647, %squeeze3A_644, %select_n3A_637 : f32
      %jit3A_650 = arith.constant 15 : i32
      %select_n3A_651 = arith.select %gt3A_647, %jit3A_650, %select_n3A_639 : i32
      %select_n3A_652 = arith.select %lt3A_648, %squeeze3A_646, %select_n3A_640 : f32
      %jit3A_653 = arith.constant 15 : i32
      %select_n3A_654 = arith.select %lt3A_648, %jit3A_653, %select_n3A_642 : i32
      %add3A_655 = arith.addf %add3A_431, %select_n3A_649 : f32
      %add3A_656 = arith.addf %add3A_432, %select_n3A_652 : f32
      %broadcast_in_dim3A_657 = vector.broadcast %select_n3A_651 : i32 to vector<16xi32>
      %eq3A_658 = arith.cmpi eq, %iota3A, %broadcast_in_dim3A_657 : vector<16xi32>
      %broadcast_in_dim3A_659 = vector.broadcast %select_n3A_654 : i32 to vector<16xi32>
      %eq3A_660 = arith.cmpi eq, %iota3A, %broadcast_in_dim3A_659 : vector<16xi32>
      %select_n3A_661 = arith.select %eq3A_658, %select_n3A_439, %select_n3A_437 : vector<16xi1>, vector<16xf32>
      %select_n3A_662 = arith.select %eq3A_660, %select_n3A_440, %select_n3A_438 : vector<16xi1>, vector<16xf32>
      %select_n3A_663 = arith.select %eq3A_658, %select_n3A_441, %select_n3A_439 : vector<16xi1>, vector<16xf32>
      %select_n3A_664 = arith.select %eq3A_660, %select_n3A_442, %select_n3A_440 : vector<16xi1>, vector<16xf32>
      %select_n3A_665 = arith.select %eq3A_658, %select_n3A_443, %select_n3A_441 : vector<16xi1>, vector<16xf32>
      %select_n3A_666 = arith.select %eq3A_660, %select_n3A_444, %select_n3A_442 : vector<16xi1>, vector<16xf32>
      %select_n3A_667 = arith.select %eq3A_658, %select_n3A_445, %select_n3A_443 : vector<16xi1>, vector<16xf32>
      %select_n3A_668 = arith.select %eq3A_660, %select_n3A_446, %select_n3A_444 : vector<16xi1>, vector<16xf32>
      %select_n3A_669 = arith.select %eq3A_658, %select_n3A_447, %select_n3A_445 : vector<16xi1>, vector<16xf32>
      %select_n3A_670 = arith.select %eq3A_660, %select_n3A_448, %select_n3A_446 : vector<16xi1>, vector<16xf32>
      %select_n3A_671 = arith.select %eq3A_658, %select_n3A_449, %select_n3A_447 : vector<16xi1>, vector<16xf32>
      %select_n3A_672 = arith.select %eq3A_660, %select_n3A_450, %select_n3A_448 : vector<16xi1>, vector<16xf32>
      %select_n3A_673 = arith.select %eq3A_658, %select_n3A_451, %select_n3A_449 : vector<16xi1>, vector<16xf32>
      %select_n3A_674 = arith.select %eq3A_660, %select_n3A_452, %select_n3A_450 : vector<16xi1>, vector<16xf32>
      %select_n3A_675 = arith.select %eq3A_658, %select_n3A_453, %select_n3A_451 : vector<16xi1>, vector<16xf32>
      %select_n3A_676 = arith.select %eq3A_660, %select_n3A_454, %select_n3A_452 : vector<16xi1>, vector<16xf32>
      %select_n3A_677 = arith.select %eq3A_658, %select_n3A_455, %select_n3A_453 : vector<16xi1>, vector<16xf32>
      %select_n3A_678 = arith.select %eq3A_660, %select_n3A_456, %select_n3A_454 : vector<16xi1>, vector<16xf32>
      %select_n3A_679 = arith.select %eq3A_658, %broadcast_in_dim3A_5, %select_n3A_455 : vector<16xi1>, vector<16xf32>
      %select_n3A_680 = arith.select %eq3A_660, %broadcast_in_dim3A_7, %select_n3A_456 : vector<16xi1>, vector<16xf32>
      %slice3A_681 = vector.extract_strided_slice %select_n3A_661 {offsets = [0], sizes = [1], strides = [1]} : vector<16xf32> to vector<1xf32>
      %squeeze3A_682 = vector.extract %slice3A_681[0] : f32 from vector<1xf32>
      %slice3A_683 = vector.extract_strided_slice %select_n3A_662 {offsets = [0], sizes = [1], strides = [1]} : vector<16xf32> to vector<1xf32>
      %squeeze3A_684 = vector.extract %slice3A_683[0] : f32 from vector<1xf32>
      %gt3A_685 = arith.constant 0xFF800000 : f32
      %gt3A_686 = arith.cmpf ogt, %squeeze3A_682, %gt3A_685 : f32
      %lt3A_687 = arith.constant 0x7F800000 : f32
      %lt3A_688 = arith.cmpf olt, %squeeze3A_684, %lt3A_687 : f32
      %jit3A_689 = arith.constant 0xFF800000 : f32
      %select_n3A_690 = arith.select %gt3A_686, %squeeze3A_682, %jit3A_689 : f32
      %jit3A_691 = arith.constant 0 : i32
      %jit3A_692 = arith.constant 0 : i32
      %select_n3A_693 = arith.select %gt3A_686, %jit3A_691, %jit3A_692 : i32
      %jit3A_694 = arith.constant 0x7F800000 : f32
      %select_n3A_695 = arith.select %lt3A_688, %squeeze3A_684, %jit3A_694 : f32
      %jit3A_696 = arith.constant 0 : i32
      %jit3A_697 = arith.constant 0 : i32
      %select_n3A_698 = arith.select %lt3A_688, %jit3A_696, %jit3A_697 : i32
      %slice3A_699 = vector.extract_strided_slice %select_n3A_661 {offsets = [1], sizes = [1], strides = [1]} : vector<16xf32> to vector<1xf32>
      %squeeze3A_700 = vector.extract %slice3A_699[0] : f32 from vector<1xf32>
      %slice3A_701 = vector.extract_strided_slice %select_n3A_662 {offsets = [1], sizes = [1], strides = [1]} : vector<16xf32> to vector<1xf32>
      %squeeze3A_702 = vector.extract %slice3A_701[0] : f32 from vector<1xf32>
      %gt3A_703 = arith.cmpf ogt, %squeeze3A_700, %select_n3A_690 : f32
      %lt3A_704 = arith.cmpf olt, %squeeze3A_702, %select_n3A_695 : f32
      %select_n3A_705 = arith.select %gt3A_703, %squeeze3A_700, %select_n3A_690 : f32
      %jit3A_706 = arith.constant 1 : i32
      %select_n3A_707 = arith.select %gt3A_703, %jit3A_706, %select_n3A_693 : i32
      %select_n3A_708 = arith.select %lt3A_704, %squeeze3A_702, %select_n3A_695 : f32
      %jit3A_709 = arith.constant 1 : i32
      %select_n3A_710 = arith.select %lt3A_704, %jit3A_709, %select_n3A_698 : i32
      %slice3A_711 = vector.extract_strided_slice %select_n3A_661 {offsets = [2], sizes = [1], strides = [1]} : vector<16xf32> to vector<1xf32>
      %squeeze3A_712 = vector.extract %slice3A_711[0] : f32 from vector<1xf32>
      %slice3A_713 = vector.extract_strided_slice %select_n3A_662 {offsets = [2], sizes = [1], strides = [1]} : vector<16xf32> to vector<1xf32>
      %squeeze3A_714 = vector.extract %slice3A_713[0] : f32 from vector<1xf32>
      %gt3A_715 = arith.cmpf ogt, %squeeze3A_712, %select_n3A_705 : f32
      %lt3A_716 = arith.cmpf olt, %squeeze3A_714, %select_n3A_708 : f32
      %select_n3A_717 = arith.select %gt3A_715, %squeeze3A_712, %select_n3A_705 : f32
      %jit3A_718 = arith.constant 2 : i32
      %select_n3A_719 = arith.select %gt3A_715, %jit3A_718, %select_n3A_707 : i32
      %select_n3A_720 = arith.select %lt3A_716, %squeeze3A_714, %select_n3A_708 : f32
      %jit3A_721 = arith.constant 2 : i32
      %select_n3A_722 = arith.select %lt3A_716, %jit3A_721, %select_n3A_710 : i32
      %slice3A_723 = vector.extract_strided_slice %select_n3A_661 {offsets = [3], sizes = [1], strides = [1]} : vector<16xf32> to vector<1xf32>
      %squeeze3A_724 = vector.extract %slice3A_723[0] : f32 from vector<1xf32>
      %slice3A_725 = vector.extract_strided_slice %select_n3A_662 {offsets = [3], sizes = [1], strides = [1]} : vector<16xf32> to vector<1xf32>
      %squeeze3A_726 = vector.extract %slice3A_725[0] : f32 from vector<1xf32>
      %gt3A_727 = arith.cmpf ogt, %squeeze3A_724, %select_n3A_717 : f32
      %lt3A_728 = arith.cmpf olt, %squeeze3A_726, %select_n3A_720 : f32
      %select_n3A_729 = arith.select %gt3A_727, %squeeze3A_724, %select_n3A_717 : f32
      %jit3A_730 = arith.constant 3 : i32
      %select_n3A_731 = arith.select %gt3A_727, %jit3A_730, %select_n3A_719 : i32
      %select_n3A_732 = arith.select %lt3A_728, %squeeze3A_726, %select_n3A_720 : f32
      %jit3A_733 = arith.constant 3 : i32
      %select_n3A_734 = arith.select %lt3A_728, %jit3A_733, %select_n3A_722 : i32
      %slice3A_735 = vector.extract_strided_slice %select_n3A_661 {offsets = [4], sizes = [1], strides = [1]} : vector<16xf32> to vector<1xf32>
      %squeeze3A_736 = vector.extract %slice3A_735[0] : f32 from vector<1xf32>
      %slice3A_737 = vector.extract_strided_slice %select_n3A_662 {offsets = [4], sizes = [1], strides = [1]} : vector<16xf32> to vector<1xf32>
      %squeeze3A_738 = vector.extract %slice3A_737[0] : f32 from vector<1xf32>
      %gt3A_739 = arith.cmpf ogt, %squeeze3A_736, %select_n3A_729 : f32
      %lt3A_740 = arith.cmpf olt, %squeeze3A_738, %select_n3A_732 : f32
      %select_n3A_741 = arith.select %gt3A_739, %squeeze3A_736, %select_n3A_729 : f32
      %jit3A_742 = arith.constant 4 : i32
      %select_n3A_743 = arith.select %gt3A_739, %jit3A_742, %select_n3A_731 : i32
      %select_n3A_744 = arith.select %lt3A_740, %squeeze3A_738, %select_n3A_732 : f32
      %jit3A_745 = arith.constant 4 : i32
      %select_n3A_746 = arith.select %lt3A_740, %jit3A_745, %select_n3A_734 : i32
      %slice3A_747 = vector.extract_strided_slice %select_n3A_661 {offsets = [5], sizes = [1], strides = [1]} : vector<16xf32> to vector<1xf32>
      %squeeze3A_748 = vector.extract %slice3A_747[0] : f32 from vector<1xf32>
      %slice3A_749 = vector.extract_strided_slice %select_n3A_662 {offsets = [5], sizes = [1], strides = [1]} : vector<16xf32> to vector<1xf32>
      %squeeze3A_750 = vector.extract %slice3A_749[0] : f32 from vector<1xf32>
      %gt3A_751 = arith.cmpf ogt, %squeeze3A_748, %select_n3A_741 : f32
      %lt3A_752 = arith.cmpf olt, %squeeze3A_750, %select_n3A_744 : f32
      %select_n3A_753 = arith.select %gt3A_751, %squeeze3A_748, %select_n3A_741 : f32
      %jit3A_754 = arith.constant 5 : i32
      %select_n3A_755 = arith.select %gt3A_751, %jit3A_754, %select_n3A_743 : i32
      %select_n3A_756 = arith.select %lt3A_752, %squeeze3A_750, %select_n3A_744 : f32
      %jit3A_757 = arith.constant 5 : i32
      %select_n3A_758 = arith.select %lt3A_752, %jit3A_757, %select_n3A_746 : i32
      %slice3A_759 = vector.extract_strided_slice %select_n3A_661 {offsets = [6], sizes = [1], strides = [1]} : vector<16xf32> to vector<1xf32>
      %squeeze3A_760 = vector.extract %slice3A_759[0] : f32 from vector<1xf32>
      %slice3A_761 = vector.extract_strided_slice %select_n3A_662 {offsets = [6], sizes = [1], strides = [1]} : vector<16xf32> to vector<1xf32>
      %squeeze3A_762 = vector.extract %slice3A_761[0] : f32 from vector<1xf32>
      %gt3A_763 = arith.cmpf ogt, %squeeze3A_760, %select_n3A_753 : f32
      %lt3A_764 = arith.cmpf olt, %squeeze3A_762, %select_n3A_756 : f32
      %select_n3A_765 = arith.select %gt3A_763, %squeeze3A_760, %select_n3A_753 : f32
      %jit3A_766 = arith.constant 6 : i32
      %select_n3A_767 = arith.select %gt3A_763, %jit3A_766, %select_n3A_755 : i32
      %select_n3A_768 = arith.select %lt3A_764, %squeeze3A_762, %select_n3A_756 : f32
      %jit3A_769 = arith.constant 6 : i32
      %select_n3A_770 = arith.select %lt3A_764, %jit3A_769, %select_n3A_758 : i32
      %slice3A_771 = vector.extract_strided_slice %select_n3A_661 {offsets = [7], sizes = [1], strides = [1]} : vector<16xf32> to vector<1xf32>
      %squeeze3A_772 = vector.extract %slice3A_771[0] : f32 from vector<1xf32>
      %slice3A_773 = vector.extract_strided_slice %select_n3A_662 {offsets = [7], sizes = [1], strides = [1]} : vector<16xf32> to vector<1xf32>
      %squeeze3A_774 = vector.extract %slice3A_773[0] : f32 from vector<1xf32>
      %gt3A_775 = arith.cmpf ogt, %squeeze3A_772, %select_n3A_765 : f32
      %lt3A_776 = arith.cmpf olt, %squeeze3A_774, %select_n3A_768 : f32
      %select_n3A_777 = arith.select %gt3A_775, %squeeze3A_772, %select_n3A_765 : f32
      %jit3A_778 = arith.constant 7 : i32
      %select_n3A_779 = arith.select %gt3A_775, %jit3A_778, %select_n3A_767 : i32
      %select_n3A_780 = arith.select %lt3A_776, %squeeze3A_774, %select_n3A_768 : f32
      %jit3A_781 = arith.constant 7 : i32
      %select_n3A_782 = arith.select %lt3A_776, %jit3A_781, %select_n3A_770 : i32
      %slice3A_783 = vector.extract_strided_slice %select_n3A_661 {offsets = [8], sizes = [1], strides = [1]} : vector<16xf32> to vector<1xf32>
      %squeeze3A_784 = vector.extract %slice3A_783[0] : f32 from vector<1xf32>
      %slice3A_785 = vector.extract_strided_slice %select_n3A_662 {offsets = [8], sizes = [1], strides = [1]} : vector<16xf32> to vector<1xf32>
      %squeeze3A_786 = vector.extract %slice3A_785[0] : f32 from vector<1xf32>
      %gt3A_787 = arith.cmpf ogt, %squeeze3A_784, %select_n3A_777 : f32
      %lt3A_788 = arith.cmpf olt, %squeeze3A_786, %select_n3A_780 : f32
      %select_n3A_789 = arith.select %gt3A_787, %squeeze3A_784, %select_n3A_777 : f32
      %jit3A_790 = arith.constant 8 : i32
      %select_n3A_791 = arith.select %gt3A_787, %jit3A_790, %select_n3A_779 : i32
      %select_n3A_792 = arith.select %lt3A_788, %squeeze3A_786, %select_n3A_780 : f32
      %jit3A_793 = arith.constant 8 : i32
      %select_n3A_794 = arith.select %lt3A_788, %jit3A_793, %select_n3A_782 : i32
      %slice3A_795 = vector.extract_strided_slice %select_n3A_661 {offsets = [9], sizes = [1], strides = [1]} : vector<16xf32> to vector<1xf32>
      %squeeze3A_796 = vector.extract %slice3A_795[0] : f32 from vector<1xf32>
      %slice3A_797 = vector.extract_strided_slice %select_n3A_662 {offsets = [9], sizes = [1], strides = [1]} : vector<16xf32> to vector<1xf32>
      %squeeze3A_798 = vector.extract %slice3A_797[0] : f32 from vector<1xf32>
      %gt3A_799 = arith.cmpf ogt, %squeeze3A_796, %select_n3A_789 : f32
      %lt3A_800 = arith.cmpf olt, %squeeze3A_798, %select_n3A_792 : f32
      %select_n3A_801 = arith.select %gt3A_799, %squeeze3A_796, %select_n3A_789 : f32
      %jit3A_802 = arith.constant 9 : i32
      %select_n3A_803 = arith.select %gt3A_799, %jit3A_802, %select_n3A_791 : i32
      %select_n3A_804 = arith.select %lt3A_800, %squeeze3A_798, %select_n3A_792 : f32
      %jit3A_805 = arith.constant 9 : i32
      %select_n3A_806 = arith.select %lt3A_800, %jit3A_805, %select_n3A_794 : i32
      %slice3A_807 = vector.extract_strided_slice %select_n3A_661 {offsets = [10], sizes = [1], strides = [1]} : vector<16xf32> to vector<1xf32>
      %squeeze3A_808 = vector.extract %slice3A_807[0] : f32 from vector<1xf32>
      %slice3A_809 = vector.extract_strided_slice %select_n3A_662 {offsets = [10], sizes = [1], strides = [1]} : vector<16xf32> to vector<1xf32>
      %squeeze3A_810 = vector.extract %slice3A_809[0] : f32 from vector<1xf32>
      %gt3A_811 = arith.cmpf ogt, %squeeze3A_808, %select_n3A_801 : f32
      %lt3A_812 = arith.cmpf olt, %squeeze3A_810, %select_n3A_804 : f32
      %select_n3A_813 = arith.select %gt3A_811, %squeeze3A_808, %select_n3A_801 : f32
      %jit3A_814 = arith.constant 10 : i32
      %select_n3A_815 = arith.select %gt3A_811, %jit3A_814, %select_n3A_803 : i32
      %select_n3A_816 = arith.select %lt3A_812, %squeeze3A_810, %select_n3A_804 : f32
      %jit3A_817 = arith.constant 10 : i32
      %select_n3A_818 = arith.select %lt3A_812, %jit3A_817, %select_n3A_806 : i32
      %slice3A_819 = vector.extract_strided_slice %select_n3A_661 {offsets = [11], sizes = [1], strides = [1]} : vector<16xf32> to vector<1xf32>
      %squeeze3A_820 = vector.extract %slice3A_819[0] : f32 from vector<1xf32>
      %slice3A_821 = vector.extract_strided_slice %select_n3A_662 {offsets = [11], sizes = [1], strides = [1]} : vector<16xf32> to vector<1xf32>
      %squeeze3A_822 = vector.extract %slice3A_821[0] : f32 from vector<1xf32>
      %gt3A_823 = arith.cmpf ogt, %squeeze3A_820, %select_n3A_813 : f32
      %lt3A_824 = arith.cmpf olt, %squeeze3A_822, %select_n3A_816 : f32
      %select_n3A_825 = arith.select %gt3A_823, %squeeze3A_820, %select_n3A_813 : f32
      %jit3A_826 = arith.constant 11 : i32
      %select_n3A_827 = arith.select %gt3A_823, %jit3A_826, %select_n3A_815 : i32
      %select_n3A_828 = arith.select %lt3A_824, %squeeze3A_822, %select_n3A_816 : f32
      %jit3A_829 = arith.constant 11 : i32
      %select_n3A_830 = arith.select %lt3A_824, %jit3A_829, %select_n3A_818 : i32
      %slice3A_831 = vector.extract_strided_slice %select_n3A_661 {offsets = [12], sizes = [1], strides = [1]} : vector<16xf32> to vector<1xf32>
      %squeeze3A_832 = vector.extract %slice3A_831[0] : f32 from vector<1xf32>
      %slice3A_833 = vector.extract_strided_slice %select_n3A_662 {offsets = [12], sizes = [1], strides = [1]} : vector<16xf32> to vector<1xf32>
      %squeeze3A_834 = vector.extract %slice3A_833[0] : f32 from vector<1xf32>
      %gt3A_835 = arith.cmpf ogt, %squeeze3A_832, %select_n3A_825 : f32
      %lt3A_836 = arith.cmpf olt, %squeeze3A_834, %select_n3A_828 : f32
      %select_n3A_837 = arith.select %gt3A_835, %squeeze3A_832, %select_n3A_825 : f32
      %jit3A_838 = arith.constant 12 : i32
      %select_n3A_839 = arith.select %gt3A_835, %jit3A_838, %select_n3A_827 : i32
      %select_n3A_840 = arith.select %lt3A_836, %squeeze3A_834, %select_n3A_828 : f32
      %jit3A_841 = arith.constant 12 : i32
      %select_n3A_842 = arith.select %lt3A_836, %jit3A_841, %select_n3A_830 : i32
      %slice3A_843 = vector.extract_strided_slice %select_n3A_661 {offsets = [13], sizes = [1], strides = [1]} : vector<16xf32> to vector<1xf32>
      %squeeze3A_844 = vector.extract %slice3A_843[0] : f32 from vector<1xf32>
      %slice3A_845 = vector.extract_strided_slice %select_n3A_662 {offsets = [13], sizes = [1], strides = [1]} : vector<16xf32> to vector<1xf32>
      %squeeze3A_846 = vector.extract %slice3A_845[0] : f32 from vector<1xf32>
      %gt3A_847 = arith.cmpf ogt, %squeeze3A_844, %select_n3A_837 : f32
      %lt3A_848 = arith.cmpf olt, %squeeze3A_846, %select_n3A_840 : f32
      %select_n3A_849 = arith.select %gt3A_847, %squeeze3A_844, %select_n3A_837 : f32
      %jit3A_850 = arith.constant 13 : i32
      %select_n3A_851 = arith.select %gt3A_847, %jit3A_850, %select_n3A_839 : i32
      %select_n3A_852 = arith.select %lt3A_848, %squeeze3A_846, %select_n3A_840 : f32
      %jit3A_853 = arith.constant 13 : i32
      %select_n3A_854 = arith.select %lt3A_848, %jit3A_853, %select_n3A_842 : i32
      %slice3A_855 = vector.extract_strided_slice %select_n3A_661 {offsets = [14], sizes = [1], strides = [1]} : vector<16xf32> to vector<1xf32>
      %squeeze3A_856 = vector.extract %slice3A_855[0] : f32 from vector<1xf32>
      %slice3A_857 = vector.extract_strided_slice %select_n3A_662 {offsets = [14], sizes = [1], strides = [1]} : vector<16xf32> to vector<1xf32>
      %squeeze3A_858 = vector.extract %slice3A_857[0] : f32 from vector<1xf32>
      %gt3A_859 = arith.cmpf ogt, %squeeze3A_856, %select_n3A_849 : f32
      %lt3A_860 = arith.cmpf olt, %squeeze3A_858, %select_n3A_852 : f32
      %select_n3A_861 = arith.select %gt3A_859, %squeeze3A_856, %select_n3A_849 : f32
      %jit3A_862 = arith.constant 14 : i32
      %select_n3A_863 = arith.select %gt3A_859, %jit3A_862, %select_n3A_851 : i32
      %select_n3A_864 = arith.select %lt3A_860, %squeeze3A_858, %select_n3A_852 : f32
      %jit3A_865 = arith.constant 14 : i32
      %select_n3A_866 = arith.select %lt3A_860, %jit3A_865, %select_n3A_854 : i32
      %slice3A_867 = vector.extract_strided_slice %select_n3A_661 {offsets = [15], sizes = [1], strides = [1]} : vector<16xf32> to vector<1xf32>
      %squeeze3A_868 = vector.extract %slice3A_867[0] : f32 from vector<1xf32>
      %slice3A_869 = vector.extract_strided_slice %select_n3A_662 {offsets = [15], sizes = [1], strides = [1]} : vector<16xf32> to vector<1xf32>
      %squeeze3A_870 = vector.extract %slice3A_869[0] : f32 from vector<1xf32>
      %gt3A_871 = arith.cmpf ogt, %squeeze3A_868, %select_n3A_861 : f32
      %lt3A_872 = arith.cmpf olt, %squeeze3A_870, %select_n3A_864 : f32
      %select_n3A_873 = arith.select %gt3A_871, %squeeze3A_868, %select_n3A_861 : f32
      %jit3A_874 = arith.constant 15 : i32
      %select_n3A_875 = arith.select %gt3A_871, %jit3A_874, %select_n3A_863 : i32
      %select_n3A_876 = arith.select %lt3A_872, %squeeze3A_870, %select_n3A_864 : f32
      %jit3A_877 = arith.constant 15 : i32
      %select_n3A_878 = arith.select %lt3A_872, %jit3A_877, %select_n3A_866 : i32
      %add3A_879 = arith.addf %add3A_655, %select_n3A_873 : f32
      %add3A_880 = arith.addf %add3A_656, %select_n3A_876 : f32
      %broadcast_in_dim3A_881 = vector.broadcast %select_n3A_875 : i32 to vector<16xi32>
      %eq3A_882 = arith.cmpi eq, %iota3A, %broadcast_in_dim3A_881 : vector<16xi32>
      %broadcast_in_dim3A_883 = vector.broadcast %select_n3A_878 : i32 to vector<16xi32>
      %eq3A_884 = arith.cmpi eq, %iota3A, %broadcast_in_dim3A_883 : vector<16xi32>
      %select_n3A_885 = arith.select %eq3A_882, %select_n3A_663, %select_n3A_661 : vector<16xi1>, vector<16xf32>
      %select_n3A_886 = arith.select %eq3A_884, %select_n3A_664, %select_n3A_662 : vector<16xi1>, vector<16xf32>
      %select_n3A_887 = arith.select %eq3A_882, %select_n3A_665, %select_n3A_663 : vector<16xi1>, vector<16xf32>
      %select_n3A_888 = arith.select %eq3A_884, %select_n3A_666, %select_n3A_664 : vector<16xi1>, vector<16xf32>
      %select_n3A_889 = arith.select %eq3A_882, %select_n3A_667, %select_n3A_665 : vector<16xi1>, vector<16xf32>
      %select_n3A_890 = arith.select %eq3A_884, %select_n3A_668, %select_n3A_666 : vector<16xi1>, vector<16xf32>
      %select_n3A_891 = arith.select %eq3A_882, %select_n3A_669, %select_n3A_667 : vector<16xi1>, vector<16xf32>
      %select_n3A_892 = arith.select %eq3A_884, %select_n3A_670, %select_n3A_668 : vector<16xi1>, vector<16xf32>
      %select_n3A_893 = arith.select %eq3A_882, %select_n3A_671, %select_n3A_669 : vector<16xi1>, vector<16xf32>
      %select_n3A_894 = arith.select %eq3A_884, %select_n3A_672, %select_n3A_670 : vector<16xi1>, vector<16xf32>
      %select_n3A_895 = arith.select %eq3A_882, %select_n3A_673, %select_n3A_671 : vector<16xi1>, vector<16xf32>
      %select_n3A_896 = arith.select %eq3A_884, %select_n3A_674, %select_n3A_672 : vector<16xi1>, vector<16xf32>
      %select_n3A_897 = arith.select %eq3A_882, %select_n3A_675, %select_n3A_673 : vector<16xi1>, vector<16xf32>
      %select_n3A_898 = arith.select %eq3A_884, %select_n3A_676, %select_n3A_674 : vector<16xi1>, vector<16xf32>
      %select_n3A_899 = arith.select %eq3A_882, %select_n3A_677, %select_n3A_675 : vector<16xi1>, vector<16xf32>
      %select_n3A_900 = arith.select %eq3A_884, %select_n3A_678, %select_n3A_676 : vector<16xi1>, vector<16xf32>
      %select_n3A_901 = arith.select %eq3A_882, %select_n3A_679, %select_n3A_677 : vector<16xi1>, vector<16xf32>
      %select_n3A_902 = arith.select %eq3A_884, %select_n3A_680, %select_n3A_678 : vector<16xi1>, vector<16xf32>
      %select_n3A_903 = arith.select %eq3A_882, %broadcast_in_dim3A_5, %select_n3A_679 : vector<16xi1>, vector<16xf32>
      %select_n3A_904 = arith.select %eq3A_884, %broadcast_in_dim3A_7, %select_n3A_680 : vector<16xi1>, vector<16xf32>
      %slice3A_905 = vector.extract_strided_slice %select_n3A_885 {offsets = [0], sizes = [1], strides = [1]} : vector<16xf32> to vector<1xf32>
      %squeeze3A_906 = vector.extract %slice3A_905[0] : f32 from vector<1xf32>
      %slice3A_907 = vector.extract_strided_slice %select_n3A_886 {offsets = [0], sizes = [1], strides = [1]} : vector<16xf32> to vector<1xf32>
      %squeeze3A_908 = vector.extract %slice3A_907[0] : f32 from vector<1xf32>
      %gt3A_909 = arith.constant 0xFF800000 : f32
      %gt3A_910 = arith.cmpf ogt, %squeeze3A_906, %gt3A_909 : f32
      %lt3A_911 = arith.constant 0x7F800000 : f32
      %lt3A_912 = arith.cmpf olt, %squeeze3A_908, %lt3A_911 : f32
      %jit3A_913 = arith.constant 0xFF800000 : f32
      %select_n3A_914 = arith.select %gt3A_910, %squeeze3A_906, %jit3A_913 : f32
      %jit3A_915 = arith.constant 0 : i32
      %jit3A_916 = arith.constant 0 : i32
      %select_n3A_917 = arith.select %gt3A_910, %jit3A_915, %jit3A_916 : i32
      %jit3A_918 = arith.constant 0x7F800000 : f32
      %select_n3A_919 = arith.select %lt3A_912, %squeeze3A_908, %jit3A_918 : f32
      %jit3A_920 = arith.constant 0 : i32
      %jit3A_921 = arith.constant 0 : i32
      %select_n3A_922 = arith.select %lt3A_912, %jit3A_920, %jit3A_921 : i32
      %slice3A_923 = vector.extract_strided_slice %select_n3A_885 {offsets = [1], sizes = [1], strides = [1]} : vector<16xf32> to vector<1xf32>
      %squeeze3A_924 = vector.extract %slice3A_923[0] : f32 from vector<1xf32>
      %slice3A_925 = vector.extract_strided_slice %select_n3A_886 {offsets = [1], sizes = [1], strides = [1]} : vector<16xf32> to vector<1xf32>
      %squeeze3A_926 = vector.extract %slice3A_925[0] : f32 from vector<1xf32>
      %gt3A_927 = arith.cmpf ogt, %squeeze3A_924, %select_n3A_914 : f32
      %lt3A_928 = arith.cmpf olt, %squeeze3A_926, %select_n3A_919 : f32
      %select_n3A_929 = arith.select %gt3A_927, %squeeze3A_924, %select_n3A_914 : f32
      %jit3A_930 = arith.constant 1 : i32
      %select_n3A_931 = arith.select %gt3A_927, %jit3A_930, %select_n3A_917 : i32
      %select_n3A_932 = arith.select %lt3A_928, %squeeze3A_926, %select_n3A_919 : f32
      %jit3A_933 = arith.constant 1 : i32
      %select_n3A_934 = arith.select %lt3A_928, %jit3A_933, %select_n3A_922 : i32
      %slice3A_935 = vector.extract_strided_slice %select_n3A_885 {offsets = [2], sizes = [1], strides = [1]} : vector<16xf32> to vector<1xf32>
      %squeeze3A_936 = vector.extract %slice3A_935[0] : f32 from vector<1xf32>
      %slice3A_937 = vector.extract_strided_slice %select_n3A_886 {offsets = [2], sizes = [1], strides = [1]} : vector<16xf32> to vector<1xf32>
      %squeeze3A_938 = vector.extract %slice3A_937[0] : f32 from vector<1xf32>
      %gt3A_939 = arith.cmpf ogt, %squeeze3A_936, %select_n3A_929 : f32
      %lt3A_940 = arith.cmpf olt, %squeeze3A_938, %select_n3A_932 : f32
      %select_n3A_941 = arith.select %gt3A_939, %squeeze3A_936, %select_n3A_929 : f32
      %jit3A_942 = arith.constant 2 : i32
      %select_n3A_943 = arith.select %gt3A_939, %jit3A_942, %select_n3A_931 : i32
      %select_n3A_944 = arith.select %lt3A_940, %squeeze3A_938, %select_n3A_932 : f32
      %jit3A_945 = arith.constant 2 : i32
      %select_n3A_946 = arith.select %lt3A_940, %jit3A_945, %select_n3A_934 : i32
      %slice3A_947 = vector.extract_strided_slice %select_n3A_885 {offsets = [3], sizes = [1], strides = [1]} : vector<16xf32> to vector<1xf32>
      %squeeze3A_948 = vector.extract %slice3A_947[0] : f32 from vector<1xf32>
      %slice3A_949 = vector.extract_strided_slice %select_n3A_886 {offsets = [3], sizes = [1], strides = [1]} : vector<16xf32> to vector<1xf32>
      %squeeze3A_950 = vector.extract %slice3A_949[0] : f32 from vector<1xf32>
      %gt3A_951 = arith.cmpf ogt, %squeeze3A_948, %select_n3A_941 : f32
      %lt3A_952 = arith.cmpf olt, %squeeze3A_950, %select_n3A_944 : f32
      %select_n3A_953 = arith.select %gt3A_951, %squeeze3A_948, %select_n3A_941 : f32
      %jit3A_954 = arith.constant 3 : i32
      %select_n3A_955 = arith.select %gt3A_951, %jit3A_954, %select_n3A_943 : i32
      %select_n3A_956 = arith.select %lt3A_952, %squeeze3A_950, %select_n3A_944 : f32
      %jit3A_957 = arith.constant 3 : i32
      %select_n3A_958 = arith.select %lt3A_952, %jit3A_957, %select_n3A_946 : i32
      %slice3A_959 = vector.extract_strided_slice %select_n3A_885 {offsets = [4], sizes = [1], strides = [1]} : vector<16xf32> to vector<1xf32>
      %squeeze3A_960 = vector.extract %slice3A_959[0] : f32 from vector<1xf32>
      %slice3A_961 = vector.extract_strided_slice %select_n3A_886 {offsets = [4], sizes = [1], strides = [1]} : vector<16xf32> to vector<1xf32>
      %squeeze3A_962 = vector.extract %slice3A_961[0] : f32 from vector<1xf32>
      %gt3A_963 = arith.cmpf ogt, %squeeze3A_960, %select_n3A_953 : f32
      %lt3A_964 = arith.cmpf olt, %squeeze3A_962, %select_n3A_956 : f32
      %select_n3A_965 = arith.select %gt3A_963, %squeeze3A_960, %select_n3A_953 : f32
      %jit3A_966 = arith.constant 4 : i32
      %select_n3A_967 = arith.select %gt3A_963, %jit3A_966, %select_n3A_955 : i32
      %select_n3A_968 = arith.select %lt3A_964, %squeeze3A_962, %select_n3A_956 : f32
      %jit3A_969 = arith.constant 4 : i32
      %select_n3A_970 = arith.select %lt3A_964, %jit3A_969, %select_n3A_958 : i32
      %slice3A_971 = vector.extract_strided_slice %select_n3A_885 {offsets = [5], sizes = [1], strides = [1]} : vector<16xf32> to vector<1xf32>
      %squeeze3A_972 = vector.extract %slice3A_971[0] : f32 from vector<1xf32>
      %slice3A_973 = vector.extract_strided_slice %select_n3A_886 {offsets = [5], sizes = [1], strides = [1]} : vector<16xf32> to vector<1xf32>
      %squeeze3A_974 = vector.extract %slice3A_973[0] : f32 from vector<1xf32>
      %gt3A_975 = arith.cmpf ogt, %squeeze3A_972, %select_n3A_965 : f32
      %lt3A_976 = arith.cmpf olt, %squeeze3A_974, %select_n3A_968 : f32
      %select_n3A_977 = arith.select %gt3A_975, %squeeze3A_972, %select_n3A_965 : f32
      %jit3A_978 = arith.constant 5 : i32
      %select_n3A_979 = arith.select %gt3A_975, %jit3A_978, %select_n3A_967 : i32
      %select_n3A_980 = arith.select %lt3A_976, %squeeze3A_974, %select_n3A_968 : f32
      %jit3A_981 = arith.constant 5 : i32
      %select_n3A_982 = arith.select %lt3A_976, %jit3A_981, %select_n3A_970 : i32
      %slice3A_983 = vector.extract_strided_slice %select_n3A_885 {offsets = [6], sizes = [1], strides = [1]} : vector<16xf32> to vector<1xf32>
      %squeeze3A_984 = vector.extract %slice3A_983[0] : f32 from vector<1xf32>
      %slice3A_985 = vector.extract_strided_slice %select_n3A_886 {offsets = [6], sizes = [1], strides = [1]} : vector<16xf32> to vector<1xf32>
      %squeeze3A_986 = vector.extract %slice3A_985[0] : f32 from vector<1xf32>
      %gt3A_987 = arith.cmpf ogt, %squeeze3A_984, %select_n3A_977 : f32
      %lt3A_988 = arith.cmpf olt, %squeeze3A_986, %select_n3A_980 : f32
      %select_n3A_989 = arith.select %gt3A_987, %squeeze3A_984, %select_n3A_977 : f32
      %jit3A_990 = arith.constant 6 : i32
      %select_n3A_991 = arith.select %gt3A_987, %jit3A_990, %select_n3A_979 : i32
      %select_n3A_992 = arith.select %lt3A_988, %squeeze3A_986, %select_n3A_980 : f32
      %jit3A_993 = arith.constant 6 : i32
      %select_n3A_994 = arith.select %lt3A_988, %jit3A_993, %select_n3A_982 : i32
      %slice3A_995 = vector.extract_strided_slice %select_n3A_885 {offsets = [7], sizes = [1], strides = [1]} : vector<16xf32> to vector<1xf32>
      %squeeze3A_996 = vector.extract %slice3A_995[0] : f32 from vector<1xf32>
      %slice3A_997 = vector.extract_strided_slice %select_n3A_886 {offsets = [7], sizes = [1], strides = [1]} : vector<16xf32> to vector<1xf32>
      %squeeze3A_998 = vector.extract %slice3A_997[0] : f32 from vector<1xf32>
      %gt3A_999 = arith.cmpf ogt, %squeeze3A_996, %select_n3A_989 : f32
      %lt3A_1000 = arith.cmpf olt, %squeeze3A_998, %select_n3A_992 : f32
      %select_n3A_1001 = arith.select %gt3A_999, %squeeze3A_996, %select_n3A_989 : f32
      %jit3A_1002 = arith.constant 7 : i32
      %select_n3A_1003 = arith.select %gt3A_999, %jit3A_1002, %select_n3A_991 : i32
      %select_n3A_1004 = arith.select %lt3A_1000, %squeeze3A_998, %select_n3A_992 : f32
      %jit3A_1005 = arith.constant 7 : i32
      %select_n3A_1006 = arith.select %lt3A_1000, %jit3A_1005, %select_n3A_994 : i32
      %slice3A_1007 = vector.extract_strided_slice %select_n3A_885 {offsets = [8], sizes = [1], strides = [1]} : vector<16xf32> to vector<1xf32>
      %squeeze3A_1008 = vector.extract %slice3A_1007[0] : f32 from vector<1xf32>
      %slice3A_1009 = vector.extract_strided_slice %select_n3A_886 {offsets = [8], sizes = [1], strides = [1]} : vector<16xf32> to vector<1xf32>
      %squeeze3A_1010 = vector.extract %slice3A_1009[0] : f32 from vector<1xf32>
      %gt3A_1011 = arith.cmpf ogt, %squeeze3A_1008, %select_n3A_1001 : f32
      %lt3A_1012 = arith.cmpf olt, %squeeze3A_1010, %select_n3A_1004 : f32
      %select_n3A_1013 = arith.select %gt3A_1011, %squeeze3A_1008, %select_n3A_1001 : f32
      %jit3A_1014 = arith.constant 8 : i32
      %select_n3A_1015 = arith.select %gt3A_1011, %jit3A_1014, %select_n3A_1003 : i32
      %select_n3A_1016 = arith.select %lt3A_1012, %squeeze3A_1010, %select_n3A_1004 : f32
      %jit3A_1017 = arith.constant 8 : i32
      %select_n3A_1018 = arith.select %lt3A_1012, %jit3A_1017, %select_n3A_1006 : i32
      %slice3A_1019 = vector.extract_strided_slice %select_n3A_885 {offsets = [9], sizes = [1], strides = [1]} : vector<16xf32> to vector<1xf32>
      %squeeze3A_1020 = vector.extract %slice3A_1019[0] : f32 from vector<1xf32>
      %slice3A_1021 = vector.extract_strided_slice %select_n3A_886 {offsets = [9], sizes = [1], strides = [1]} : vector<16xf32> to vector<1xf32>
      %squeeze3A_1022 = vector.extract %slice3A_1021[0] : f32 from vector<1xf32>
      %gt3A_1023 = arith.cmpf ogt, %squeeze3A_1020, %select_n3A_1013 : f32
      %lt3A_1024 = arith.cmpf olt, %squeeze3A_1022, %select_n3A_1016 : f32
      %select_n3A_1025 = arith.select %gt3A_1023, %squeeze3A_1020, %select_n3A_1013 : f32
      %jit3A_1026 = arith.constant 9 : i32
      %select_n3A_1027 = arith.select %gt3A_1023, %jit3A_1026, %select_n3A_1015 : i32
      %select_n3A_1028 = arith.select %lt3A_1024, %squeeze3A_1022, %select_n3A_1016 : f32
      %jit3A_1029 = arith.constant 9 : i32
      %select_n3A_1030 = arith.select %lt3A_1024, %jit3A_1029, %select_n3A_1018 : i32
      %slice3A_1031 = vector.extract_strided_slice %select_n3A_885 {offsets = [10], sizes = [1], strides = [1]} : vector<16xf32> to vector<1xf32>
      %squeeze3A_1032 = vector.extract %slice3A_1031[0] : f32 from vector<1xf32>
      %slice3A_1033 = vector.extract_strided_slice %select_n3A_886 {offsets = [10], sizes = [1], strides = [1]} : vector<16xf32> to vector<1xf32>
      %squeeze3A_1034 = vector.extract %slice3A_1033[0] : f32 from vector<1xf32>
      %gt3A_1035 = arith.cmpf ogt, %squeeze3A_1032, %select_n3A_1025 : f32
      %lt3A_1036 = arith.cmpf olt, %squeeze3A_1034, %select_n3A_1028 : f32
      %select_n3A_1037 = arith.select %gt3A_1035, %squeeze3A_1032, %select_n3A_1025 : f32
      %jit3A_1038 = arith.constant 10 : i32
      %select_n3A_1039 = arith.select %gt3A_1035, %jit3A_1038, %select_n3A_1027 : i32
      %select_n3A_1040 = arith.select %lt3A_1036, %squeeze3A_1034, %select_n3A_1028 : f32
      %jit3A_1041 = arith.constant 10 : i32
      %select_n3A_1042 = arith.select %lt3A_1036, %jit3A_1041, %select_n3A_1030 : i32
      %slice3A_1043 = vector.extract_strided_slice %select_n3A_885 {offsets = [11], sizes = [1], strides = [1]} : vector<16xf32> to vector<1xf32>
      %squeeze3A_1044 = vector.extract %slice3A_1043[0] : f32 from vector<1xf32>
      %slice3A_1045 = vector.extract_strided_slice %select_n3A_886 {offsets = [11], sizes = [1], strides = [1]} : vector<16xf32> to vector<1xf32>
      %squeeze3A_1046 = vector.extract %slice3A_1045[0] : f32 from vector<1xf32>
      %gt3A_1047 = arith.cmpf ogt, %squeeze3A_1044, %select_n3A_1037 : f32
      %lt3A_1048 = arith.cmpf olt, %squeeze3A_1046, %select_n3A_1040 : f32
      %select_n3A_1049 = arith.select %gt3A_1047, %squeeze3A_1044, %select_n3A_1037 : f32
      %jit3A_1050 = arith.constant 11 : i32
      %select_n3A_1051 = arith.select %gt3A_1047, %jit3A_1050, %select_n3A_1039 : i32
      %select_n3A_1052 = arith.select %lt3A_1048, %squeeze3A_1046, %select_n3A_1040 : f32
      %jit3A_1053 = arith.constant 11 : i32
      %select_n3A_1054 = arith.select %lt3A_1048, %jit3A_1053, %select_n3A_1042 : i32
      %slice3A_1055 = vector.extract_strided_slice %select_n3A_885 {offsets = [12], sizes = [1], strides = [1]} : vector<16xf32> to vector<1xf32>
      %squeeze3A_1056 = vector.extract %slice3A_1055[0] : f32 from vector<1xf32>
      %slice3A_1057 = vector.extract_strided_slice %select_n3A_886 {offsets = [12], sizes = [1], strides = [1]} : vector<16xf32> to vector<1xf32>
      %squeeze3A_1058 = vector.extract %slice3A_1057[0] : f32 from vector<1xf32>
      %gt3A_1059 = arith.cmpf ogt, %squeeze3A_1056, %select_n3A_1049 : f32
      %lt3A_1060 = arith.cmpf olt, %squeeze3A_1058, %select_n3A_1052 : f32
      %select_n3A_1061 = arith.select %gt3A_1059, %squeeze3A_1056, %select_n3A_1049 : f32
      %jit3A_1062 = arith.constant 12 : i32
      %select_n3A_1063 = arith.select %gt3A_1059, %jit3A_1062, %select_n3A_1051 : i32
      %select_n3A_1064 = arith.select %lt3A_1060, %squeeze3A_1058, %select_n3A_1052 : f32
      %jit3A_1065 = arith.constant 12 : i32
      %select_n3A_1066 = arith.select %lt3A_1060, %jit3A_1065, %select_n3A_1054 : i32
      %slice3A_1067 = vector.extract_strided_slice %select_n3A_885 {offsets = [13], sizes = [1], strides = [1]} : vector<16xf32> to vector<1xf32>
      %squeeze3A_1068 = vector.extract %slice3A_1067[0] : f32 from vector<1xf32>
      %slice3A_1069 = vector.extract_strided_slice %select_n3A_886 {offsets = [13], sizes = [1], strides = [1]} : vector<16xf32> to vector<1xf32>
      %squeeze3A_1070 = vector.extract %slice3A_1069[0] : f32 from vector<1xf32>
      %gt3A_1071 = arith.cmpf ogt, %squeeze3A_1068, %select_n3A_1061 : f32
      %lt3A_1072 = arith.cmpf olt, %squeeze3A_1070, %select_n3A_1064 : f32
      %select_n3A_1073 = arith.select %gt3A_1071, %squeeze3A_1068, %select_n3A_1061 : f32
      %jit3A_1074 = arith.constant 13 : i32
      %select_n3A_1075 = arith.select %gt3A_1071, %jit3A_1074, %select_n3A_1063 : i32
      %select_n3A_1076 = arith.select %lt3A_1072, %squeeze3A_1070, %select_n3A_1064 : f32
      %jit3A_1077 = arith.constant 13 : i32
      %select_n3A_1078 = arith.select %lt3A_1072, %jit3A_1077, %select_n3A_1066 : i32
      %slice3A_1079 = vector.extract_strided_slice %select_n3A_885 {offsets = [14], sizes = [1], strides = [1]} : vector<16xf32> to vector<1xf32>
      %squeeze3A_1080 = vector.extract %slice3A_1079[0] : f32 from vector<1xf32>
      %slice3A_1081 = vector.extract_strided_slice %select_n3A_886 {offsets = [14], sizes = [1], strides = [1]} : vector<16xf32> to vector<1xf32>
      %squeeze3A_1082 = vector.extract %slice3A_1081[0] : f32 from vector<1xf32>
      %gt3A_1083 = arith.cmpf ogt, %squeeze3A_1080, %select_n3A_1073 : f32
      %lt3A_1084 = arith.cmpf olt, %squeeze3A_1082, %select_n3A_1076 : f32
      %select_n3A_1085 = arith.select %gt3A_1083, %squeeze3A_1080, %select_n3A_1073 : f32
      %jit3A_1086 = arith.constant 14 : i32
      %select_n3A_1087 = arith.select %gt3A_1083, %jit3A_1086, %select_n3A_1075 : i32
      %select_n3A_1088 = arith.select %lt3A_1084, %squeeze3A_1082, %select_n3A_1076 : f32
      %jit3A_1089 = arith.constant 14 : i32
      %select_n3A_1090 = arith.select %lt3A_1084, %jit3A_1089, %select_n3A_1078 : i32
      %slice3A_1091 = vector.extract_strided_slice %select_n3A_885 {offsets = [15], sizes = [1], strides = [1]} : vector<16xf32> to vector<1xf32>
      %squeeze3A_1092 = vector.extract %slice3A_1091[0] : f32 from vector<1xf32>
      %slice3A_1093 = vector.extract_strided_slice %select_n3A_886 {offsets = [15], sizes = [1], strides = [1]} : vector<16xf32> to vector<1xf32>
      %squeeze3A_1094 = vector.extract %slice3A_1093[0] : f32 from vector<1xf32>
      %gt3A_1095 = arith.cmpf ogt, %squeeze3A_1092, %select_n3A_1085 : f32
      %lt3A_1096 = arith.cmpf olt, %squeeze3A_1094, %select_n3A_1088 : f32
      %select_n3A_1097 = arith.select %gt3A_1095, %squeeze3A_1092, %select_n3A_1085 : f32
      %jit3A_1098 = arith.constant 15 : i32
      %select_n3A_1099 = arith.select %gt3A_1095, %jit3A_1098, %select_n3A_1087 : i32
      %select_n3A_1100 = arith.select %lt3A_1096, %squeeze3A_1094, %select_n3A_1088 : f32
      %jit3A_1101 = arith.constant 15 : i32
      %select_n3A_1102 = arith.select %lt3A_1096, %jit3A_1101, %select_n3A_1090 : i32
      %add3A_1103 = arith.addf %add3A_879, %select_n3A_1097 : f32
      %add3A_1104 = arith.addf %add3A_880, %select_n3A_1100 : f32
      %broadcast_in_dim3A_1105 = vector.broadcast %select_n3A_1099 : i32 to vector<16xi32>
      %eq3A_1106 = arith.cmpi eq, %iota3A, %broadcast_in_dim3A_1105 : vector<16xi32>
      %broadcast_in_dim3A_1107 = vector.broadcast %select_n3A_1102 : i32 to vector<16xi32>
      %eq3A_1108 = arith.cmpi eq, %iota3A, %broadcast_in_dim3A_1107 : vector<16xi32>
      %select_n3A_1109 = arith.select %eq3A_1106, %select_n3A_887, %select_n3A_885 : vector<16xi1>, vector<16xf32>
      %select_n3A_1110 = arith.select %eq3A_1108, %select_n3A_888, %select_n3A_886 : vector<16xi1>, vector<16xf32>
      %select_n3A_1111 = arith.select %eq3A_1106, %select_n3A_889, %select_n3A_887 : vector<16xi1>, vector<16xf32>
      %select_n3A_1112 = arith.select %eq3A_1108, %select_n3A_890, %select_n3A_888 : vector<16xi1>, vector<16xf32>
      %select_n3A_1113 = arith.select %eq3A_1106, %select_n3A_891, %select_n3A_889 : vector<16xi1>, vector<16xf32>
      %select_n3A_1114 = arith.select %eq3A_1108, %select_n3A_892, %select_n3A_890 : vector<16xi1>, vector<16xf32>
      %select_n3A_1115 = arith.select %eq3A_1106, %select_n3A_893, %select_n3A_891 : vector<16xi1>, vector<16xf32>
      %select_n3A_1116 = arith.select %eq3A_1108, %select_n3A_894, %select_n3A_892 : vector<16xi1>, vector<16xf32>
      %select_n3A_1117 = arith.select %eq3A_1106, %select_n3A_895, %select_n3A_893 : vector<16xi1>, vector<16xf32>
      %select_n3A_1118 = arith.select %eq3A_1108, %select_n3A_896, %select_n3A_894 : vector<16xi1>, vector<16xf32>
      %select_n3A_1119 = arith.select %eq3A_1106, %select_n3A_897, %select_n3A_895 : vector<16xi1>, vector<16xf32>
      %select_n3A_1120 = arith.select %eq3A_1108, %select_n3A_898, %select_n3A_896 : vector<16xi1>, vector<16xf32>
      %select_n3A_1121 = arith.select %eq3A_1106, %select_n3A_899, %select_n3A_897 : vector<16xi1>, vector<16xf32>
      %select_n3A_1122 = arith.select %eq3A_1108, %select_n3A_900, %select_n3A_898 : vector<16xi1>, vector<16xf32>
      %select_n3A_1123 = arith.select %eq3A_1106, %select_n3A_901, %select_n3A_899 : vector<16xi1>, vector<16xf32>
      %select_n3A_1124 = arith.select %eq3A_1108, %select_n3A_902, %select_n3A_900 : vector<16xi1>, vector<16xf32>
      %select_n3A_1125 = arith.select %eq3A_1106, %select_n3A_903, %select_n3A_901 : vector<16xi1>, vector<16xf32>
      %select_n3A_1126 = arith.select %eq3A_1108, %select_n3A_904, %select_n3A_902 : vector<16xi1>, vector<16xf32>
      %select_n3A_1127 = arith.select %eq3A_1106, %broadcast_in_dim3A_5, %select_n3A_903 : vector<16xi1>, vector<16xf32>
      %select_n3A_1128 = arith.select %eq3A_1108, %broadcast_in_dim3A_7, %select_n3A_904 : vector<16xi1>, vector<16xf32>
      %slice3A_1129 = vector.extract_strided_slice %select_n3A_1109 {offsets = [0], sizes = [1], strides = [1]} : vector<16xf32> to vector<1xf32>
      %squeeze3A_1130 = vector.extract %slice3A_1129[0] : f32 from vector<1xf32>
      %slice3A_1131 = vector.extract_strided_slice %select_n3A_1110 {offsets = [0], sizes = [1], strides = [1]} : vector<16xf32> to vector<1xf32>
      %squeeze3A_1132 = vector.extract %slice3A_1131[0] : f32 from vector<1xf32>
      %gt3A_1133 = arith.constant 0xFF800000 : f32
      %gt3A_1134 = arith.cmpf ogt, %squeeze3A_1130, %gt3A_1133 : f32
      %lt3A_1135 = arith.constant 0x7F800000 : f32
      %lt3A_1136 = arith.cmpf olt, %squeeze3A_1132, %lt3A_1135 : f32
      %jit3A_1137 = arith.constant 0xFF800000 : f32
      %select_n3A_1138 = arith.select %gt3A_1134, %squeeze3A_1130, %jit3A_1137 : f32
      %jit3A_1139 = arith.constant 0 : i32
      %jit3A_1140 = arith.constant 0 : i32
      %select_n3A_1141 = arith.select %gt3A_1134, %jit3A_1139, %jit3A_1140 : i32
      %jit3A_1142 = arith.constant 0x7F800000 : f32
      %select_n3A_1143 = arith.select %lt3A_1136, %squeeze3A_1132, %jit3A_1142 : f32
      %jit3A_1144 = arith.constant 0 : i32
      %jit3A_1145 = arith.constant 0 : i32
      %select_n3A_1146 = arith.select %lt3A_1136, %jit3A_1144, %jit3A_1145 : i32
      %slice3A_1147 = vector.extract_strided_slice %select_n3A_1109 {offsets = [1], sizes = [1], strides = [1]} : vector<16xf32> to vector<1xf32>
      %squeeze3A_1148 = vector.extract %slice3A_1147[0] : f32 from vector<1xf32>
      %slice3A_1149 = vector.extract_strided_slice %select_n3A_1110 {offsets = [1], sizes = [1], strides = [1]} : vector<16xf32> to vector<1xf32>
      %squeeze3A_1150 = vector.extract %slice3A_1149[0] : f32 from vector<1xf32>
      %gt3A_1151 = arith.cmpf ogt, %squeeze3A_1148, %select_n3A_1138 : f32
      %lt3A_1152 = arith.cmpf olt, %squeeze3A_1150, %select_n3A_1143 : f32
      %select_n3A_1153 = arith.select %gt3A_1151, %squeeze3A_1148, %select_n3A_1138 : f32
      %jit3A_1154 = arith.constant 1 : i32
      %select_n3A_1155 = arith.select %gt3A_1151, %jit3A_1154, %select_n3A_1141 : i32
      %select_n3A_1156 = arith.select %lt3A_1152, %squeeze3A_1150, %select_n3A_1143 : f32
      %jit3A_1157 = arith.constant 1 : i32
      %select_n3A_1158 = arith.select %lt3A_1152, %jit3A_1157, %select_n3A_1146 : i32
      %slice3A_1159 = vector.extract_strided_slice %select_n3A_1109 {offsets = [2], sizes = [1], strides = [1]} : vector<16xf32> to vector<1xf32>
      %squeeze3A_1160 = vector.extract %slice3A_1159[0] : f32 from vector<1xf32>
      %slice3A_1161 = vector.extract_strided_slice %select_n3A_1110 {offsets = [2], sizes = [1], strides = [1]} : vector<16xf32> to vector<1xf32>
      %squeeze3A_1162 = vector.extract %slice3A_1161[0] : f32 from vector<1xf32>
      %gt3A_1163 = arith.cmpf ogt, %squeeze3A_1160, %select_n3A_1153 : f32
      %lt3A_1164 = arith.cmpf olt, %squeeze3A_1162, %select_n3A_1156 : f32
      %select_n3A_1165 = arith.select %gt3A_1163, %squeeze3A_1160, %select_n3A_1153 : f32
      %jit3A_1166 = arith.constant 2 : i32
      %select_n3A_1167 = arith.select %gt3A_1163, %jit3A_1166, %select_n3A_1155 : i32
      %select_n3A_1168 = arith.select %lt3A_1164, %squeeze3A_1162, %select_n3A_1156 : f32
      %jit3A_1169 = arith.constant 2 : i32
      %select_n3A_1170 = arith.select %lt3A_1164, %jit3A_1169, %select_n3A_1158 : i32
      %slice3A_1171 = vector.extract_strided_slice %select_n3A_1109 {offsets = [3], sizes = [1], strides = [1]} : vector<16xf32> to vector<1xf32>
      %squeeze3A_1172 = vector.extract %slice3A_1171[0] : f32 from vector<1xf32>
      %slice3A_1173 = vector.extract_strided_slice %select_n3A_1110 {offsets = [3], sizes = [1], strides = [1]} : vector<16xf32> to vector<1xf32>
      %squeeze3A_1174 = vector.extract %slice3A_1173[0] : f32 from vector<1xf32>
      %gt3A_1175 = arith.cmpf ogt, %squeeze3A_1172, %select_n3A_1165 : f32
      %lt3A_1176 = arith.cmpf olt, %squeeze3A_1174, %select_n3A_1168 : f32
      %select_n3A_1177 = arith.select %gt3A_1175, %squeeze3A_1172, %select_n3A_1165 : f32
      %jit3A_1178 = arith.constant 3 : i32
      %select_n3A_1179 = arith.select %gt3A_1175, %jit3A_1178, %select_n3A_1167 : i32
      %select_n3A_1180 = arith.select %lt3A_1176, %squeeze3A_1174, %select_n3A_1168 : f32
      %jit3A_1181 = arith.constant 3 : i32
      %select_n3A_1182 = arith.select %lt3A_1176, %jit3A_1181, %select_n3A_1170 : i32
      %slice3A_1183 = vector.extract_strided_slice %select_n3A_1109 {offsets = [4], sizes = [1], strides = [1]} : vector<16xf32> to vector<1xf32>
      %squeeze3A_1184 = vector.extract %slice3A_1183[0] : f32 from vector<1xf32>
      %slice3A_1185 = vector.extract_strided_slice %select_n3A_1110 {offsets = [4], sizes = [1], strides = [1]} : vector<16xf32> to vector<1xf32>
      %squeeze3A_1186 = vector.extract %slice3A_1185[0] : f32 from vector<1xf32>
      %gt3A_1187 = arith.cmpf ogt, %squeeze3A_1184, %select_n3A_1177 : f32
      %lt3A_1188 = arith.cmpf olt, %squeeze3A_1186, %select_n3A_1180 : f32
      %select_n3A_1189 = arith.select %gt3A_1187, %squeeze3A_1184, %select_n3A_1177 : f32
      %jit3A_1190 = arith.constant 4 : i32
      %select_n3A_1191 = arith.select %gt3A_1187, %jit3A_1190, %select_n3A_1179 : i32
      %select_n3A_1192 = arith.select %lt3A_1188, %squeeze3A_1186, %select_n3A_1180 : f32
      %jit3A_1193 = arith.constant 4 : i32
      %select_n3A_1194 = arith.select %lt3A_1188, %jit3A_1193, %select_n3A_1182 : i32
      %slice3A_1195 = vector.extract_strided_slice %select_n3A_1109 {offsets = [5], sizes = [1], strides = [1]} : vector<16xf32> to vector<1xf32>
      %squeeze3A_1196 = vector.extract %slice3A_1195[0] : f32 from vector<1xf32>
      %slice3A_1197 = vector.extract_strided_slice %select_n3A_1110 {offsets = [5], sizes = [1], strides = [1]} : vector<16xf32> to vector<1xf32>
      %squeeze3A_1198 = vector.extract %slice3A_1197[0] : f32 from vector<1xf32>
      %gt3A_1199 = arith.cmpf ogt, %squeeze3A_1196, %select_n3A_1189 : f32
      %lt3A_1200 = arith.cmpf olt, %squeeze3A_1198, %select_n3A_1192 : f32
      %select_n3A_1201 = arith.select %gt3A_1199, %squeeze3A_1196, %select_n3A_1189 : f32
      %jit3A_1202 = arith.constant 5 : i32
      %select_n3A_1203 = arith.select %gt3A_1199, %jit3A_1202, %select_n3A_1191 : i32
      %select_n3A_1204 = arith.select %lt3A_1200, %squeeze3A_1198, %select_n3A_1192 : f32
      %jit3A_1205 = arith.constant 5 : i32
      %select_n3A_1206 = arith.select %lt3A_1200, %jit3A_1205, %select_n3A_1194 : i32
      %slice3A_1207 = vector.extract_strided_slice %select_n3A_1109 {offsets = [6], sizes = [1], strides = [1]} : vector<16xf32> to vector<1xf32>
      %squeeze3A_1208 = vector.extract %slice3A_1207[0] : f32 from vector<1xf32>
      %slice3A_1209 = vector.extract_strided_slice %select_n3A_1110 {offsets = [6], sizes = [1], strides = [1]} : vector<16xf32> to vector<1xf32>
      %squeeze3A_1210 = vector.extract %slice3A_1209[0] : f32 from vector<1xf32>
      %gt3A_1211 = arith.cmpf ogt, %squeeze3A_1208, %select_n3A_1201 : f32
      %lt3A_1212 = arith.cmpf olt, %squeeze3A_1210, %select_n3A_1204 : f32
      %select_n3A_1213 = arith.select %gt3A_1211, %squeeze3A_1208, %select_n3A_1201 : f32
      %jit3A_1214 = arith.constant 6 : i32
      %select_n3A_1215 = arith.select %gt3A_1211, %jit3A_1214, %select_n3A_1203 : i32
      %select_n3A_1216 = arith.select %lt3A_1212, %squeeze3A_1210, %select_n3A_1204 : f32
      %jit3A_1217 = arith.constant 6 : i32
      %select_n3A_1218 = arith.select %lt3A_1212, %jit3A_1217, %select_n3A_1206 : i32
      %slice3A_1219 = vector.extract_strided_slice %select_n3A_1109 {offsets = [7], sizes = [1], strides = [1]} : vector<16xf32> to vector<1xf32>
      %squeeze3A_1220 = vector.extract %slice3A_1219[0] : f32 from vector<1xf32>
      %slice3A_1221 = vector.extract_strided_slice %select_n3A_1110 {offsets = [7], sizes = [1], strides = [1]} : vector<16xf32> to vector<1xf32>
      %squeeze3A_1222 = vector.extract %slice3A_1221[0] : f32 from vector<1xf32>
      %gt3A_1223 = arith.cmpf ogt, %squeeze3A_1220, %select_n3A_1213 : f32
      %lt3A_1224 = arith.cmpf olt, %squeeze3A_1222, %select_n3A_1216 : f32
      %select_n3A_1225 = arith.select %gt3A_1223, %squeeze3A_1220, %select_n3A_1213 : f32
      %jit3A_1226 = arith.constant 7 : i32
      %select_n3A_1227 = arith.select %gt3A_1223, %jit3A_1226, %select_n3A_1215 : i32
      %select_n3A_1228 = arith.select %lt3A_1224, %squeeze3A_1222, %select_n3A_1216 : f32
      %jit3A_1229 = arith.constant 7 : i32
      %select_n3A_1230 = arith.select %lt3A_1224, %jit3A_1229, %select_n3A_1218 : i32
      %slice3A_1231 = vector.extract_strided_slice %select_n3A_1109 {offsets = [8], sizes = [1], strides = [1]} : vector<16xf32> to vector<1xf32>
      %squeeze3A_1232 = vector.extract %slice3A_1231[0] : f32 from vector<1xf32>
      %slice3A_1233 = vector.extract_strided_slice %select_n3A_1110 {offsets = [8], sizes = [1], strides = [1]} : vector<16xf32> to vector<1xf32>
      %squeeze3A_1234 = vector.extract %slice3A_1233[0] : f32 from vector<1xf32>
      %gt3A_1235 = arith.cmpf ogt, %squeeze3A_1232, %select_n3A_1225 : f32
      %lt3A_1236 = arith.cmpf olt, %squeeze3A_1234, %select_n3A_1228 : f32
      %select_n3A_1237 = arith.select %gt3A_1235, %squeeze3A_1232, %select_n3A_1225 : f32
      %jit3A_1238 = arith.constant 8 : i32
      %select_n3A_1239 = arith.select %gt3A_1235, %jit3A_1238, %select_n3A_1227 : i32
      %select_n3A_1240 = arith.select %lt3A_1236, %squeeze3A_1234, %select_n3A_1228 : f32
      %jit3A_1241 = arith.constant 8 : i32
      %select_n3A_1242 = arith.select %lt3A_1236, %jit3A_1241, %select_n3A_1230 : i32
      %slice3A_1243 = vector.extract_strided_slice %select_n3A_1109 {offsets = [9], sizes = [1], strides = [1]} : vector<16xf32> to vector<1xf32>
      %squeeze3A_1244 = vector.extract %slice3A_1243[0] : f32 from vector<1xf32>
      %slice3A_1245 = vector.extract_strided_slice %select_n3A_1110 {offsets = [9], sizes = [1], strides = [1]} : vector<16xf32> to vector<1xf32>
      %squeeze3A_1246 = vector.extract %slice3A_1245[0] : f32 from vector<1xf32>
      %gt3A_1247 = arith.cmpf ogt, %squeeze3A_1244, %select_n3A_1237 : f32
      %lt3A_1248 = arith.cmpf olt, %squeeze3A_1246, %select_n3A_1240 : f32
      %select_n3A_1249 = arith.select %gt3A_1247, %squeeze3A_1244, %select_n3A_1237 : f32
      %jit3A_1250 = arith.constant 9 : i32
      %select_n3A_1251 = arith.select %gt3A_1247, %jit3A_1250, %select_n3A_1239 : i32
      %select_n3A_1252 = arith.select %lt3A_1248, %squeeze3A_1246, %select_n3A_1240 : f32
      %jit3A_1253 = arith.constant 9 : i32
      %select_n3A_1254 = arith.select %lt3A_1248, %jit3A_1253, %select_n3A_1242 : i32
      %slice3A_1255 = vector.extract_strided_slice %select_n3A_1109 {offsets = [10], sizes = [1], strides = [1]} : vector<16xf32> to vector<1xf32>
      %squeeze3A_1256 = vector.extract %slice3A_1255[0] : f32 from vector<1xf32>
      %slice3A_1257 = vector.extract_strided_slice %select_n3A_1110 {offsets = [10], sizes = [1], strides = [1]} : vector<16xf32> to vector<1xf32>
      %squeeze3A_1258 = vector.extract %slice3A_1257[0] : f32 from vector<1xf32>
      %gt3A_1259 = arith.cmpf ogt, %squeeze3A_1256, %select_n3A_1249 : f32
      %lt3A_1260 = arith.cmpf olt, %squeeze3A_1258, %select_n3A_1252 : f32
      %select_n3A_1261 = arith.select %gt3A_1259, %squeeze3A_1256, %select_n3A_1249 : f32
      %jit3A_1262 = arith.constant 10 : i32
      %select_n3A_1263 = arith.select %gt3A_1259, %jit3A_1262, %select_n3A_1251 : i32
      %select_n3A_1264 = arith.select %lt3A_1260, %squeeze3A_1258, %select_n3A_1252 : f32
      %jit3A_1265 = arith.constant 10 : i32
      %select_n3A_1266 = arith.select %lt3A_1260, %jit3A_1265, %select_n3A_1254 : i32
      %slice3A_1267 = vector.extract_strided_slice %select_n3A_1109 {offsets = [11], sizes = [1], strides = [1]} : vector<16xf32> to vector<1xf32>
      %squeeze3A_1268 = vector.extract %slice3A_1267[0] : f32 from vector<1xf32>
      %slice3A_1269 = vector.extract_strided_slice %select_n3A_1110 {offsets = [11], sizes = [1], strides = [1]} : vector<16xf32> to vector<1xf32>
      %squeeze3A_1270 = vector.extract %slice3A_1269[0] : f32 from vector<1xf32>
      %gt3A_1271 = arith.cmpf ogt, %squeeze3A_1268, %select_n3A_1261 : f32
      %lt3A_1272 = arith.cmpf olt, %squeeze3A_1270, %select_n3A_1264 : f32
      %select_n3A_1273 = arith.select %gt3A_1271, %squeeze3A_1268, %select_n3A_1261 : f32
      %jit3A_1274 = arith.constant 11 : i32
      %select_n3A_1275 = arith.select %gt3A_1271, %jit3A_1274, %select_n3A_1263 : i32
      %select_n3A_1276 = arith.select %lt3A_1272, %squeeze3A_1270, %select_n3A_1264 : f32
      %jit3A_1277 = arith.constant 11 : i32
      %select_n3A_1278 = arith.select %lt3A_1272, %jit3A_1277, %select_n3A_1266 : i32
      %slice3A_1279 = vector.extract_strided_slice %select_n3A_1109 {offsets = [12], sizes = [1], strides = [1]} : vector<16xf32> to vector<1xf32>
      %squeeze3A_1280 = vector.extract %slice3A_1279[0] : f32 from vector<1xf32>
      %slice3A_1281 = vector.extract_strided_slice %select_n3A_1110 {offsets = [12], sizes = [1], strides = [1]} : vector<16xf32> to vector<1xf32>
      %squeeze3A_1282 = vector.extract %slice3A_1281[0] : f32 from vector<1xf32>
      %gt3A_1283 = arith.cmpf ogt, %squeeze3A_1280, %select_n3A_1273 : f32
      %lt3A_1284 = arith.cmpf olt, %squeeze3A_1282, %select_n3A_1276 : f32
      %select_n3A_1285 = arith.select %gt3A_1283, %squeeze3A_1280, %select_n3A_1273 : f32
      %jit3A_1286 = arith.constant 12 : i32
      %select_n3A_1287 = arith.select %gt3A_1283, %jit3A_1286, %select_n3A_1275 : i32
      %select_n3A_1288 = arith.select %lt3A_1284, %squeeze3A_1282, %select_n3A_1276 : f32
      %jit3A_1289 = arith.constant 12 : i32
      %select_n3A_1290 = arith.select %lt3A_1284, %jit3A_1289, %select_n3A_1278 : i32
      %slice3A_1291 = vector.extract_strided_slice %select_n3A_1109 {offsets = [13], sizes = [1], strides = [1]} : vector<16xf32> to vector<1xf32>
      %squeeze3A_1292 = vector.extract %slice3A_1291[0] : f32 from vector<1xf32>
      %slice3A_1293 = vector.extract_strided_slice %select_n3A_1110 {offsets = [13], sizes = [1], strides = [1]} : vector<16xf32> to vector<1xf32>
      %squeeze3A_1294 = vector.extract %slice3A_1293[0] : f32 from vector<1xf32>
      %gt3A_1295 = arith.cmpf ogt, %squeeze3A_1292, %select_n3A_1285 : f32
      %lt3A_1296 = arith.cmpf olt, %squeeze3A_1294, %select_n3A_1288 : f32
      %select_n3A_1297 = arith.select %gt3A_1295, %squeeze3A_1292, %select_n3A_1285 : f32
      %jit3A_1298 = arith.constant 13 : i32
      %select_n3A_1299 = arith.select %gt3A_1295, %jit3A_1298, %select_n3A_1287 : i32
      %select_n3A_1300 = arith.select %lt3A_1296, %squeeze3A_1294, %select_n3A_1288 : f32
      %jit3A_1301 = arith.constant 13 : i32
      %select_n3A_1302 = arith.select %lt3A_1296, %jit3A_1301, %select_n3A_1290 : i32
      %slice3A_1303 = vector.extract_strided_slice %select_n3A_1109 {offsets = [14], sizes = [1], strides = [1]} : vector<16xf32> to vector<1xf32>
      %squeeze3A_1304 = vector.extract %slice3A_1303[0] : f32 from vector<1xf32>
      %slice3A_1305 = vector.extract_strided_slice %select_n3A_1110 {offsets = [14], sizes = [1], strides = [1]} : vector<16xf32> to vector<1xf32>
      %squeeze3A_1306 = vector.extract %slice3A_1305[0] : f32 from vector<1xf32>
      %gt3A_1307 = arith.cmpf ogt, %squeeze3A_1304, %select_n3A_1297 : f32
      %lt3A_1308 = arith.cmpf olt, %squeeze3A_1306, %select_n3A_1300 : f32
      %select_n3A_1309 = arith.select %gt3A_1307, %squeeze3A_1304, %select_n3A_1297 : f32
      %jit3A_1310 = arith.constant 14 : i32
      %select_n3A_1311 = arith.select %gt3A_1307, %jit3A_1310, %select_n3A_1299 : i32
      %select_n3A_1312 = arith.select %lt3A_1308, %squeeze3A_1306, %select_n3A_1300 : f32
      %jit3A_1313 = arith.constant 14 : i32
      %select_n3A_1314 = arith.select %lt3A_1308, %jit3A_1313, %select_n3A_1302 : i32
      %slice3A_1315 = vector.extract_strided_slice %select_n3A_1109 {offsets = [15], sizes = [1], strides = [1]} : vector<16xf32> to vector<1xf32>
      %squeeze3A_1316 = vector.extract %slice3A_1315[0] : f32 from vector<1xf32>
      %slice3A_1317 = vector.extract_strided_slice %select_n3A_1110 {offsets = [15], sizes = [1], strides = [1]} : vector<16xf32> to vector<1xf32>
      %squeeze3A_1318 = vector.extract %slice3A_1317[0] : f32 from vector<1xf32>
      %gt3A_1319 = arith.cmpf ogt, %squeeze3A_1316, %select_n3A_1309 : f32
      %lt3A_1320 = arith.cmpf olt, %squeeze3A_1318, %select_n3A_1312 : f32
      %select_n3A_1321 = arith.select %gt3A_1319, %squeeze3A_1316, %select_n3A_1309 : f32
      %jit3A_1322 = arith.constant 15 : i32
      %select_n3A_1323 = arith.select %gt3A_1319, %jit3A_1322, %select_n3A_1311 : i32
      %select_n3A_1324 = arith.select %lt3A_1320, %squeeze3A_1318, %select_n3A_1312 : f32
      %jit3A_1325 = arith.constant 15 : i32
      %select_n3A_1326 = arith.select %lt3A_1320, %jit3A_1325, %select_n3A_1314 : i32
      %add3A_1327 = arith.addf %add3A_1103, %select_n3A_1321 : f32
      %add3A_1328 = arith.addf %add3A_1104, %select_n3A_1324 : f32
      %broadcast_in_dim3A_1329 = vector.broadcast %select_n3A_1323 : i32 to vector<16xi32>
      %eq3A_1330 = arith.cmpi eq, %iota3A, %broadcast_in_dim3A_1329 : vector<16xi32>
      %broadcast_in_dim3A_1331 = vector.broadcast %select_n3A_1326 : i32 to vector<16xi32>
      %eq3A_1332 = arith.cmpi eq, %iota3A, %broadcast_in_dim3A_1331 : vector<16xi32>
      %select_n3A_1333 = arith.select %eq3A_1330, %select_n3A_1111, %select_n3A_1109 : vector<16xi1>, vector<16xf32>
      %select_n3A_1334 = arith.select %eq3A_1332, %select_n3A_1112, %select_n3A_1110 : vector<16xi1>, vector<16xf32>
      %select_n3A_1335 = arith.select %eq3A_1330, %select_n3A_1113, %select_n3A_1111 : vector<16xi1>, vector<16xf32>
      %select_n3A_1336 = arith.select %eq3A_1332, %select_n3A_1114, %select_n3A_1112 : vector<16xi1>, vector<16xf32>
      %select_n3A_1337 = arith.select %eq3A_1330, %select_n3A_1115, %select_n3A_1113 : vector<16xi1>, vector<16xf32>
      %select_n3A_1338 = arith.select %eq3A_1332, %select_n3A_1116, %select_n3A_1114 : vector<16xi1>, vector<16xf32>
      %select_n3A_1339 = arith.select %eq3A_1330, %select_n3A_1117, %select_n3A_1115 : vector<16xi1>, vector<16xf32>
      %select_n3A_1340 = arith.select %eq3A_1332, %select_n3A_1118, %select_n3A_1116 : vector<16xi1>, vector<16xf32>
      %select_n3A_1341 = arith.select %eq3A_1330, %select_n3A_1119, %select_n3A_1117 : vector<16xi1>, vector<16xf32>
      %select_n3A_1342 = arith.select %eq3A_1332, %select_n3A_1120, %select_n3A_1118 : vector<16xi1>, vector<16xf32>
      %select_n3A_1343 = arith.select %eq3A_1330, %select_n3A_1121, %select_n3A_1119 : vector<16xi1>, vector<16xf32>
      %select_n3A_1344 = arith.select %eq3A_1332, %select_n3A_1122, %select_n3A_1120 : vector<16xi1>, vector<16xf32>
      %select_n3A_1345 = arith.select %eq3A_1330, %select_n3A_1123, %select_n3A_1121 : vector<16xi1>, vector<16xf32>
      %select_n3A_1346 = arith.select %eq3A_1332, %select_n3A_1124, %select_n3A_1122 : vector<16xi1>, vector<16xf32>
      %select_n3A_1347 = arith.select %eq3A_1330, %select_n3A_1125, %select_n3A_1123 : vector<16xi1>, vector<16xf32>
      %select_n3A_1348 = arith.select %eq3A_1332, %select_n3A_1126, %select_n3A_1124 : vector<16xi1>, vector<16xf32>
      %select_n3A_1349 = arith.select %eq3A_1330, %select_n3A_1127, %select_n3A_1125 : vector<16xi1>, vector<16xf32>
      %select_n3A_1350 = arith.select %eq3A_1332, %select_n3A_1128, %select_n3A_1126 : vector<16xi1>, vector<16xf32>
      %select_n3A_1351 = arith.select %eq3A_1330, %broadcast_in_dim3A_5, %select_n3A_1127 : vector<16xi1>, vector<16xf32>
      %select_n3A_1352 = arith.select %eq3A_1332, %broadcast_in_dim3A_7, %select_n3A_1128 : vector<16xi1>, vector<16xf32>
      %slice3A_1353 = vector.extract_strided_slice %select_n3A_1333 {offsets = [0], sizes = [1], strides = [1]} : vector<16xf32> to vector<1xf32>
      %squeeze3A_1354 = vector.extract %slice3A_1353[0] : f32 from vector<1xf32>
      %slice3A_1355 = vector.extract_strided_slice %select_n3A_1334 {offsets = [0], sizes = [1], strides = [1]} : vector<16xf32> to vector<1xf32>
      %squeeze3A_1356 = vector.extract %slice3A_1355[0] : f32 from vector<1xf32>
      %gt3A_1357 = arith.constant 0xFF800000 : f32
      %gt3A_1358 = arith.cmpf ogt, %squeeze3A_1354, %gt3A_1357 : f32
      %lt3A_1359 = arith.constant 0x7F800000 : f32
      %lt3A_1360 = arith.cmpf olt, %squeeze3A_1356, %lt3A_1359 : f32
      %jit3A_1361 = arith.constant 0xFF800000 : f32
      %select_n3A_1362 = arith.select %gt3A_1358, %squeeze3A_1354, %jit3A_1361 : f32
      %jit3A_1363 = arith.constant 0 : i32
      %jit3A_1364 = arith.constant 0 : i32
      %select_n3A_1365 = arith.select %gt3A_1358, %jit3A_1363, %jit3A_1364 : i32
      %jit3A_1366 = arith.constant 0x7F800000 : f32
      %select_n3A_1367 = arith.select %lt3A_1360, %squeeze3A_1356, %jit3A_1366 : f32
      %jit3A_1368 = arith.constant 0 : i32
      %jit3A_1369 = arith.constant 0 : i32
      %select_n3A_1370 = arith.select %lt3A_1360, %jit3A_1368, %jit3A_1369 : i32
      %slice3A_1371 = vector.extract_strided_slice %select_n3A_1333 {offsets = [1], sizes = [1], strides = [1]} : vector<16xf32> to vector<1xf32>
      %squeeze3A_1372 = vector.extract %slice3A_1371[0] : f32 from vector<1xf32>
      %slice3A_1373 = vector.extract_strided_slice %select_n3A_1334 {offsets = [1], sizes = [1], strides = [1]} : vector<16xf32> to vector<1xf32>
      %squeeze3A_1374 = vector.extract %slice3A_1373[0] : f32 from vector<1xf32>
      %gt3A_1375 = arith.cmpf ogt, %squeeze3A_1372, %select_n3A_1362 : f32
      %lt3A_1376 = arith.cmpf olt, %squeeze3A_1374, %select_n3A_1367 : f32
      %select_n3A_1377 = arith.select %gt3A_1375, %squeeze3A_1372, %select_n3A_1362 : f32
      %jit3A_1378 = arith.constant 1 : i32
      %select_n3A_1379 = arith.select %gt3A_1375, %jit3A_1378, %select_n3A_1365 : i32
      %select_n3A_1380 = arith.select %lt3A_1376, %squeeze3A_1374, %select_n3A_1367 : f32
      %jit3A_1381 = arith.constant 1 : i32
      %select_n3A_1382 = arith.select %lt3A_1376, %jit3A_1381, %select_n3A_1370 : i32
      %slice3A_1383 = vector.extract_strided_slice %select_n3A_1333 {offsets = [2], sizes = [1], strides = [1]} : vector<16xf32> to vector<1xf32>
      %squeeze3A_1384 = vector.extract %slice3A_1383[0] : f32 from vector<1xf32>
      %slice3A_1385 = vector.extract_strided_slice %select_n3A_1334 {offsets = [2], sizes = [1], strides = [1]} : vector<16xf32> to vector<1xf32>
      %squeeze3A_1386 = vector.extract %slice3A_1385[0] : f32 from vector<1xf32>
      %gt3A_1387 = arith.cmpf ogt, %squeeze3A_1384, %select_n3A_1377 : f32
      %lt3A_1388 = arith.cmpf olt, %squeeze3A_1386, %select_n3A_1380 : f32
      %select_n3A_1389 = arith.select %gt3A_1387, %squeeze3A_1384, %select_n3A_1377 : f32
      %jit3A_1390 = arith.constant 2 : i32
      %select_n3A_1391 = arith.select %gt3A_1387, %jit3A_1390, %select_n3A_1379 : i32
      %select_n3A_1392 = arith.select %lt3A_1388, %squeeze3A_1386, %select_n3A_1380 : f32
      %jit3A_1393 = arith.constant 2 : i32
      %select_n3A_1394 = arith.select %lt3A_1388, %jit3A_1393, %select_n3A_1382 : i32
      %slice3A_1395 = vector.extract_strided_slice %select_n3A_1333 {offsets = [3], sizes = [1], strides = [1]} : vector<16xf32> to vector<1xf32>
      %squeeze3A_1396 = vector.extract %slice3A_1395[0] : f32 from vector<1xf32>
      %slice3A_1397 = vector.extract_strided_slice %select_n3A_1334 {offsets = [3], sizes = [1], strides = [1]} : vector<16xf32> to vector<1xf32>
      %squeeze3A_1398 = vector.extract %slice3A_1397[0] : f32 from vector<1xf32>
      %gt3A_1399 = arith.cmpf ogt, %squeeze3A_1396, %select_n3A_1389 : f32
      %lt3A_1400 = arith.cmpf olt, %squeeze3A_1398, %select_n3A_1392 : f32
      %select_n3A_1401 = arith.select %gt3A_1399, %squeeze3A_1396, %select_n3A_1389 : f32
      %jit3A_1402 = arith.constant 3 : i32
      %select_n3A_1403 = arith.select %gt3A_1399, %jit3A_1402, %select_n3A_1391 : i32
      %select_n3A_1404 = arith.select %lt3A_1400, %squeeze3A_1398, %select_n3A_1392 : f32
      %jit3A_1405 = arith.constant 3 : i32
      %select_n3A_1406 = arith.select %lt3A_1400, %jit3A_1405, %select_n3A_1394 : i32
      %slice3A_1407 = vector.extract_strided_slice %select_n3A_1333 {offsets = [4], sizes = [1], strides = [1]} : vector<16xf32> to vector<1xf32>
      %squeeze3A_1408 = vector.extract %slice3A_1407[0] : f32 from vector<1xf32>
      %slice3A_1409 = vector.extract_strided_slice %select_n3A_1334 {offsets = [4], sizes = [1], strides = [1]} : vector<16xf32> to vector<1xf32>
      %squeeze3A_1410 = vector.extract %slice3A_1409[0] : f32 from vector<1xf32>
      %gt3A_1411 = arith.cmpf ogt, %squeeze3A_1408, %select_n3A_1401 : f32
      %lt3A_1412 = arith.cmpf olt, %squeeze3A_1410, %select_n3A_1404 : f32
      %select_n3A_1413 = arith.select %gt3A_1411, %squeeze3A_1408, %select_n3A_1401 : f32
      %jit3A_1414 = arith.constant 4 : i32
      %select_n3A_1415 = arith.select %gt3A_1411, %jit3A_1414, %select_n3A_1403 : i32
      %select_n3A_1416 = arith.select %lt3A_1412, %squeeze3A_1410, %select_n3A_1404 : f32
      %jit3A_1417 = arith.constant 4 : i32
      %select_n3A_1418 = arith.select %lt3A_1412, %jit3A_1417, %select_n3A_1406 : i32
      %slice3A_1419 = vector.extract_strided_slice %select_n3A_1333 {offsets = [5], sizes = [1], strides = [1]} : vector<16xf32> to vector<1xf32>
      %squeeze3A_1420 = vector.extract %slice3A_1419[0] : f32 from vector<1xf32>
      %slice3A_1421 = vector.extract_strided_slice %select_n3A_1334 {offsets = [5], sizes = [1], strides = [1]} : vector<16xf32> to vector<1xf32>
      %squeeze3A_1422 = vector.extract %slice3A_1421[0] : f32 from vector<1xf32>
      %gt3A_1423 = arith.cmpf ogt, %squeeze3A_1420, %select_n3A_1413 : f32
      %lt3A_1424 = arith.cmpf olt, %squeeze3A_1422, %select_n3A_1416 : f32
      %select_n3A_1425 = arith.select %gt3A_1423, %squeeze3A_1420, %select_n3A_1413 : f32
      %jit3A_1426 = arith.constant 5 : i32
      %select_n3A_1427 = arith.select %gt3A_1423, %jit3A_1426, %select_n3A_1415 : i32
      %select_n3A_1428 = arith.select %lt3A_1424, %squeeze3A_1422, %select_n3A_1416 : f32
      %jit3A_1429 = arith.constant 5 : i32
      %select_n3A_1430 = arith.select %lt3A_1424, %jit3A_1429, %select_n3A_1418 : i32
      %slice3A_1431 = vector.extract_strided_slice %select_n3A_1333 {offsets = [6], sizes = [1], strides = [1]} : vector<16xf32> to vector<1xf32>
      %squeeze3A_1432 = vector.extract %slice3A_1431[0] : f32 from vector<1xf32>
      %slice3A_1433 = vector.extract_strided_slice %select_n3A_1334 {offsets = [6], sizes = [1], strides = [1]} : vector<16xf32> to vector<1xf32>
      %squeeze3A_1434 = vector.extract %slice3A_1433[0] : f32 from vector<1xf32>
      %gt3A_1435 = arith.cmpf ogt, %squeeze3A_1432, %select_n3A_1425 : f32
      %lt3A_1436 = arith.cmpf olt, %squeeze3A_1434, %select_n3A_1428 : f32
      %select_n3A_1437 = arith.select %gt3A_1435, %squeeze3A_1432, %select_n3A_1425 : f32
      %jit3A_1438 = arith.constant 6 : i32
      %select_n3A_1439 = arith.select %gt3A_1435, %jit3A_1438, %select_n3A_1427 : i32
      %select_n3A_1440 = arith.select %lt3A_1436, %squeeze3A_1434, %select_n3A_1428 : f32
      %jit3A_1441 = arith.constant 6 : i32
      %select_n3A_1442 = arith.select %lt3A_1436, %jit3A_1441, %select_n3A_1430 : i32
      %slice3A_1443 = vector.extract_strided_slice %select_n3A_1333 {offsets = [7], sizes = [1], strides = [1]} : vector<16xf32> to vector<1xf32>
      %squeeze3A_1444 = vector.extract %slice3A_1443[0] : f32 from vector<1xf32>
      %slice3A_1445 = vector.extract_strided_slice %select_n3A_1334 {offsets = [7], sizes = [1], strides = [1]} : vector<16xf32> to vector<1xf32>
      %squeeze3A_1446 = vector.extract %slice3A_1445[0] : f32 from vector<1xf32>
      %gt3A_1447 = arith.cmpf ogt, %squeeze3A_1444, %select_n3A_1437 : f32
      %lt3A_1448 = arith.cmpf olt, %squeeze3A_1446, %select_n3A_1440 : f32
      %select_n3A_1449 = arith.select %gt3A_1447, %squeeze3A_1444, %select_n3A_1437 : f32
      %jit3A_1450 = arith.constant 7 : i32
      %select_n3A_1451 = arith.select %gt3A_1447, %jit3A_1450, %select_n3A_1439 : i32
      %select_n3A_1452 = arith.select %lt3A_1448, %squeeze3A_1446, %select_n3A_1440 : f32
      %jit3A_1453 = arith.constant 7 : i32
      %select_n3A_1454 = arith.select %lt3A_1448, %jit3A_1453, %select_n3A_1442 : i32
      %slice3A_1455 = vector.extract_strided_slice %select_n3A_1333 {offsets = [8], sizes = [1], strides = [1]} : vector<16xf32> to vector<1xf32>
      %squeeze3A_1456 = vector.extract %slice3A_1455[0] : f32 from vector<1xf32>
      %slice3A_1457 = vector.extract_strided_slice %select_n3A_1334 {offsets = [8], sizes = [1], strides = [1]} : vector<16xf32> to vector<1xf32>
      %squeeze3A_1458 = vector.extract %slice3A_1457[0] : f32 from vector<1xf32>
      %gt3A_1459 = arith.cmpf ogt, %squeeze3A_1456, %select_n3A_1449 : f32
      %lt3A_1460 = arith.cmpf olt, %squeeze3A_1458, %select_n3A_1452 : f32
      %select_n3A_1461 = arith.select %gt3A_1459, %squeeze3A_1456, %select_n3A_1449 : f32
      %jit3A_1462 = arith.constant 8 : i32
      %select_n3A_1463 = arith.select %gt3A_1459, %jit3A_1462, %select_n3A_1451 : i32
      %select_n3A_1464 = arith.select %lt3A_1460, %squeeze3A_1458, %select_n3A_1452 : f32
      %jit3A_1465 = arith.constant 8 : i32
      %select_n3A_1466 = arith.select %lt3A_1460, %jit3A_1465, %select_n3A_1454 : i32
      %slice3A_1467 = vector.extract_strided_slice %select_n3A_1333 {offsets = [9], sizes = [1], strides = [1]} : vector<16xf32> to vector<1xf32>
      %squeeze3A_1468 = vector.extract %slice3A_1467[0] : f32 from vector<1xf32>
      %slice3A_1469 = vector.extract_strided_slice %select_n3A_1334 {offsets = [9], sizes = [1], strides = [1]} : vector<16xf32> to vector<1xf32>
      %squeeze3A_1470 = vector.extract %slice3A_1469[0] : f32 from vector<1xf32>
      %gt3A_1471 = arith.cmpf ogt, %squeeze3A_1468, %select_n3A_1461 : f32
      %lt3A_1472 = arith.cmpf olt, %squeeze3A_1470, %select_n3A_1464 : f32
      %select_n3A_1473 = arith.select %gt3A_1471, %squeeze3A_1468, %select_n3A_1461 : f32
      %jit3A_1474 = arith.constant 9 : i32
      %select_n3A_1475 = arith.select %gt3A_1471, %jit3A_1474, %select_n3A_1463 : i32
      %select_n3A_1476 = arith.select %lt3A_1472, %squeeze3A_1470, %select_n3A_1464 : f32
      %jit3A_1477 = arith.constant 9 : i32
      %select_n3A_1478 = arith.select %lt3A_1472, %jit3A_1477, %select_n3A_1466 : i32
      %slice3A_1479 = vector.extract_strided_slice %select_n3A_1333 {offsets = [10], sizes = [1], strides = [1]} : vector<16xf32> to vector<1xf32>
      %squeeze3A_1480 = vector.extract %slice3A_1479[0] : f32 from vector<1xf32>
      %slice3A_1481 = vector.extract_strided_slice %select_n3A_1334 {offsets = [10], sizes = [1], strides = [1]} : vector<16xf32> to vector<1xf32>
      %squeeze3A_1482 = vector.extract %slice3A_1481[0] : f32 from vector<1xf32>
      %gt3A_1483 = arith.cmpf ogt, %squeeze3A_1480, %select_n3A_1473 : f32
      %lt3A_1484 = arith.cmpf olt, %squeeze3A_1482, %select_n3A_1476 : f32
      %select_n3A_1485 = arith.select %gt3A_1483, %squeeze3A_1480, %select_n3A_1473 : f32
      %jit3A_1486 = arith.constant 10 : i32
      %select_n3A_1487 = arith.select %gt3A_1483, %jit3A_1486, %select_n3A_1475 : i32
      %select_n3A_1488 = arith.select %lt3A_1484, %squeeze3A_1482, %select_n3A_1476 : f32
      %jit3A_1489 = arith.constant 10 : i32
      %select_n3A_1490 = arith.select %lt3A_1484, %jit3A_1489, %select_n3A_1478 : i32
      %slice3A_1491 = vector.extract_strided_slice %select_n3A_1333 {offsets = [11], sizes = [1], strides = [1]} : vector<16xf32> to vector<1xf32>
      %squeeze3A_1492 = vector.extract %slice3A_1491[0] : f32 from vector<1xf32>
      %slice3A_1493 = vector.extract_strided_slice %select_n3A_1334 {offsets = [11], sizes = [1], strides = [1]} : vector<16xf32> to vector<1xf32>
      %squeeze3A_1494 = vector.extract %slice3A_1493[0] : f32 from vector<1xf32>
      %gt3A_1495 = arith.cmpf ogt, %squeeze3A_1492, %select_n3A_1485 : f32
      %lt3A_1496 = arith.cmpf olt, %squeeze3A_1494, %select_n3A_1488 : f32
      %select_n3A_1497 = arith.select %gt3A_1495, %squeeze3A_1492, %select_n3A_1485 : f32
      %jit3A_1498 = arith.constant 11 : i32
      %select_n3A_1499 = arith.select %gt3A_1495, %jit3A_1498, %select_n3A_1487 : i32
      %select_n3A_1500 = arith.select %lt3A_1496, %squeeze3A_1494, %select_n3A_1488 : f32
      %jit3A_1501 = arith.constant 11 : i32
      %select_n3A_1502 = arith.select %lt3A_1496, %jit3A_1501, %select_n3A_1490 : i32
      %slice3A_1503 = vector.extract_strided_slice %select_n3A_1333 {offsets = [12], sizes = [1], strides = [1]} : vector<16xf32> to vector<1xf32>
      %squeeze3A_1504 = vector.extract %slice3A_1503[0] : f32 from vector<1xf32>
      %slice3A_1505 = vector.extract_strided_slice %select_n3A_1334 {offsets = [12], sizes = [1], strides = [1]} : vector<16xf32> to vector<1xf32>
      %squeeze3A_1506 = vector.extract %slice3A_1505[0] : f32 from vector<1xf32>
      %gt3A_1507 = arith.cmpf ogt, %squeeze3A_1504, %select_n3A_1497 : f32
      %lt3A_1508 = arith.cmpf olt, %squeeze3A_1506, %select_n3A_1500 : f32
      %select_n3A_1509 = arith.select %gt3A_1507, %squeeze3A_1504, %select_n3A_1497 : f32
      %jit3A_1510 = arith.constant 12 : i32
      %select_n3A_1511 = arith.select %gt3A_1507, %jit3A_1510, %select_n3A_1499 : i32
      %select_n3A_1512 = arith.select %lt3A_1508, %squeeze3A_1506, %select_n3A_1500 : f32
      %jit3A_1513 = arith.constant 12 : i32
      %select_n3A_1514 = arith.select %lt3A_1508, %jit3A_1513, %select_n3A_1502 : i32
      %slice3A_1515 = vector.extract_strided_slice %select_n3A_1333 {offsets = [13], sizes = [1], strides = [1]} : vector<16xf32> to vector<1xf32>
      %squeeze3A_1516 = vector.extract %slice3A_1515[0] : f32 from vector<1xf32>
      %slice3A_1517 = vector.extract_strided_slice %select_n3A_1334 {offsets = [13], sizes = [1], strides = [1]} : vector<16xf32> to vector<1xf32>
      %squeeze3A_1518 = vector.extract %slice3A_1517[0] : f32 from vector<1xf32>
      %gt3A_1519 = arith.cmpf ogt, %squeeze3A_1516, %select_n3A_1509 : f32
      %lt3A_1520 = arith.cmpf olt, %squeeze3A_1518, %select_n3A_1512 : f32
      %select_n3A_1521 = arith.select %gt3A_1519, %squeeze3A_1516, %select_n3A_1509 : f32
      %jit3A_1522 = arith.constant 13 : i32
      %select_n3A_1523 = arith.select %gt3A_1519, %jit3A_1522, %select_n3A_1511 : i32
      %select_n3A_1524 = arith.select %lt3A_1520, %squeeze3A_1518, %select_n3A_1512 : f32
      %jit3A_1525 = arith.constant 13 : i32
      %select_n3A_1526 = arith.select %lt3A_1520, %jit3A_1525, %select_n3A_1514 : i32
      %slice3A_1527 = vector.extract_strided_slice %select_n3A_1333 {offsets = [14], sizes = [1], strides = [1]} : vector<16xf32> to vector<1xf32>
      %squeeze3A_1528 = vector.extract %slice3A_1527[0] : f32 from vector<1xf32>
      %slice3A_1529 = vector.extract_strided_slice %select_n3A_1334 {offsets = [14], sizes = [1], strides = [1]} : vector<16xf32> to vector<1xf32>
      %squeeze3A_1530 = vector.extract %slice3A_1529[0] : f32 from vector<1xf32>
      %gt3A_1531 = arith.cmpf ogt, %squeeze3A_1528, %select_n3A_1521 : f32
      %lt3A_1532 = arith.cmpf olt, %squeeze3A_1530, %select_n3A_1524 : f32
      %select_n3A_1533 = arith.select %gt3A_1531, %squeeze3A_1528, %select_n3A_1521 : f32
      %jit3A_1534 = arith.constant 14 : i32
      %select_n3A_1535 = arith.select %gt3A_1531, %jit3A_1534, %select_n3A_1523 : i32
      %select_n3A_1536 = arith.select %lt3A_1532, %squeeze3A_1530, %select_n3A_1524 : f32
      %jit3A_1537 = arith.constant 14 : i32
      %select_n3A_1538 = arith.select %lt3A_1532, %jit3A_1537, %select_n3A_1526 : i32
      %slice3A_1539 = vector.extract_strided_slice %select_n3A_1333 {offsets = [15], sizes = [1], strides = [1]} : vector<16xf32> to vector<1xf32>
      %squeeze3A_1540 = vector.extract %slice3A_1539[0] : f32 from vector<1xf32>
      %slice3A_1541 = vector.extract_strided_slice %select_n3A_1334 {offsets = [15], sizes = [1], strides = [1]} : vector<16xf32> to vector<1xf32>
      %squeeze3A_1542 = vector.extract %slice3A_1541[0] : f32 from vector<1xf32>
      %gt3A_1543 = arith.cmpf ogt, %squeeze3A_1540, %select_n3A_1533 : f32
      %lt3A_1544 = arith.cmpf olt, %squeeze3A_1542, %select_n3A_1536 : f32
      %select_n3A_1545 = arith.select %gt3A_1543, %squeeze3A_1540, %select_n3A_1533 : f32
      %jit3A_1546 = arith.constant 15 : i32
      %select_n3A_1547 = arith.select %gt3A_1543, %jit3A_1546, %select_n3A_1535 : i32
      %select_n3A_1548 = arith.select %lt3A_1544, %squeeze3A_1542, %select_n3A_1536 : f32
      %jit3A_1549 = arith.constant 15 : i32
      %select_n3A_1550 = arith.select %lt3A_1544, %jit3A_1549, %select_n3A_1538 : i32
      %add3A_1551 = arith.addf %add3A_1327, %select_n3A_1545 : f32
      %add3A_1552 = arith.addf %add3A_1328, %select_n3A_1548 : f32
      %broadcast_in_dim3A_1553 = vector.broadcast %select_n3A_1547 : i32 to vector<16xi32>
      %eq3A_1554 = arith.cmpi eq, %iota3A, %broadcast_in_dim3A_1553 : vector<16xi32>
      %broadcast_in_dim3A_1555 = vector.broadcast %select_n3A_1550 : i32 to vector<16xi32>
      %eq3A_1556 = arith.cmpi eq, %iota3A, %broadcast_in_dim3A_1555 : vector<16xi32>
      %select_n3A_1557 = arith.select %eq3A_1554, %select_n3A_1335, %select_n3A_1333 : vector<16xi1>, vector<16xf32>
      %select_n3A_1558 = arith.select %eq3A_1556, %select_n3A_1336, %select_n3A_1334 : vector<16xi1>, vector<16xf32>
      %select_n3A_1559 = arith.select %eq3A_1554, %select_n3A_1337, %select_n3A_1335 : vector<16xi1>, vector<16xf32>
      %select_n3A_1560 = arith.select %eq3A_1556, %select_n3A_1338, %select_n3A_1336 : vector<16xi1>, vector<16xf32>
      %select_n3A_1561 = arith.select %eq3A_1554, %select_n3A_1339, %select_n3A_1337 : vector<16xi1>, vector<16xf32>
      %select_n3A_1562 = arith.select %eq3A_1556, %select_n3A_1340, %select_n3A_1338 : vector<16xi1>, vector<16xf32>
      %select_n3A_1563 = arith.select %eq3A_1554, %select_n3A_1341, %select_n3A_1339 : vector<16xi1>, vector<16xf32>
      %select_n3A_1564 = arith.select %eq3A_1556, %select_n3A_1342, %select_n3A_1340 : vector<16xi1>, vector<16xf32>
      %select_n3A_1565 = arith.select %eq3A_1554, %select_n3A_1343, %select_n3A_1341 : vector<16xi1>, vector<16xf32>
      %select_n3A_1566 = arith.select %eq3A_1556, %select_n3A_1344, %select_n3A_1342 : vector<16xi1>, vector<16xf32>
      %select_n3A_1567 = arith.select %eq3A_1554, %select_n3A_1345, %select_n3A_1343 : vector<16xi1>, vector<16xf32>
      %select_n3A_1568 = arith.select %eq3A_1556, %select_n3A_1346, %select_n3A_1344 : vector<16xi1>, vector<16xf32>
      %select_n3A_1569 = arith.select %eq3A_1554, %select_n3A_1347, %select_n3A_1345 : vector<16xi1>, vector<16xf32>
      %select_n3A_1570 = arith.select %eq3A_1556, %select_n3A_1348, %select_n3A_1346 : vector<16xi1>, vector<16xf32>
      %select_n3A_1571 = arith.select %eq3A_1554, %select_n3A_1349, %select_n3A_1347 : vector<16xi1>, vector<16xf32>
      %select_n3A_1572 = arith.select %eq3A_1556, %select_n3A_1350, %select_n3A_1348 : vector<16xi1>, vector<16xf32>
      %select_n3A_1573 = arith.select %eq3A_1554, %select_n3A_1351, %select_n3A_1349 : vector<16xi1>, vector<16xf32>
      %select_n3A_1574 = arith.select %eq3A_1556, %select_n3A_1352, %select_n3A_1350 : vector<16xi1>, vector<16xf32>
      %select_n3A_1575 = arith.select %eq3A_1554, %broadcast_in_dim3A_5, %select_n3A_1351 : vector<16xi1>, vector<16xf32>
      %select_n3A_1576 = arith.select %eq3A_1556, %broadcast_in_dim3A_7, %select_n3A_1352 : vector<16xi1>, vector<16xf32>
      %slice3A_1577 = vector.extract_strided_slice %select_n3A_1557 {offsets = [0], sizes = [1], strides = [1]} : vector<16xf32> to vector<1xf32>
      %squeeze3A_1578 = vector.extract %slice3A_1577[0] : f32 from vector<1xf32>
      %slice3A_1579 = vector.extract_strided_slice %select_n3A_1558 {offsets = [0], sizes = [1], strides = [1]} : vector<16xf32> to vector<1xf32>
      %squeeze3A_1580 = vector.extract %slice3A_1579[0] : f32 from vector<1xf32>
      %gt3A_1581 = arith.constant 0xFF800000 : f32
      %gt3A_1582 = arith.cmpf ogt, %squeeze3A_1578, %gt3A_1581 : f32
      %lt3A_1583 = arith.constant 0x7F800000 : f32
      %lt3A_1584 = arith.cmpf olt, %squeeze3A_1580, %lt3A_1583 : f32
      %jit3A_1585 = arith.constant 0xFF800000 : f32
      %select_n3A_1586 = arith.select %gt3A_1582, %squeeze3A_1578, %jit3A_1585 : f32
      %jit3A_1587 = arith.constant 0 : i32
      %jit3A_1588 = arith.constant 0 : i32
      %select_n3A_1589 = arith.select %gt3A_1582, %jit3A_1587, %jit3A_1588 : i32
      %jit3A_1590 = arith.constant 0x7F800000 : f32
      %select_n3A_1591 = arith.select %lt3A_1584, %squeeze3A_1580, %jit3A_1590 : f32
      %jit3A_1592 = arith.constant 0 : i32
      %jit3A_1593 = arith.constant 0 : i32
      %select_n3A_1594 = arith.select %lt3A_1584, %jit3A_1592, %jit3A_1593 : i32
      %slice3A_1595 = vector.extract_strided_slice %select_n3A_1557 {offsets = [1], sizes = [1], strides = [1]} : vector<16xf32> to vector<1xf32>
      %squeeze3A_1596 = vector.extract %slice3A_1595[0] : f32 from vector<1xf32>
      %slice3A_1597 = vector.extract_strided_slice %select_n3A_1558 {offsets = [1], sizes = [1], strides = [1]} : vector<16xf32> to vector<1xf32>
      %squeeze3A_1598 = vector.extract %slice3A_1597[0] : f32 from vector<1xf32>
      %gt3A_1599 = arith.cmpf ogt, %squeeze3A_1596, %select_n3A_1586 : f32
      %lt3A_1600 = arith.cmpf olt, %squeeze3A_1598, %select_n3A_1591 : f32
      %select_n3A_1601 = arith.select %gt3A_1599, %squeeze3A_1596, %select_n3A_1586 : f32
      %jit3A_1602 = arith.constant 1 : i32
      %select_n3A_1603 = arith.select %gt3A_1599, %jit3A_1602, %select_n3A_1589 : i32
      %select_n3A_1604 = arith.select %lt3A_1600, %squeeze3A_1598, %select_n3A_1591 : f32
      %jit3A_1605 = arith.constant 1 : i32
      %select_n3A_1606 = arith.select %lt3A_1600, %jit3A_1605, %select_n3A_1594 : i32
      %slice3A_1607 = vector.extract_strided_slice %select_n3A_1557 {offsets = [2], sizes = [1], strides = [1]} : vector<16xf32> to vector<1xf32>
      %squeeze3A_1608 = vector.extract %slice3A_1607[0] : f32 from vector<1xf32>
      %slice3A_1609 = vector.extract_strided_slice %select_n3A_1558 {offsets = [2], sizes = [1], strides = [1]} : vector<16xf32> to vector<1xf32>
      %squeeze3A_1610 = vector.extract %slice3A_1609[0] : f32 from vector<1xf32>
      %gt3A_1611 = arith.cmpf ogt, %squeeze3A_1608, %select_n3A_1601 : f32
      %lt3A_1612 = arith.cmpf olt, %squeeze3A_1610, %select_n3A_1604 : f32
      %select_n3A_1613 = arith.select %gt3A_1611, %squeeze3A_1608, %select_n3A_1601 : f32
      %jit3A_1614 = arith.constant 2 : i32
      %select_n3A_1615 = arith.select %gt3A_1611, %jit3A_1614, %select_n3A_1603 : i32
      %select_n3A_1616 = arith.select %lt3A_1612, %squeeze3A_1610, %select_n3A_1604 : f32
      %jit3A_1617 = arith.constant 2 : i32
      %select_n3A_1618 = arith.select %lt3A_1612, %jit3A_1617, %select_n3A_1606 : i32
      %slice3A_1619 = vector.extract_strided_slice %select_n3A_1557 {offsets = [3], sizes = [1], strides = [1]} : vector<16xf32> to vector<1xf32>
      %squeeze3A_1620 = vector.extract %slice3A_1619[0] : f32 from vector<1xf32>
      %slice3A_1621 = vector.extract_strided_slice %select_n3A_1558 {offsets = [3], sizes = [1], strides = [1]} : vector<16xf32> to vector<1xf32>
      %squeeze3A_1622 = vector.extract %slice3A_1621[0] : f32 from vector<1xf32>
      %gt3A_1623 = arith.cmpf ogt, %squeeze3A_1620, %select_n3A_1613 : f32
      %lt3A_1624 = arith.cmpf olt, %squeeze3A_1622, %select_n3A_1616 : f32
      %select_n3A_1625 = arith.select %gt3A_1623, %squeeze3A_1620, %select_n3A_1613 : f32
      %jit3A_1626 = arith.constant 3 : i32
      %select_n3A_1627 = arith.select %gt3A_1623, %jit3A_1626, %select_n3A_1615 : i32
      %select_n3A_1628 = arith.select %lt3A_1624, %squeeze3A_1622, %select_n3A_1616 : f32
      %jit3A_1629 = arith.constant 3 : i32
      %select_n3A_1630 = arith.select %lt3A_1624, %jit3A_1629, %select_n3A_1618 : i32
      %slice3A_1631 = vector.extract_strided_slice %select_n3A_1557 {offsets = [4], sizes = [1], strides = [1]} : vector<16xf32> to vector<1xf32>
      %squeeze3A_1632 = vector.extract %slice3A_1631[0] : f32 from vector<1xf32>
      %slice3A_1633 = vector.extract_strided_slice %select_n3A_1558 {offsets = [4], sizes = [1], strides = [1]} : vector<16xf32> to vector<1xf32>
      %squeeze3A_1634 = vector.extract %slice3A_1633[0] : f32 from vector<1xf32>
      %gt3A_1635 = arith.cmpf ogt, %squeeze3A_1632, %select_n3A_1625 : f32
      %lt3A_1636 = arith.cmpf olt, %squeeze3A_1634, %select_n3A_1628 : f32
      %select_n3A_1637 = arith.select %gt3A_1635, %squeeze3A_1632, %select_n3A_1625 : f32
      %jit3A_1638 = arith.constant 4 : i32
      %select_n3A_1639 = arith.select %gt3A_1635, %jit3A_1638, %select_n3A_1627 : i32
      %select_n3A_1640 = arith.select %lt3A_1636, %squeeze3A_1634, %select_n3A_1628 : f32
      %jit3A_1641 = arith.constant 4 : i32
      %select_n3A_1642 = arith.select %lt3A_1636, %jit3A_1641, %select_n3A_1630 : i32
      %slice3A_1643 = vector.extract_strided_slice %select_n3A_1557 {offsets = [5], sizes = [1], strides = [1]} : vector<16xf32> to vector<1xf32>
      %squeeze3A_1644 = vector.extract %slice3A_1643[0] : f32 from vector<1xf32>
      %slice3A_1645 = vector.extract_strided_slice %select_n3A_1558 {offsets = [5], sizes = [1], strides = [1]} : vector<16xf32> to vector<1xf32>
      %squeeze3A_1646 = vector.extract %slice3A_1645[0] : f32 from vector<1xf32>
      %gt3A_1647 = arith.cmpf ogt, %squeeze3A_1644, %select_n3A_1637 : f32
      %lt3A_1648 = arith.cmpf olt, %squeeze3A_1646, %select_n3A_1640 : f32
      %select_n3A_1649 = arith.select %gt3A_1647, %squeeze3A_1644, %select_n3A_1637 : f32
      %jit3A_1650 = arith.constant 5 : i32
      %select_n3A_1651 = arith.select %gt3A_1647, %jit3A_1650, %select_n3A_1639 : i32
      %select_n3A_1652 = arith.select %lt3A_1648, %squeeze3A_1646, %select_n3A_1640 : f32
      %jit3A_1653 = arith.constant 5 : i32
      %select_n3A_1654 = arith.select %lt3A_1648, %jit3A_1653, %select_n3A_1642 : i32
      %slice3A_1655 = vector.extract_strided_slice %select_n3A_1557 {offsets = [6], sizes = [1], strides = [1]} : vector<16xf32> to vector<1xf32>
      %squeeze3A_1656 = vector.extract %slice3A_1655[0] : f32 from vector<1xf32>
      %slice3A_1657 = vector.extract_strided_slice %select_n3A_1558 {offsets = [6], sizes = [1], strides = [1]} : vector<16xf32> to vector<1xf32>
      %squeeze3A_1658 = vector.extract %slice3A_1657[0] : f32 from vector<1xf32>
      %gt3A_1659 = arith.cmpf ogt, %squeeze3A_1656, %select_n3A_1649 : f32
      %lt3A_1660 = arith.cmpf olt, %squeeze3A_1658, %select_n3A_1652 : f32
      %select_n3A_1661 = arith.select %gt3A_1659, %squeeze3A_1656, %select_n3A_1649 : f32
      %jit3A_1662 = arith.constant 6 : i32
      %select_n3A_1663 = arith.select %gt3A_1659, %jit3A_1662, %select_n3A_1651 : i32
      %select_n3A_1664 = arith.select %lt3A_1660, %squeeze3A_1658, %select_n3A_1652 : f32
      %jit3A_1665 = arith.constant 6 : i32
      %select_n3A_1666 = arith.select %lt3A_1660, %jit3A_1665, %select_n3A_1654 : i32
      %slice3A_1667 = vector.extract_strided_slice %select_n3A_1557 {offsets = [7], sizes = [1], strides = [1]} : vector<16xf32> to vector<1xf32>
      %squeeze3A_1668 = vector.extract %slice3A_1667[0] : f32 from vector<1xf32>
      %slice3A_1669 = vector.extract_strided_slice %select_n3A_1558 {offsets = [7], sizes = [1], strides = [1]} : vector<16xf32> to vector<1xf32>
      %squeeze3A_1670 = vector.extract %slice3A_1669[0] : f32 from vector<1xf32>
      %gt3A_1671 = arith.cmpf ogt, %squeeze3A_1668, %select_n3A_1661 : f32
      %lt3A_1672 = arith.cmpf olt, %squeeze3A_1670, %select_n3A_1664 : f32
      %select_n3A_1673 = arith.select %gt3A_1671, %squeeze3A_1668, %select_n3A_1661 : f32
      %jit3A_1674 = arith.constant 7 : i32
      %select_n3A_1675 = arith.select %gt3A_1671, %jit3A_1674, %select_n3A_1663 : i32
      %select_n3A_1676 = arith.select %lt3A_1672, %squeeze3A_1670, %select_n3A_1664 : f32
      %jit3A_1677 = arith.constant 7 : i32
      %select_n3A_1678 = arith.select %lt3A_1672, %jit3A_1677, %select_n3A_1666 : i32
      %slice3A_1679 = vector.extract_strided_slice %select_n3A_1557 {offsets = [8], sizes = [1], strides = [1]} : vector<16xf32> to vector<1xf32>
      %squeeze3A_1680 = vector.extract %slice3A_1679[0] : f32 from vector<1xf32>
      %slice3A_1681 = vector.extract_strided_slice %select_n3A_1558 {offsets = [8], sizes = [1], strides = [1]} : vector<16xf32> to vector<1xf32>
      %squeeze3A_1682 = vector.extract %slice3A_1681[0] : f32 from vector<1xf32>
      %gt3A_1683 = arith.cmpf ogt, %squeeze3A_1680, %select_n3A_1673 : f32
      %lt3A_1684 = arith.cmpf olt, %squeeze3A_1682, %select_n3A_1676 : f32
      %select_n3A_1685 = arith.select %gt3A_1683, %squeeze3A_1680, %select_n3A_1673 : f32
      %jit3A_1686 = arith.constant 8 : i32
      %select_n3A_1687 = arith.select %gt3A_1683, %jit3A_1686, %select_n3A_1675 : i32
      %select_n3A_1688 = arith.select %lt3A_1684, %squeeze3A_1682, %select_n3A_1676 : f32
      %jit3A_1689 = arith.constant 8 : i32
      %select_n3A_1690 = arith.select %lt3A_1684, %jit3A_1689, %select_n3A_1678 : i32
      %slice3A_1691 = vector.extract_strided_slice %select_n3A_1557 {offsets = [9], sizes = [1], strides = [1]} : vector<16xf32> to vector<1xf32>
      %squeeze3A_1692 = vector.extract %slice3A_1691[0] : f32 from vector<1xf32>
      %slice3A_1693 = vector.extract_strided_slice %select_n3A_1558 {offsets = [9], sizes = [1], strides = [1]} : vector<16xf32> to vector<1xf32>
      %squeeze3A_1694 = vector.extract %slice3A_1693[0] : f32 from vector<1xf32>
      %gt3A_1695 = arith.cmpf ogt, %squeeze3A_1692, %select_n3A_1685 : f32
      %lt3A_1696 = arith.cmpf olt, %squeeze3A_1694, %select_n3A_1688 : f32
      %select_n3A_1697 = arith.select %gt3A_1695, %squeeze3A_1692, %select_n3A_1685 : f32
      %jit3A_1698 = arith.constant 9 : i32
      %select_n3A_1699 = arith.select %gt3A_1695, %jit3A_1698, %select_n3A_1687 : i32
      %select_n3A_1700 = arith.select %lt3A_1696, %squeeze3A_1694, %select_n3A_1688 : f32
      %jit3A_1701 = arith.constant 9 : i32
      %select_n3A_1702 = arith.select %lt3A_1696, %jit3A_1701, %select_n3A_1690 : i32
      %slice3A_1703 = vector.extract_strided_slice %select_n3A_1557 {offsets = [10], sizes = [1], strides = [1]} : vector<16xf32> to vector<1xf32>
      %squeeze3A_1704 = vector.extract %slice3A_1703[0] : f32 from vector<1xf32>
      %slice3A_1705 = vector.extract_strided_slice %select_n3A_1558 {offsets = [10], sizes = [1], strides = [1]} : vector<16xf32> to vector<1xf32>
      %squeeze3A_1706 = vector.extract %slice3A_1705[0] : f32 from vector<1xf32>
      %gt3A_1707 = arith.cmpf ogt, %squeeze3A_1704, %select_n3A_1697 : f32
      %lt3A_1708 = arith.cmpf olt, %squeeze3A_1706, %select_n3A_1700 : f32
      %select_n3A_1709 = arith.select %gt3A_1707, %squeeze3A_1704, %select_n3A_1697 : f32
      %jit3A_1710 = arith.constant 10 : i32
      %select_n3A_1711 = arith.select %gt3A_1707, %jit3A_1710, %select_n3A_1699 : i32
      %select_n3A_1712 = arith.select %lt3A_1708, %squeeze3A_1706, %select_n3A_1700 : f32
      %jit3A_1713 = arith.constant 10 : i32
      %select_n3A_1714 = arith.select %lt3A_1708, %jit3A_1713, %select_n3A_1702 : i32
      %slice3A_1715 = vector.extract_strided_slice %select_n3A_1557 {offsets = [11], sizes = [1], strides = [1]} : vector<16xf32> to vector<1xf32>
      %squeeze3A_1716 = vector.extract %slice3A_1715[0] : f32 from vector<1xf32>
      %slice3A_1717 = vector.extract_strided_slice %select_n3A_1558 {offsets = [11], sizes = [1], strides = [1]} : vector<16xf32> to vector<1xf32>
      %squeeze3A_1718 = vector.extract %slice3A_1717[0] : f32 from vector<1xf32>
      %gt3A_1719 = arith.cmpf ogt, %squeeze3A_1716, %select_n3A_1709 : f32
      %lt3A_1720 = arith.cmpf olt, %squeeze3A_1718, %select_n3A_1712 : f32
      %select_n3A_1721 = arith.select %gt3A_1719, %squeeze3A_1716, %select_n3A_1709 : f32
      %jit3A_1722 = arith.constant 11 : i32
      %select_n3A_1723 = arith.select %gt3A_1719, %jit3A_1722, %select_n3A_1711 : i32
      %select_n3A_1724 = arith.select %lt3A_1720, %squeeze3A_1718, %select_n3A_1712 : f32
      %jit3A_1725 = arith.constant 11 : i32
      %select_n3A_1726 = arith.select %lt3A_1720, %jit3A_1725, %select_n3A_1714 : i32
      %slice3A_1727 = vector.extract_strided_slice %select_n3A_1557 {offsets = [12], sizes = [1], strides = [1]} : vector<16xf32> to vector<1xf32>
      %squeeze3A_1728 = vector.extract %slice3A_1727[0] : f32 from vector<1xf32>
      %slice3A_1729 = vector.extract_strided_slice %select_n3A_1558 {offsets = [12], sizes = [1], strides = [1]} : vector<16xf32> to vector<1xf32>
      %squeeze3A_1730 = vector.extract %slice3A_1729[0] : f32 from vector<1xf32>
      %gt3A_1731 = arith.cmpf ogt, %squeeze3A_1728, %select_n3A_1721 : f32
      %lt3A_1732 = arith.cmpf olt, %squeeze3A_1730, %select_n3A_1724 : f32
      %select_n3A_1733 = arith.select %gt3A_1731, %squeeze3A_1728, %select_n3A_1721 : f32
      %jit3A_1734 = arith.constant 12 : i32
      %select_n3A_1735 = arith.select %gt3A_1731, %jit3A_1734, %select_n3A_1723 : i32
      %select_n3A_1736 = arith.select %lt3A_1732, %squeeze3A_1730, %select_n3A_1724 : f32
      %jit3A_1737 = arith.constant 12 : i32
      %select_n3A_1738 = arith.select %lt3A_1732, %jit3A_1737, %select_n3A_1726 : i32
      %slice3A_1739 = vector.extract_strided_slice %select_n3A_1557 {offsets = [13], sizes = [1], strides = [1]} : vector<16xf32> to vector<1xf32>
      %squeeze3A_1740 = vector.extract %slice3A_1739[0] : f32 from vector<1xf32>
      %slice3A_1741 = vector.extract_strided_slice %select_n3A_1558 {offsets = [13], sizes = [1], strides = [1]} : vector<16xf32> to vector<1xf32>
      %squeeze3A_1742 = vector.extract %slice3A_1741[0] : f32 from vector<1xf32>
      %gt3A_1743 = arith.cmpf ogt, %squeeze3A_1740, %select_n3A_1733 : f32
      %lt3A_1744 = arith.cmpf olt, %squeeze3A_1742, %select_n3A_1736 : f32
      %select_n3A_1745 = arith.select %gt3A_1743, %squeeze3A_1740, %select_n3A_1733 : f32
      %jit3A_1746 = arith.constant 13 : i32
      %select_n3A_1747 = arith.select %gt3A_1743, %jit3A_1746, %select_n3A_1735 : i32
      %select_n3A_1748 = arith.select %lt3A_1744, %squeeze3A_1742, %select_n3A_1736 : f32
      %jit3A_1749 = arith.constant 13 : i32
      %select_n3A_1750 = arith.select %lt3A_1744, %jit3A_1749, %select_n3A_1738 : i32
      %slice3A_1751 = vector.extract_strided_slice %select_n3A_1557 {offsets = [14], sizes = [1], strides = [1]} : vector<16xf32> to vector<1xf32>
      %squeeze3A_1752 = vector.extract %slice3A_1751[0] : f32 from vector<1xf32>
      %slice3A_1753 = vector.extract_strided_slice %select_n3A_1558 {offsets = [14], sizes = [1], strides = [1]} : vector<16xf32> to vector<1xf32>
      %squeeze3A_1754 = vector.extract %slice3A_1753[0] : f32 from vector<1xf32>
      %gt3A_1755 = arith.cmpf ogt, %squeeze3A_1752, %select_n3A_1745 : f32
      %lt3A_1756 = arith.cmpf olt, %squeeze3A_1754, %select_n3A_1748 : f32
      %select_n3A_1757 = arith.select %gt3A_1755, %squeeze3A_1752, %select_n3A_1745 : f32
      %jit3A_1758 = arith.constant 14 : i32
      %select_n3A_1759 = arith.select %gt3A_1755, %jit3A_1758, %select_n3A_1747 : i32
      %select_n3A_1760 = arith.select %lt3A_1756, %squeeze3A_1754, %select_n3A_1748 : f32
      %jit3A_1761 = arith.constant 14 : i32
      %select_n3A_1762 = arith.select %lt3A_1756, %jit3A_1761, %select_n3A_1750 : i32
      %slice3A_1763 = vector.extract_strided_slice %select_n3A_1557 {offsets = [15], sizes = [1], strides = [1]} : vector<16xf32> to vector<1xf32>
      %squeeze3A_1764 = vector.extract %slice3A_1763[0] : f32 from vector<1xf32>
      %slice3A_1765 = vector.extract_strided_slice %select_n3A_1558 {offsets = [15], sizes = [1], strides = [1]} : vector<16xf32> to vector<1xf32>
      %squeeze3A_1766 = vector.extract %slice3A_1765[0] : f32 from vector<1xf32>
      %gt3A_1767 = arith.cmpf ogt, %squeeze3A_1764, %select_n3A_1757 : f32
      %lt3A_1768 = arith.cmpf olt, %squeeze3A_1766, %select_n3A_1760 : f32
      %select_n3A_1769 = arith.select %gt3A_1767, %squeeze3A_1764, %select_n3A_1757 : f32
      %jit3A_1770 = arith.constant 15 : i32
      %select_n3A_1771 = arith.select %gt3A_1767, %jit3A_1770, %select_n3A_1759 : i32
      %select_n3A_1772 = arith.select %lt3A_1768, %squeeze3A_1766, %select_n3A_1760 : f32
      %jit3A_1773 = arith.constant 15 : i32
      %select_n3A_1774 = arith.select %lt3A_1768, %jit3A_1773, %select_n3A_1762 : i32
      %add3A_1775 = arith.addf %add3A_1551, %select_n3A_1769 : f32
      %add3A_1776 = arith.addf %add3A_1552, %select_n3A_1772 : f32
      %broadcast_in_dim3A_1777 = vector.broadcast %select_n3A_1771 : i32 to vector<16xi32>
      %eq3A_1778 = arith.cmpi eq, %iota3A, %broadcast_in_dim3A_1777 : vector<16xi32>
      %broadcast_in_dim3A_1779 = vector.broadcast %select_n3A_1774 : i32 to vector<16xi32>
      %eq3A_1780 = arith.cmpi eq, %iota3A, %broadcast_in_dim3A_1779 : vector<16xi32>
      %select_n3A_1781 = arith.select %eq3A_1778, %select_n3A_1559, %select_n3A_1557 : vector<16xi1>, vector<16xf32>
      %select_n3A_1782 = arith.select %eq3A_1780, %select_n3A_1560, %select_n3A_1558 : vector<16xi1>, vector<16xf32>
      %select_n3A_1783 = arith.select %eq3A_1778, %select_n3A_1561, %select_n3A_1559 : vector<16xi1>, vector<16xf32>
      %select_n3A_1784 = arith.select %eq3A_1780, %select_n3A_1562, %select_n3A_1560 : vector<16xi1>, vector<16xf32>
      %select_n3A_1785 = arith.select %eq3A_1778, %select_n3A_1563, %select_n3A_1561 : vector<16xi1>, vector<16xf32>
      %select_n3A_1786 = arith.select %eq3A_1780, %select_n3A_1564, %select_n3A_1562 : vector<16xi1>, vector<16xf32>
      %select_n3A_1787 = arith.select %eq3A_1778, %select_n3A_1565, %select_n3A_1563 : vector<16xi1>, vector<16xf32>
      %select_n3A_1788 = arith.select %eq3A_1780, %select_n3A_1566, %select_n3A_1564 : vector<16xi1>, vector<16xf32>
      %select_n3A_1789 = arith.select %eq3A_1778, %select_n3A_1567, %select_n3A_1565 : vector<16xi1>, vector<16xf32>
      %select_n3A_1790 = arith.select %eq3A_1780, %select_n3A_1568, %select_n3A_1566 : vector<16xi1>, vector<16xf32>
      %select_n3A_1791 = arith.select %eq3A_1778, %select_n3A_1569, %select_n3A_1567 : vector<16xi1>, vector<16xf32>
      %select_n3A_1792 = arith.select %eq3A_1780, %select_n3A_1570, %select_n3A_1568 : vector<16xi1>, vector<16xf32>
      %select_n3A_1793 = arith.select %eq3A_1778, %select_n3A_1571, %select_n3A_1569 : vector<16xi1>, vector<16xf32>
      %select_n3A_1794 = arith.select %eq3A_1780, %select_n3A_1572, %select_n3A_1570 : vector<16xi1>, vector<16xf32>
      %select_n3A_1795 = arith.select %eq3A_1778, %select_n3A_1573, %select_n3A_1571 : vector<16xi1>, vector<16xf32>
      %select_n3A_1796 = arith.select %eq3A_1780, %select_n3A_1574, %select_n3A_1572 : vector<16xi1>, vector<16xf32>
      %select_n3A_1797 = arith.select %eq3A_1778, %select_n3A_1575, %select_n3A_1573 : vector<16xi1>, vector<16xf32>
      %select_n3A_1798 = arith.select %eq3A_1780, %select_n3A_1576, %select_n3A_1574 : vector<16xi1>, vector<16xf32>
      %select_n3A_1799 = arith.select %eq3A_1778, %broadcast_in_dim3A_5, %select_n3A_1575 : vector<16xi1>, vector<16xf32>
      %select_n3A_1800 = arith.select %eq3A_1780, %broadcast_in_dim3A_7, %select_n3A_1576 : vector<16xi1>, vector<16xf32>
      %slice3A_1801 = vector.extract_strided_slice %select_n3A_1781 {offsets = [0], sizes = [1], strides = [1]} : vector<16xf32> to vector<1xf32>
      %squeeze3A_1802 = vector.extract %slice3A_1801[0] : f32 from vector<1xf32>
      %slice3A_1803 = vector.extract_strided_slice %select_n3A_1782 {offsets = [0], sizes = [1], strides = [1]} : vector<16xf32> to vector<1xf32>
      %squeeze3A_1804 = vector.extract %slice3A_1803[0] : f32 from vector<1xf32>
      %gt3A_1805 = arith.constant 0xFF800000 : f32
      %gt3A_1806 = arith.cmpf ogt, %squeeze3A_1802, %gt3A_1805 : f32
      %lt3A_1807 = arith.constant 0x7F800000 : f32
      %lt3A_1808 = arith.cmpf olt, %squeeze3A_1804, %lt3A_1807 : f32
      %jit3A_1809 = arith.constant 0xFF800000 : f32
      %select_n3A_1810 = arith.select %gt3A_1806, %squeeze3A_1802, %jit3A_1809 : f32
      %jit3A_1811 = arith.constant 0 : i32
      %jit3A_1812 = arith.constant 0 : i32
      %select_n3A_1813 = arith.select %gt3A_1806, %jit3A_1811, %jit3A_1812 : i32
      %jit3A_1814 = arith.constant 0x7F800000 : f32
      %select_n3A_1815 = arith.select %lt3A_1808, %squeeze3A_1804, %jit3A_1814 : f32
      %jit3A_1816 = arith.constant 0 : i32
      %jit3A_1817 = arith.constant 0 : i32
      %select_n3A_1818 = arith.select %lt3A_1808, %jit3A_1816, %jit3A_1817 : i32
      %slice3A_1819 = vector.extract_strided_slice %select_n3A_1781 {offsets = [1], sizes = [1], strides = [1]} : vector<16xf32> to vector<1xf32>
      %squeeze3A_1820 = vector.extract %slice3A_1819[0] : f32 from vector<1xf32>
      %slice3A_1821 = vector.extract_strided_slice %select_n3A_1782 {offsets = [1], sizes = [1], strides = [1]} : vector<16xf32> to vector<1xf32>
      %squeeze3A_1822 = vector.extract %slice3A_1821[0] : f32 from vector<1xf32>
      %gt3A_1823 = arith.cmpf ogt, %squeeze3A_1820, %select_n3A_1810 : f32
      %lt3A_1824 = arith.cmpf olt, %squeeze3A_1822, %select_n3A_1815 : f32
      %select_n3A_1825 = arith.select %gt3A_1823, %squeeze3A_1820, %select_n3A_1810 : f32
      %jit3A_1826 = arith.constant 1 : i32
      %select_n3A_1827 = arith.select %gt3A_1823, %jit3A_1826, %select_n3A_1813 : i32
      %select_n3A_1828 = arith.select %lt3A_1824, %squeeze3A_1822, %select_n3A_1815 : f32
      %jit3A_1829 = arith.constant 1 : i32
      %select_n3A_1830 = arith.select %lt3A_1824, %jit3A_1829, %select_n3A_1818 : i32
      %slice3A_1831 = vector.extract_strided_slice %select_n3A_1781 {offsets = [2], sizes = [1], strides = [1]} : vector<16xf32> to vector<1xf32>
      %squeeze3A_1832 = vector.extract %slice3A_1831[0] : f32 from vector<1xf32>
      %slice3A_1833 = vector.extract_strided_slice %select_n3A_1782 {offsets = [2], sizes = [1], strides = [1]} : vector<16xf32> to vector<1xf32>
      %squeeze3A_1834 = vector.extract %slice3A_1833[0] : f32 from vector<1xf32>
      %gt3A_1835 = arith.cmpf ogt, %squeeze3A_1832, %select_n3A_1825 : f32
      %lt3A_1836 = arith.cmpf olt, %squeeze3A_1834, %select_n3A_1828 : f32
      %select_n3A_1837 = arith.select %gt3A_1835, %squeeze3A_1832, %select_n3A_1825 : f32
      %jit3A_1838 = arith.constant 2 : i32
      %select_n3A_1839 = arith.select %gt3A_1835, %jit3A_1838, %select_n3A_1827 : i32
      %select_n3A_1840 = arith.select %lt3A_1836, %squeeze3A_1834, %select_n3A_1828 : f32
      %jit3A_1841 = arith.constant 2 : i32
      %select_n3A_1842 = arith.select %lt3A_1836, %jit3A_1841, %select_n3A_1830 : i32
      %slice3A_1843 = vector.extract_strided_slice %select_n3A_1781 {offsets = [3], sizes = [1], strides = [1]} : vector<16xf32> to vector<1xf32>
      %squeeze3A_1844 = vector.extract %slice3A_1843[0] : f32 from vector<1xf32>
      %slice3A_1845 = vector.extract_strided_slice %select_n3A_1782 {offsets = [3], sizes = [1], strides = [1]} : vector<16xf32> to vector<1xf32>
      %squeeze3A_1846 = vector.extract %slice3A_1845[0] : f32 from vector<1xf32>
      %gt3A_1847 = arith.cmpf ogt, %squeeze3A_1844, %select_n3A_1837 : f32
      %lt3A_1848 = arith.cmpf olt, %squeeze3A_1846, %select_n3A_1840 : f32
      %select_n3A_1849 = arith.select %gt3A_1847, %squeeze3A_1844, %select_n3A_1837 : f32
      %jit3A_1850 = arith.constant 3 : i32
      %select_n3A_1851 = arith.select %gt3A_1847, %jit3A_1850, %select_n3A_1839 : i32
      %select_n3A_1852 = arith.select %lt3A_1848, %squeeze3A_1846, %select_n3A_1840 : f32
      %jit3A_1853 = arith.constant 3 : i32
      %select_n3A_1854 = arith.select %lt3A_1848, %jit3A_1853, %select_n3A_1842 : i32
      %slice3A_1855 = vector.extract_strided_slice %select_n3A_1781 {offsets = [4], sizes = [1], strides = [1]} : vector<16xf32> to vector<1xf32>
      %squeeze3A_1856 = vector.extract %slice3A_1855[0] : f32 from vector<1xf32>
      %slice3A_1857 = vector.extract_strided_slice %select_n3A_1782 {offsets = [4], sizes = [1], strides = [1]} : vector<16xf32> to vector<1xf32>
      %squeeze3A_1858 = vector.extract %slice3A_1857[0] : f32 from vector<1xf32>
      %gt3A_1859 = arith.cmpf ogt, %squeeze3A_1856, %select_n3A_1849 : f32
      %lt3A_1860 = arith.cmpf olt, %squeeze3A_1858, %select_n3A_1852 : f32
      %select_n3A_1861 = arith.select %gt3A_1859, %squeeze3A_1856, %select_n3A_1849 : f32
      %jit3A_1862 = arith.constant 4 : i32
      %select_n3A_1863 = arith.select %gt3A_1859, %jit3A_1862, %select_n3A_1851 : i32
      %select_n3A_1864 = arith.select %lt3A_1860, %squeeze3A_1858, %select_n3A_1852 : f32
      %jit3A_1865 = arith.constant 4 : i32
      %select_n3A_1866 = arith.select %lt3A_1860, %jit3A_1865, %select_n3A_1854 : i32
      %slice3A_1867 = vector.extract_strided_slice %select_n3A_1781 {offsets = [5], sizes = [1], strides = [1]} : vector<16xf32> to vector<1xf32>
      %squeeze3A_1868 = vector.extract %slice3A_1867[0] : f32 from vector<1xf32>
      %slice3A_1869 = vector.extract_strided_slice %select_n3A_1782 {offsets = [5], sizes = [1], strides = [1]} : vector<16xf32> to vector<1xf32>
      %squeeze3A_1870 = vector.extract %slice3A_1869[0] : f32 from vector<1xf32>
      %gt3A_1871 = arith.cmpf ogt, %squeeze3A_1868, %select_n3A_1861 : f32
      %lt3A_1872 = arith.cmpf olt, %squeeze3A_1870, %select_n3A_1864 : f32
      %select_n3A_1873 = arith.select %gt3A_1871, %squeeze3A_1868, %select_n3A_1861 : f32
      %jit3A_1874 = arith.constant 5 : i32
      %select_n3A_1875 = arith.select %gt3A_1871, %jit3A_1874, %select_n3A_1863 : i32
      %select_n3A_1876 = arith.select %lt3A_1872, %squeeze3A_1870, %select_n3A_1864 : f32
      %jit3A_1877 = arith.constant 5 : i32
      %select_n3A_1878 = arith.select %lt3A_1872, %jit3A_1877, %select_n3A_1866 : i32
      %slice3A_1879 = vector.extract_strided_slice %select_n3A_1781 {offsets = [6], sizes = [1], strides = [1]} : vector<16xf32> to vector<1xf32>
      %squeeze3A_1880 = vector.extract %slice3A_1879[0] : f32 from vector<1xf32>
      %slice3A_1881 = vector.extract_strided_slice %select_n3A_1782 {offsets = [6], sizes = [1], strides = [1]} : vector<16xf32> to vector<1xf32>
      %squeeze3A_1882 = vector.extract %slice3A_1881[0] : f32 from vector<1xf32>
      %gt3A_1883 = arith.cmpf ogt, %squeeze3A_1880, %select_n3A_1873 : f32
      %lt3A_1884 = arith.cmpf olt, %squeeze3A_1882, %select_n3A_1876 : f32
      %select_n3A_1885 = arith.select %gt3A_1883, %squeeze3A_1880, %select_n3A_1873 : f32
      %jit3A_1886 = arith.constant 6 : i32
      %select_n3A_1887 = arith.select %gt3A_1883, %jit3A_1886, %select_n3A_1875 : i32
      %select_n3A_1888 = arith.select %lt3A_1884, %squeeze3A_1882, %select_n3A_1876 : f32
      %jit3A_1889 = arith.constant 6 : i32
      %select_n3A_1890 = arith.select %lt3A_1884, %jit3A_1889, %select_n3A_1878 : i32
      %slice3A_1891 = vector.extract_strided_slice %select_n3A_1781 {offsets = [7], sizes = [1], strides = [1]} : vector<16xf32> to vector<1xf32>
      %squeeze3A_1892 = vector.extract %slice3A_1891[0] : f32 from vector<1xf32>
      %slice3A_1893 = vector.extract_strided_slice %select_n3A_1782 {offsets = [7], sizes = [1], strides = [1]} : vector<16xf32> to vector<1xf32>
      %squeeze3A_1894 = vector.extract %slice3A_1893[0] : f32 from vector<1xf32>
      %gt3A_1895 = arith.cmpf ogt, %squeeze3A_1892, %select_n3A_1885 : f32
      %lt3A_1896 = arith.cmpf olt, %squeeze3A_1894, %select_n3A_1888 : f32
      %select_n3A_1897 = arith.select %gt3A_1895, %squeeze3A_1892, %select_n3A_1885 : f32
      %jit3A_1898 = arith.constant 7 : i32
      %select_n3A_1899 = arith.select %gt3A_1895, %jit3A_1898, %select_n3A_1887 : i32
      %select_n3A_1900 = arith.select %lt3A_1896, %squeeze3A_1894, %select_n3A_1888 : f32
      %jit3A_1901 = arith.constant 7 : i32
      %select_n3A_1902 = arith.select %lt3A_1896, %jit3A_1901, %select_n3A_1890 : i32
      %slice3A_1903 = vector.extract_strided_slice %select_n3A_1781 {offsets = [8], sizes = [1], strides = [1]} : vector<16xf32> to vector<1xf32>
      %squeeze3A_1904 = vector.extract %slice3A_1903[0] : f32 from vector<1xf32>
      %slice3A_1905 = vector.extract_strided_slice %select_n3A_1782 {offsets = [8], sizes = [1], strides = [1]} : vector<16xf32> to vector<1xf32>
      %squeeze3A_1906 = vector.extract %slice3A_1905[0] : f32 from vector<1xf32>
      %gt3A_1907 = arith.cmpf ogt, %squeeze3A_1904, %select_n3A_1897 : f32
      %lt3A_1908 = arith.cmpf olt, %squeeze3A_1906, %select_n3A_1900 : f32
      %select_n3A_1909 = arith.select %gt3A_1907, %squeeze3A_1904, %select_n3A_1897 : f32
      %jit3A_1910 = arith.constant 8 : i32
      %select_n3A_1911 = arith.select %gt3A_1907, %jit3A_1910, %select_n3A_1899 : i32
      %select_n3A_1912 = arith.select %lt3A_1908, %squeeze3A_1906, %select_n3A_1900 : f32
      %jit3A_1913 = arith.constant 8 : i32
      %select_n3A_1914 = arith.select %lt3A_1908, %jit3A_1913, %select_n3A_1902 : i32
      %slice3A_1915 = vector.extract_strided_slice %select_n3A_1781 {offsets = [9], sizes = [1], strides = [1]} : vector<16xf32> to vector<1xf32>
      %squeeze3A_1916 = vector.extract %slice3A_1915[0] : f32 from vector<1xf32>
      %slice3A_1917 = vector.extract_strided_slice %select_n3A_1782 {offsets = [9], sizes = [1], strides = [1]} : vector<16xf32> to vector<1xf32>
      %squeeze3A_1918 = vector.extract %slice3A_1917[0] : f32 from vector<1xf32>
      %gt3A_1919 = arith.cmpf ogt, %squeeze3A_1916, %select_n3A_1909 : f32
      %lt3A_1920 = arith.cmpf olt, %squeeze3A_1918, %select_n3A_1912 : f32
      %select_n3A_1921 = arith.select %gt3A_1919, %squeeze3A_1916, %select_n3A_1909 : f32
      %jit3A_1922 = arith.constant 9 : i32
      %select_n3A_1923 = arith.select %gt3A_1919, %jit3A_1922, %select_n3A_1911 : i32
      %select_n3A_1924 = arith.select %lt3A_1920, %squeeze3A_1918, %select_n3A_1912 : f32
      %jit3A_1925 = arith.constant 9 : i32
      %select_n3A_1926 = arith.select %lt3A_1920, %jit3A_1925, %select_n3A_1914 : i32
      %slice3A_1927 = vector.extract_strided_slice %select_n3A_1781 {offsets = [10], sizes = [1], strides = [1]} : vector<16xf32> to vector<1xf32>
      %squeeze3A_1928 = vector.extract %slice3A_1927[0] : f32 from vector<1xf32>
      %slice3A_1929 = vector.extract_strided_slice %select_n3A_1782 {offsets = [10], sizes = [1], strides = [1]} : vector<16xf32> to vector<1xf32>
      %squeeze3A_1930 = vector.extract %slice3A_1929[0] : f32 from vector<1xf32>
      %gt3A_1931 = arith.cmpf ogt, %squeeze3A_1928, %select_n3A_1921 : f32
      %lt3A_1932 = arith.cmpf olt, %squeeze3A_1930, %select_n3A_1924 : f32
      %select_n3A_1933 = arith.select %gt3A_1931, %squeeze3A_1928, %select_n3A_1921 : f32
      %jit3A_1934 = arith.constant 10 : i32
      %select_n3A_1935 = arith.select %gt3A_1931, %jit3A_1934, %select_n3A_1923 : i32
      %select_n3A_1936 = arith.select %lt3A_1932, %squeeze3A_1930, %select_n3A_1924 : f32
      %jit3A_1937 = arith.constant 10 : i32
      %select_n3A_1938 = arith.select %lt3A_1932, %jit3A_1937, %select_n3A_1926 : i32
      %slice3A_1939 = vector.extract_strided_slice %select_n3A_1781 {offsets = [11], sizes = [1], strides = [1]} : vector<16xf32> to vector<1xf32>
      %squeeze3A_1940 = vector.extract %slice3A_1939[0] : f32 from vector<1xf32>
      %slice3A_1941 = vector.extract_strided_slice %select_n3A_1782 {offsets = [11], sizes = [1], strides = [1]} : vector<16xf32> to vector<1xf32>
      %squeeze3A_1942 = vector.extract %slice3A_1941[0] : f32 from vector<1xf32>
      %gt3A_1943 = arith.cmpf ogt, %squeeze3A_1940, %select_n3A_1933 : f32
      %lt3A_1944 = arith.cmpf olt, %squeeze3A_1942, %select_n3A_1936 : f32
      %select_n3A_1945 = arith.select %gt3A_1943, %squeeze3A_1940, %select_n3A_1933 : f32
      %jit3A_1946 = arith.constant 11 : i32
      %select_n3A_1947 = arith.select %gt3A_1943, %jit3A_1946, %select_n3A_1935 : i32
      %select_n3A_1948 = arith.select %lt3A_1944, %squeeze3A_1942, %select_n3A_1936 : f32
      %jit3A_1949 = arith.constant 11 : i32
      %select_n3A_1950 = arith.select %lt3A_1944, %jit3A_1949, %select_n3A_1938 : i32
      %slice3A_1951 = vector.extract_strided_slice %select_n3A_1781 {offsets = [12], sizes = [1], strides = [1]} : vector<16xf32> to vector<1xf32>
      %squeeze3A_1952 = vector.extract %slice3A_1951[0] : f32 from vector<1xf32>
      %slice3A_1953 = vector.extract_strided_slice %select_n3A_1782 {offsets = [12], sizes = [1], strides = [1]} : vector<16xf32> to vector<1xf32>
      %squeeze3A_1954 = vector.extract %slice3A_1953[0] : f32 from vector<1xf32>
      %gt3A_1955 = arith.cmpf ogt, %squeeze3A_1952, %select_n3A_1945 : f32
      %lt3A_1956 = arith.cmpf olt, %squeeze3A_1954, %select_n3A_1948 : f32
      %select_n3A_1957 = arith.select %gt3A_1955, %squeeze3A_1952, %select_n3A_1945 : f32
      %jit3A_1958 = arith.constant 12 : i32
      %select_n3A_1959 = arith.select %gt3A_1955, %jit3A_1958, %select_n3A_1947 : i32
      %select_n3A_1960 = arith.select %lt3A_1956, %squeeze3A_1954, %select_n3A_1948 : f32
      %jit3A_1961 = arith.constant 12 : i32
      %select_n3A_1962 = arith.select %lt3A_1956, %jit3A_1961, %select_n3A_1950 : i32
      %slice3A_1963 = vector.extract_strided_slice %select_n3A_1781 {offsets = [13], sizes = [1], strides = [1]} : vector<16xf32> to vector<1xf32>
      %squeeze3A_1964 = vector.extract %slice3A_1963[0] : f32 from vector<1xf32>
      %slice3A_1965 = vector.extract_strided_slice %select_n3A_1782 {offsets = [13], sizes = [1], strides = [1]} : vector<16xf32> to vector<1xf32>
      %squeeze3A_1966 = vector.extract %slice3A_1965[0] : f32 from vector<1xf32>
      %gt3A_1967 = arith.cmpf ogt, %squeeze3A_1964, %select_n3A_1957 : f32
      %lt3A_1968 = arith.cmpf olt, %squeeze3A_1966, %select_n3A_1960 : f32
      %select_n3A_1969 = arith.select %gt3A_1967, %squeeze3A_1964, %select_n3A_1957 : f32
      %jit3A_1970 = arith.constant 13 : i32
      %select_n3A_1971 = arith.select %gt3A_1967, %jit3A_1970, %select_n3A_1959 : i32
      %select_n3A_1972 = arith.select %lt3A_1968, %squeeze3A_1966, %select_n3A_1960 : f32
      %jit3A_1973 = arith.constant 13 : i32
      %select_n3A_1974 = arith.select %lt3A_1968, %jit3A_1973, %select_n3A_1962 : i32
      %slice3A_1975 = vector.extract_strided_slice %select_n3A_1781 {offsets = [14], sizes = [1], strides = [1]} : vector<16xf32> to vector<1xf32>
      %squeeze3A_1976 = vector.extract %slice3A_1975[0] : f32 from vector<1xf32>
      %slice3A_1977 = vector.extract_strided_slice %select_n3A_1782 {offsets = [14], sizes = [1], strides = [1]} : vector<16xf32> to vector<1xf32>
      %squeeze3A_1978 = vector.extract %slice3A_1977[0] : f32 from vector<1xf32>
      %gt3A_1979 = arith.cmpf ogt, %squeeze3A_1976, %select_n3A_1969 : f32
      %lt3A_1980 = arith.cmpf olt, %squeeze3A_1978, %select_n3A_1972 : f32
      %select_n3A_1981 = arith.select %gt3A_1979, %squeeze3A_1976, %select_n3A_1969 : f32
      %jit3A_1982 = arith.constant 14 : i32
      %select_n3A_1983 = arith.select %gt3A_1979, %jit3A_1982, %select_n3A_1971 : i32
      %select_n3A_1984 = arith.select %lt3A_1980, %squeeze3A_1978, %select_n3A_1972 : f32
      %jit3A_1985 = arith.constant 14 : i32
      %select_n3A_1986 = arith.select %lt3A_1980, %jit3A_1985, %select_n3A_1974 : i32
      %slice3A_1987 = vector.extract_strided_slice %select_n3A_1781 {offsets = [15], sizes = [1], strides = [1]} : vector<16xf32> to vector<1xf32>
      %squeeze3A_1988 = vector.extract %slice3A_1987[0] : f32 from vector<1xf32>
      %slice3A_1989 = vector.extract_strided_slice %select_n3A_1782 {offsets = [15], sizes = [1], strides = [1]} : vector<16xf32> to vector<1xf32>
      %squeeze3A_1990 = vector.extract %slice3A_1989[0] : f32 from vector<1xf32>
      %gt3A_1991 = arith.cmpf ogt, %squeeze3A_1988, %select_n3A_1981 : f32
      %lt3A_1992 = arith.cmpf olt, %squeeze3A_1990, %select_n3A_1984 : f32
      %select_n3A_1993 = arith.select %gt3A_1991, %squeeze3A_1988, %select_n3A_1981 : f32
      %jit3A_1994 = arith.constant 15 : i32
      %select_n3A_1995 = arith.select %gt3A_1991, %jit3A_1994, %select_n3A_1983 : i32
      %select_n3A_1996 = arith.select %lt3A_1992, %squeeze3A_1990, %select_n3A_1984 : f32
      %jit3A_1997 = arith.constant 15 : i32
      %select_n3A_1998 = arith.select %lt3A_1992, %jit3A_1997, %select_n3A_1986 : i32
      %add3A_1999 = arith.addf %add3A_1775, %select_n3A_1993 : f32
      %add3A_2000 = arith.addf %add3A_1776, %select_n3A_1996 : f32
      %broadcast_in_dim3A_2001 = vector.broadcast %select_n3A_1995 : i32 to vector<16xi32>
      %eq3A_2002 = arith.cmpi eq, %iota3A, %broadcast_in_dim3A_2001 : vector<16xi32>
      %broadcast_in_dim3A_2003 = vector.broadcast %select_n3A_1998 : i32 to vector<16xi32>
      %eq3A_2004 = arith.cmpi eq, %iota3A, %broadcast_in_dim3A_2003 : vector<16xi32>
      %select_n3A_2005 = arith.select %eq3A_2002, %select_n3A_1783, %select_n3A_1781 : vector<16xi1>, vector<16xf32>
      %select_n3A_2006 = arith.select %eq3A_2004, %select_n3A_1784, %select_n3A_1782 : vector<16xi1>, vector<16xf32>
      %select_n3A_2007 = arith.select %eq3A_2002, %select_n3A_1785, %select_n3A_1783 : vector<16xi1>, vector<16xf32>
      %select_n3A_2008 = arith.select %eq3A_2004, %select_n3A_1786, %select_n3A_1784 : vector<16xi1>, vector<16xf32>
      %select_n3A_2009 = arith.select %eq3A_2002, %select_n3A_1787, %select_n3A_1785 : vector<16xi1>, vector<16xf32>
      %select_n3A_2010 = arith.select %eq3A_2004, %select_n3A_1788, %select_n3A_1786 : vector<16xi1>, vector<16xf32>
      %select_n3A_2011 = arith.select %eq3A_2002, %select_n3A_1789, %select_n3A_1787 : vector<16xi1>, vector<16xf32>
      %select_n3A_2012 = arith.select %eq3A_2004, %select_n3A_1790, %select_n3A_1788 : vector<16xi1>, vector<16xf32>
      %select_n3A_2013 = arith.select %eq3A_2002, %select_n3A_1791, %select_n3A_1789 : vector<16xi1>, vector<16xf32>
      %select_n3A_2014 = arith.select %eq3A_2004, %select_n3A_1792, %select_n3A_1790 : vector<16xi1>, vector<16xf32>
      %select_n3A_2015 = arith.select %eq3A_2002, %select_n3A_1793, %select_n3A_1791 : vector<16xi1>, vector<16xf32>
      %select_n3A_2016 = arith.select %eq3A_2004, %select_n3A_1794, %select_n3A_1792 : vector<16xi1>, vector<16xf32>
      %select_n3A_2017 = arith.select %eq3A_2002, %select_n3A_1795, %select_n3A_1793 : vector<16xi1>, vector<16xf32>
      %select_n3A_2018 = arith.select %eq3A_2004, %select_n3A_1796, %select_n3A_1794 : vector<16xi1>, vector<16xf32>
      %select_n3A_2019 = arith.select %eq3A_2002, %select_n3A_1797, %select_n3A_1795 : vector<16xi1>, vector<16xf32>
      %select_n3A_2020 = arith.select %eq3A_2004, %select_n3A_1798, %select_n3A_1796 : vector<16xi1>, vector<16xf32>
      %select_n3A_2021 = arith.select %eq3A_2002, %select_n3A_1799, %select_n3A_1797 : vector<16xi1>, vector<16xf32>
      %select_n3A_2022 = arith.select %eq3A_2004, %select_n3A_1800, %select_n3A_1798 : vector<16xi1>, vector<16xf32>
      %select_n3A_2023 = arith.select %eq3A_2002, %broadcast_in_dim3A_5, %select_n3A_1799 : vector<16xi1>, vector<16xf32>
      %select_n3A_2024 = arith.select %eq3A_2004, %broadcast_in_dim3A_7, %select_n3A_1800 : vector<16xi1>, vector<16xf32>
      %slice3A_2025 = vector.extract_strided_slice %select_n3A_2005 {offsets = [0], sizes = [1], strides = [1]} : vector<16xf32> to vector<1xf32>
      %squeeze3A_2026 = vector.extract %slice3A_2025[0] : f32 from vector<1xf32>
      %slice3A_2027 = vector.extract_strided_slice %select_n3A_2006 {offsets = [0], sizes = [1], strides = [1]} : vector<16xf32> to vector<1xf32>
      %squeeze3A_2028 = vector.extract %slice3A_2027[0] : f32 from vector<1xf32>
      %gt3A_2029 = arith.constant 0xFF800000 : f32
      %gt3A_2030 = arith.cmpf ogt, %squeeze3A_2026, %gt3A_2029 : f32
      %lt3A_2031 = arith.constant 0x7F800000 : f32
      %lt3A_2032 = arith.cmpf olt, %squeeze3A_2028, %lt3A_2031 : f32
      %jit3A_2033 = arith.constant 0xFF800000 : f32
      %select_n3A_2034 = arith.select %gt3A_2030, %squeeze3A_2026, %jit3A_2033 : f32
      %jit3A_2035 = arith.constant 0 : i32
      %jit3A_2036 = arith.constant 0 : i32
      %select_n3A_2037 = arith.select %gt3A_2030, %jit3A_2035, %jit3A_2036 : i32
      %jit3A_2038 = arith.constant 0x7F800000 : f32
      %select_n3A_2039 = arith.select %lt3A_2032, %squeeze3A_2028, %jit3A_2038 : f32
      %jit3A_2040 = arith.constant 0 : i32
      %jit3A_2041 = arith.constant 0 : i32
      %select_n3A_2042 = arith.select %lt3A_2032, %jit3A_2040, %jit3A_2041 : i32
      %slice3A_2043 = vector.extract_strided_slice %select_n3A_2005 {offsets = [1], sizes = [1], strides = [1]} : vector<16xf32> to vector<1xf32>
      %squeeze3A_2044 = vector.extract %slice3A_2043[0] : f32 from vector<1xf32>
      %slice3A_2045 = vector.extract_strided_slice %select_n3A_2006 {offsets = [1], sizes = [1], strides = [1]} : vector<16xf32> to vector<1xf32>
      %squeeze3A_2046 = vector.extract %slice3A_2045[0] : f32 from vector<1xf32>
      %gt3A_2047 = arith.cmpf ogt, %squeeze3A_2044, %select_n3A_2034 : f32
      %lt3A_2048 = arith.cmpf olt, %squeeze3A_2046, %select_n3A_2039 : f32
      %select_n3A_2049 = arith.select %gt3A_2047, %squeeze3A_2044, %select_n3A_2034 : f32
      %jit3A_2050 = arith.constant 1 : i32
      %select_n3A_2051 = arith.select %gt3A_2047, %jit3A_2050, %select_n3A_2037 : i32
      %select_n3A_2052 = arith.select %lt3A_2048, %squeeze3A_2046, %select_n3A_2039 : f32
      %jit3A_2053 = arith.constant 1 : i32
      %select_n3A_2054 = arith.select %lt3A_2048, %jit3A_2053, %select_n3A_2042 : i32
      %slice3A_2055 = vector.extract_strided_slice %select_n3A_2005 {offsets = [2], sizes = [1], strides = [1]} : vector<16xf32> to vector<1xf32>
      %squeeze3A_2056 = vector.extract %slice3A_2055[0] : f32 from vector<1xf32>
      %slice3A_2057 = vector.extract_strided_slice %select_n3A_2006 {offsets = [2], sizes = [1], strides = [1]} : vector<16xf32> to vector<1xf32>
      %squeeze3A_2058 = vector.extract %slice3A_2057[0] : f32 from vector<1xf32>
      %gt3A_2059 = arith.cmpf ogt, %squeeze3A_2056, %select_n3A_2049 : f32
      %lt3A_2060 = arith.cmpf olt, %squeeze3A_2058, %select_n3A_2052 : f32
      %select_n3A_2061 = arith.select %gt3A_2059, %squeeze3A_2056, %select_n3A_2049 : f32
      %jit3A_2062 = arith.constant 2 : i32
      %select_n3A_2063 = arith.select %gt3A_2059, %jit3A_2062, %select_n3A_2051 : i32
      %select_n3A_2064 = arith.select %lt3A_2060, %squeeze3A_2058, %select_n3A_2052 : f32
      %jit3A_2065 = arith.constant 2 : i32
      %select_n3A_2066 = arith.select %lt3A_2060, %jit3A_2065, %select_n3A_2054 : i32
      %slice3A_2067 = vector.extract_strided_slice %select_n3A_2005 {offsets = [3], sizes = [1], strides = [1]} : vector<16xf32> to vector<1xf32>
      %squeeze3A_2068 = vector.extract %slice3A_2067[0] : f32 from vector<1xf32>
      %slice3A_2069 = vector.extract_strided_slice %select_n3A_2006 {offsets = [3], sizes = [1], strides = [1]} : vector<16xf32> to vector<1xf32>
      %squeeze3A_2070 = vector.extract %slice3A_2069[0] : f32 from vector<1xf32>
      %gt3A_2071 = arith.cmpf ogt, %squeeze3A_2068, %select_n3A_2061 : f32
      %lt3A_2072 = arith.cmpf olt, %squeeze3A_2070, %select_n3A_2064 : f32
      %select_n3A_2073 = arith.select %gt3A_2071, %squeeze3A_2068, %select_n3A_2061 : f32
      %jit3A_2074 = arith.constant 3 : i32
      %select_n3A_2075 = arith.select %gt3A_2071, %jit3A_2074, %select_n3A_2063 : i32
      %select_n3A_2076 = arith.select %lt3A_2072, %squeeze3A_2070, %select_n3A_2064 : f32
      %jit3A_2077 = arith.constant 3 : i32
      %select_n3A_2078 = arith.select %lt3A_2072, %jit3A_2077, %select_n3A_2066 : i32
      %slice3A_2079 = vector.extract_strided_slice %select_n3A_2005 {offsets = [4], sizes = [1], strides = [1]} : vector<16xf32> to vector<1xf32>
      %squeeze3A_2080 = vector.extract %slice3A_2079[0] : f32 from vector<1xf32>
      %slice3A_2081 = vector.extract_strided_slice %select_n3A_2006 {offsets = [4], sizes = [1], strides = [1]} : vector<16xf32> to vector<1xf32>
      %squeeze3A_2082 = vector.extract %slice3A_2081[0] : f32 from vector<1xf32>
      %gt3A_2083 = arith.cmpf ogt, %squeeze3A_2080, %select_n3A_2073 : f32
      %lt3A_2084 = arith.cmpf olt, %squeeze3A_2082, %select_n3A_2076 : f32
      %select_n3A_2085 = arith.select %gt3A_2083, %squeeze3A_2080, %select_n3A_2073 : f32
      %jit3A_2086 = arith.constant 4 : i32
      %select_n3A_2087 = arith.select %gt3A_2083, %jit3A_2086, %select_n3A_2075 : i32
      %select_n3A_2088 = arith.select %lt3A_2084, %squeeze3A_2082, %select_n3A_2076 : f32
      %jit3A_2089 = arith.constant 4 : i32
      %select_n3A_2090 = arith.select %lt3A_2084, %jit3A_2089, %select_n3A_2078 : i32
      %slice3A_2091 = vector.extract_strided_slice %select_n3A_2005 {offsets = [5], sizes = [1], strides = [1]} : vector<16xf32> to vector<1xf32>
      %squeeze3A_2092 = vector.extract %slice3A_2091[0] : f32 from vector<1xf32>
      %slice3A_2093 = vector.extract_strided_slice %select_n3A_2006 {offsets = [5], sizes = [1], strides = [1]} : vector<16xf32> to vector<1xf32>
      %squeeze3A_2094 = vector.extract %slice3A_2093[0] : f32 from vector<1xf32>
      %gt3A_2095 = arith.cmpf ogt, %squeeze3A_2092, %select_n3A_2085 : f32
      %lt3A_2096 = arith.cmpf olt, %squeeze3A_2094, %select_n3A_2088 : f32
      %select_n3A_2097 = arith.select %gt3A_2095, %squeeze3A_2092, %select_n3A_2085 : f32
      %jit3A_2098 = arith.constant 5 : i32
      %select_n3A_2099 = arith.select %gt3A_2095, %jit3A_2098, %select_n3A_2087 : i32
      %select_n3A_2100 = arith.select %lt3A_2096, %squeeze3A_2094, %select_n3A_2088 : f32
      %jit3A_2101 = arith.constant 5 : i32
      %select_n3A_2102 = arith.select %lt3A_2096, %jit3A_2101, %select_n3A_2090 : i32
      %slice3A_2103 = vector.extract_strided_slice %select_n3A_2005 {offsets = [6], sizes = [1], strides = [1]} : vector<16xf32> to vector<1xf32>
      %squeeze3A_2104 = vector.extract %slice3A_2103[0] : f32 from vector<1xf32>
      %slice3A_2105 = vector.extract_strided_slice %select_n3A_2006 {offsets = [6], sizes = [1], strides = [1]} : vector<16xf32> to vector<1xf32>
      %squeeze3A_2106 = vector.extract %slice3A_2105[0] : f32 from vector<1xf32>
      %gt3A_2107 = arith.cmpf ogt, %squeeze3A_2104, %select_n3A_2097 : f32
      %lt3A_2108 = arith.cmpf olt, %squeeze3A_2106, %select_n3A_2100 : f32
      %select_n3A_2109 = arith.select %gt3A_2107, %squeeze3A_2104, %select_n3A_2097 : f32
      %jit3A_2110 = arith.constant 6 : i32
      %select_n3A_2111 = arith.select %gt3A_2107, %jit3A_2110, %select_n3A_2099 : i32
      %select_n3A_2112 = arith.select %lt3A_2108, %squeeze3A_2106, %select_n3A_2100 : f32
      %jit3A_2113 = arith.constant 6 : i32
      %select_n3A_2114 = arith.select %lt3A_2108, %jit3A_2113, %select_n3A_2102 : i32
      %slice3A_2115 = vector.extract_strided_slice %select_n3A_2005 {offsets = [7], sizes = [1], strides = [1]} : vector<16xf32> to vector<1xf32>
      %squeeze3A_2116 = vector.extract %slice3A_2115[0] : f32 from vector<1xf32>
      %slice3A_2117 = vector.extract_strided_slice %select_n3A_2006 {offsets = [7], sizes = [1], strides = [1]} : vector<16xf32> to vector<1xf32>
      %squeeze3A_2118 = vector.extract %slice3A_2117[0] : f32 from vector<1xf32>
      %gt3A_2119 = arith.cmpf ogt, %squeeze3A_2116, %select_n3A_2109 : f32
      %lt3A_2120 = arith.cmpf olt, %squeeze3A_2118, %select_n3A_2112 : f32
      %select_n3A_2121 = arith.select %gt3A_2119, %squeeze3A_2116, %select_n3A_2109 : f32
      %jit3A_2122 = arith.constant 7 : i32
      %select_n3A_2123 = arith.select %gt3A_2119, %jit3A_2122, %select_n3A_2111 : i32
      %select_n3A_2124 = arith.select %lt3A_2120, %squeeze3A_2118, %select_n3A_2112 : f32
      %jit3A_2125 = arith.constant 7 : i32
      %select_n3A_2126 = arith.select %lt3A_2120, %jit3A_2125, %select_n3A_2114 : i32
      %slice3A_2127 = vector.extract_strided_slice %select_n3A_2005 {offsets = [8], sizes = [1], strides = [1]} : vector<16xf32> to vector<1xf32>
      %squeeze3A_2128 = vector.extract %slice3A_2127[0] : f32 from vector<1xf32>
      %slice3A_2129 = vector.extract_strided_slice %select_n3A_2006 {offsets = [8], sizes = [1], strides = [1]} : vector<16xf32> to vector<1xf32>
      %squeeze3A_2130 = vector.extract %slice3A_2129[0] : f32 from vector<1xf32>
      %gt3A_2131 = arith.cmpf ogt, %squeeze3A_2128, %select_n3A_2121 : f32
      %lt3A_2132 = arith.cmpf olt, %squeeze3A_2130, %select_n3A_2124 : f32
      %select_n3A_2133 = arith.select %gt3A_2131, %squeeze3A_2128, %select_n3A_2121 : f32
      %jit3A_2134 = arith.constant 8 : i32
      %select_n3A_2135 = arith.select %gt3A_2131, %jit3A_2134, %select_n3A_2123 : i32
      %select_n3A_2136 = arith.select %lt3A_2132, %squeeze3A_2130, %select_n3A_2124 : f32
      %jit3A_2137 = arith.constant 8 : i32
      %select_n3A_2138 = arith.select %lt3A_2132, %jit3A_2137, %select_n3A_2126 : i32
      %slice3A_2139 = vector.extract_strided_slice %select_n3A_2005 {offsets = [9], sizes = [1], strides = [1]} : vector<16xf32> to vector<1xf32>
      %squeeze3A_2140 = vector.extract %slice3A_2139[0] : f32 from vector<1xf32>
      %slice3A_2141 = vector.extract_strided_slice %select_n3A_2006 {offsets = [9], sizes = [1], strides = [1]} : vector<16xf32> to vector<1xf32>
      %squeeze3A_2142 = vector.extract %slice3A_2141[0] : f32 from vector<1xf32>
      %gt3A_2143 = arith.cmpf ogt, %squeeze3A_2140, %select_n3A_2133 : f32
      %lt3A_2144 = arith.cmpf olt, %squeeze3A_2142, %select_n3A_2136 : f32
      %select_n3A_2145 = arith.select %gt3A_2143, %squeeze3A_2140, %select_n3A_2133 : f32
      %jit3A_2146 = arith.constant 9 : i32
      %select_n3A_2147 = arith.select %gt3A_2143, %jit3A_2146, %select_n3A_2135 : i32
      %select_n3A_2148 = arith.select %lt3A_2144, %squeeze3A_2142, %select_n3A_2136 : f32
      %jit3A_2149 = arith.constant 9 : i32
      %select_n3A_2150 = arith.select %lt3A_2144, %jit3A_2149, %select_n3A_2138 : i32
      %slice3A_2151 = vector.extract_strided_slice %select_n3A_2005 {offsets = [10], sizes = [1], strides = [1]} : vector<16xf32> to vector<1xf32>
      %squeeze3A_2152 = vector.extract %slice3A_2151[0] : f32 from vector<1xf32>
      %slice3A_2153 = vector.extract_strided_slice %select_n3A_2006 {offsets = [10], sizes = [1], strides = [1]} : vector<16xf32> to vector<1xf32>
      %squeeze3A_2154 = vector.extract %slice3A_2153[0] : f32 from vector<1xf32>
      %gt3A_2155 = arith.cmpf ogt, %squeeze3A_2152, %select_n3A_2145 : f32
      %lt3A_2156 = arith.cmpf olt, %squeeze3A_2154, %select_n3A_2148 : f32
      %select_n3A_2157 = arith.select %gt3A_2155, %squeeze3A_2152, %select_n3A_2145 : f32
      %jit3A_2158 = arith.constant 10 : i32
      %select_n3A_2159 = arith.select %gt3A_2155, %jit3A_2158, %select_n3A_2147 : i32
      %select_n3A_2160 = arith.select %lt3A_2156, %squeeze3A_2154, %select_n3A_2148 : f32
      %jit3A_2161 = arith.constant 10 : i32
      %select_n3A_2162 = arith.select %lt3A_2156, %jit3A_2161, %select_n3A_2150 : i32
      %slice3A_2163 = vector.extract_strided_slice %select_n3A_2005 {offsets = [11], sizes = [1], strides = [1]} : vector<16xf32> to vector<1xf32>
      %squeeze3A_2164 = vector.extract %slice3A_2163[0] : f32 from vector<1xf32>
      %slice3A_2165 = vector.extract_strided_slice %select_n3A_2006 {offsets = [11], sizes = [1], strides = [1]} : vector<16xf32> to vector<1xf32>
      %squeeze3A_2166 = vector.extract %slice3A_2165[0] : f32 from vector<1xf32>
      %gt3A_2167 = arith.cmpf ogt, %squeeze3A_2164, %select_n3A_2157 : f32
      %lt3A_2168 = arith.cmpf olt, %squeeze3A_2166, %select_n3A_2160 : f32
      %select_n3A_2169 = arith.select %gt3A_2167, %squeeze3A_2164, %select_n3A_2157 : f32
      %jit3A_2170 = arith.constant 11 : i32
      %select_n3A_2171 = arith.select %gt3A_2167, %jit3A_2170, %select_n3A_2159 : i32
      %select_n3A_2172 = arith.select %lt3A_2168, %squeeze3A_2166, %select_n3A_2160 : f32
      %jit3A_2173 = arith.constant 11 : i32
      %select_n3A_2174 = arith.select %lt3A_2168, %jit3A_2173, %select_n3A_2162 : i32
      %slice3A_2175 = vector.extract_strided_slice %select_n3A_2005 {offsets = [12], sizes = [1], strides = [1]} : vector<16xf32> to vector<1xf32>
      %squeeze3A_2176 = vector.extract %slice3A_2175[0] : f32 from vector<1xf32>
      %slice3A_2177 = vector.extract_strided_slice %select_n3A_2006 {offsets = [12], sizes = [1], strides = [1]} : vector<16xf32> to vector<1xf32>
      %squeeze3A_2178 = vector.extract %slice3A_2177[0] : f32 from vector<1xf32>
      %gt3A_2179 = arith.cmpf ogt, %squeeze3A_2176, %select_n3A_2169 : f32
      %lt3A_2180 = arith.cmpf olt, %squeeze3A_2178, %select_n3A_2172 : f32
      %select_n3A_2181 = arith.select %gt3A_2179, %squeeze3A_2176, %select_n3A_2169 : f32
      %jit3A_2182 = arith.constant 12 : i32
      %select_n3A_2183 = arith.select %gt3A_2179, %jit3A_2182, %select_n3A_2171 : i32
      %select_n3A_2184 = arith.select %lt3A_2180, %squeeze3A_2178, %select_n3A_2172 : f32
      %jit3A_2185 = arith.constant 12 : i32
      %select_n3A_2186 = arith.select %lt3A_2180, %jit3A_2185, %select_n3A_2174 : i32
      %slice3A_2187 = vector.extract_strided_slice %select_n3A_2005 {offsets = [13], sizes = [1], strides = [1]} : vector<16xf32> to vector<1xf32>
      %squeeze3A_2188 = vector.extract %slice3A_2187[0] : f32 from vector<1xf32>
      %slice3A_2189 = vector.extract_strided_slice %select_n3A_2006 {offsets = [13], sizes = [1], strides = [1]} : vector<16xf32> to vector<1xf32>
      %squeeze3A_2190 = vector.extract %slice3A_2189[0] : f32 from vector<1xf32>
      %gt3A_2191 = arith.cmpf ogt, %squeeze3A_2188, %select_n3A_2181 : f32
      %lt3A_2192 = arith.cmpf olt, %squeeze3A_2190, %select_n3A_2184 : f32
      %select_n3A_2193 = arith.select %gt3A_2191, %squeeze3A_2188, %select_n3A_2181 : f32
      %jit3A_2194 = arith.constant 13 : i32
      %select_n3A_2195 = arith.select %gt3A_2191, %jit3A_2194, %select_n3A_2183 : i32
      %select_n3A_2196 = arith.select %lt3A_2192, %squeeze3A_2190, %select_n3A_2184 : f32
      %jit3A_2197 = arith.constant 13 : i32
      %select_n3A_2198 = arith.select %lt3A_2192, %jit3A_2197, %select_n3A_2186 : i32
      %slice3A_2199 = vector.extract_strided_slice %select_n3A_2005 {offsets = [14], sizes = [1], strides = [1]} : vector<16xf32> to vector<1xf32>
      %squeeze3A_2200 = vector.extract %slice3A_2199[0] : f32 from vector<1xf32>
      %slice3A_2201 = vector.extract_strided_slice %select_n3A_2006 {offsets = [14], sizes = [1], strides = [1]} : vector<16xf32> to vector<1xf32>
      %squeeze3A_2202 = vector.extract %slice3A_2201[0] : f32 from vector<1xf32>
      %gt3A_2203 = arith.cmpf ogt, %squeeze3A_2200, %select_n3A_2193 : f32
      %lt3A_2204 = arith.cmpf olt, %squeeze3A_2202, %select_n3A_2196 : f32
      %select_n3A_2205 = arith.select %gt3A_2203, %squeeze3A_2200, %select_n3A_2193 : f32
      %jit3A_2206 = arith.constant 14 : i32
      %select_n3A_2207 = arith.select %gt3A_2203, %jit3A_2206, %select_n3A_2195 : i32
      %select_n3A_2208 = arith.select %lt3A_2204, %squeeze3A_2202, %select_n3A_2196 : f32
      %jit3A_2209 = arith.constant 14 : i32
      %select_n3A_2210 = arith.select %lt3A_2204, %jit3A_2209, %select_n3A_2198 : i32
      %slice3A_2211 = vector.extract_strided_slice %select_n3A_2005 {offsets = [15], sizes = [1], strides = [1]} : vector<16xf32> to vector<1xf32>
      %squeeze3A_2212 = vector.extract %slice3A_2211[0] : f32 from vector<1xf32>
      %slice3A_2213 = vector.extract_strided_slice %select_n3A_2006 {offsets = [15], sizes = [1], strides = [1]} : vector<16xf32> to vector<1xf32>
      %squeeze3A_2214 = vector.extract %slice3A_2213[0] : f32 from vector<1xf32>
      %gt3A_2215 = arith.cmpf ogt, %squeeze3A_2212, %select_n3A_2205 : f32
      %lt3A_2216 = arith.cmpf olt, %squeeze3A_2214, %select_n3A_2208 : f32
      %select_n3A_2217 = arith.select %gt3A_2215, %squeeze3A_2212, %select_n3A_2205 : f32
      %jit3A_2218 = arith.constant 15 : i32
      %select_n3A_2219 = arith.select %gt3A_2215, %jit3A_2218, %select_n3A_2207 : i32
      %select_n3A_2220 = arith.select %lt3A_2216, %squeeze3A_2214, %select_n3A_2208 : f32
      %jit3A_2221 = arith.constant 15 : i32
      %select_n3A_2222 = arith.select %lt3A_2216, %jit3A_2221, %select_n3A_2210 : i32
      %add3A_2223 = arith.addf %add3A_1999, %select_n3A_2217 : f32
      %add3A_2224 = arith.addf %add3A_2000, %select_n3A_2220 : f32
      %broadcast_in_dim3A_2225 = vector.broadcast %select_n3A_2219 : i32 to vector<16xi32>
      %eq3A_2226 = arith.cmpi eq, %iota3A, %broadcast_in_dim3A_2225 : vector<16xi32>
      %broadcast_in_dim3A_2227 = vector.broadcast %select_n3A_2222 : i32 to vector<16xi32>
      %eq3A_2228 = arith.cmpi eq, %iota3A, %broadcast_in_dim3A_2227 : vector<16xi32>
      %select_n3A_2229 = arith.select %eq3A_2226, %select_n3A_2007, %select_n3A_2005 : vector<16xi1>, vector<16xf32>
      %select_n3A_2230 = arith.select %eq3A_2228, %select_n3A_2008, %select_n3A_2006 : vector<16xi1>, vector<16xf32>
      %select_n3A_2231 = arith.select %eq3A_2226, %select_n3A_2009, %select_n3A_2007 : vector<16xi1>, vector<16xf32>
      %select_n3A_2232 = arith.select %eq3A_2228, %select_n3A_2010, %select_n3A_2008 : vector<16xi1>, vector<16xf32>
      %select_n3A_2233 = arith.select %eq3A_2226, %select_n3A_2011, %select_n3A_2009 : vector<16xi1>, vector<16xf32>
      %select_n3A_2234 = arith.select %eq3A_2228, %select_n3A_2012, %select_n3A_2010 : vector<16xi1>, vector<16xf32>
      %select_n3A_2235 = arith.select %eq3A_2226, %select_n3A_2013, %select_n3A_2011 : vector<16xi1>, vector<16xf32>
      %select_n3A_2236 = arith.select %eq3A_2228, %select_n3A_2014, %select_n3A_2012 : vector<16xi1>, vector<16xf32>
      %select_n3A_2237 = arith.select %eq3A_2226, %select_n3A_2015, %select_n3A_2013 : vector<16xi1>, vector<16xf32>
      %select_n3A_2238 = arith.select %eq3A_2228, %select_n3A_2016, %select_n3A_2014 : vector<16xi1>, vector<16xf32>
      %select_n3A_2239 = arith.select %eq3A_2226, %select_n3A_2017, %select_n3A_2015 : vector<16xi1>, vector<16xf32>
      %select_n3A_2240 = arith.select %eq3A_2228, %select_n3A_2018, %select_n3A_2016 : vector<16xi1>, vector<16xf32>
      %select_n3A_2241 = arith.select %eq3A_2226, %select_n3A_2019, %select_n3A_2017 : vector<16xi1>, vector<16xf32>
      %select_n3A_2242 = arith.select %eq3A_2228, %select_n3A_2020, %select_n3A_2018 : vector<16xi1>, vector<16xf32>
      %select_n3A_2243 = arith.select %eq3A_2226, %select_n3A_2021, %select_n3A_2019 : vector<16xi1>, vector<16xf32>
      %select_n3A_2244 = arith.select %eq3A_2228, %select_n3A_2022, %select_n3A_2020 : vector<16xi1>, vector<16xf32>
      %select_n3A_2245 = arith.select %eq3A_2226, %select_n3A_2023, %select_n3A_2021 : vector<16xi1>, vector<16xf32>
      %select_n3A_2246 = arith.select %eq3A_2228, %select_n3A_2024, %select_n3A_2022 : vector<16xi1>, vector<16xf32>
      %select_n3A_2247 = arith.select %eq3A_2226, %broadcast_in_dim3A_5, %select_n3A_2023 : vector<16xi1>, vector<16xf32>
      %select_n3A_2248 = arith.select %eq3A_2228, %broadcast_in_dim3A_7, %select_n3A_2024 : vector<16xi1>, vector<16xf32>
      %add3A_2249 = arith.addf %add3A_2223, %add3A_2224 : f32
      %mul3A_2250 = arith.constant 5.000000e-02 : f32
      %mul3A_2251 = arith.mulf %add3A_2249, %mul3A_2250 : f32
      %broadcast_in_dim3A_2252 = vector.broadcast %mul3A_2251 : f32 to vector<16xf32>
      %neg3A = arith.constant 0.000000e+00 : f32
      %neg3A_2253 = vector.broadcast %neg3A : f32 to vector<16xf32>
      %neg3A_2254 = arith.subf %neg3A_2253, %broadcast_in_dim3A_2252 : vector<16xf32>
      %exp3A = math.exp %neg3A_2254 : vector<16xf32>
      %add3A_2255 = arith.constant 1.000000e+00 : f32
      %add3A_2256 = vector.broadcast %add3A_2255 : f32 to vector<16xf32>
      %add3A_2257 = arith.addf %add3A_2256, %exp3A : vector<16xf32>
      %div3A = arith.constant 1.000000e+00 : f32
      %div3A_2258 = vector.broadcast %div3A : f32 to vector<16xf32>
      %div3A_2259 = arith.divf %div3A_2258, %add3A_2257 : vector<16xf32>
      %swap3A = arith.constant 0 : index
      %swap3A_2260 = tpu.vector_load %arg5[%swap3A] {strides = array<i32>} : memref<16xf32, #tpu.memory_space<vmem>>, vector<16xf32>,
      %swap3A_2261 = vector.shape_cast %swap3A_2260 : vector<16xf32> to vector<16xf32>
      %swap3A_2262 = vector.shape_cast %div3A_2259 : vector<16xf32> to vector<16xf32>
      tpu.vector_store %arg5[%swap3A], %swap3A_2262 {strides = array<i32>} : memref<16xf32, #tpu.memory_space<vmem>>, vector<16xf32>,
      "tpu.region"() ({
        %run_scoped3A = tpu.sem_alloc : memref<!tpu.dma_semaphore, #tpu.memory_space<semaphore_mem>>
        %dma_start3A = arith.constant 0 : i32
        %dma_start3A_2263 = tpu.memref_slice %arg3[%add3A, %dma_start3A] : memref<16x16xf32, #tpu.memory_space<hbm>> -> memref<1x16xf32, #tpu.memory_space<hbm>>
        %dma_start3A_2264 = tpu.memref_squeeze %dma_start3A_2263 : memref<1x16xf32, #tpu.memory_space<hbm>> -> memref<16xf32, #tpu.memory_space<hbm>>
        %dma_start3A_2265 = arith.constant 0 : i32
        %dma_start3A_2266 = tpu.memref_slice %arg3[%add3A, %dma_start3A_2265] : memref<16x16xf32, #tpu.memory_space<hbm>> -> memref<1x16xf32, #tpu.memory_space<hbm>>
        %dma_start3A_2267 = tpu.memref_squeeze %dma_start3A_2266 : memref<1x16xf32, #tpu.memory_space<hbm>> -> memref<16xf32, #tpu.memory_space<hbm>>
        tpu.enqueue_dma source(%arg5 : memref<16xf32, #tpu.memory_space<vmem>>) target(%dma_start3A_2267 : memref<16xf32, #tpu.memory_space<hbm>>) target_semaphore(%run_scoped3A : memref<!tpu.dma_semaphore, #tpu.memory_space<semaphore_mem>>)
        %dma_wait3A = arith.constant 0 : i32
        %dma_wait3A_2268 = tpu.memref_slice %arg3[%add3A, %dma_wait3A] : memref<16x16xf32, #tpu.memory_space<hbm>> -> memref<1x16xf32, #tpu.memory_space<hbm>>
        %dma_wait3A_2269 = tpu.memref_squeeze %dma_wait3A_2268 : memref<1x16xf32, #tpu.memory_space<hbm>> -> memref<16xf32, #tpu.memory_space<hbm>>
        %dma_wait3A_2270 = arith.constant 0 : i32
        %dma_wait3A_2271 = tpu.memref_slice %arg3[%add3A, %dma_wait3A_2270] : memref<16x16xf32, #tpu.memory_space<hbm>> -> memref<1x16xf32, #tpu.memory_space<hbm>>
        %dma_wait3A_2272 = tpu.memref_squeeze %dma_wait3A_2271 : memref<1x16xf32, #tpu.memory_space<hbm>> -> memref<16xf32, #tpu.memory_space<hbm>>
        tpu.wait_dma2 semaphore(%run_scoped3A : memref<!tpu.dma_semaphore, #tpu.memory_space<semaphore_mem>>) src(%arg5 : memref<16xf32, #tpu.memory_space<vmem>>) dst(%dma_wait3A_2272 : memref<16xf32, #tpu.memory_space<hbm>>)
        tpu.yield
      }) : () -> ()
    } else {
    }
    return
  }
}

module attributes {stable_mosaic.version = 14 : i64} {
  func.func @_score_kernel(%arg0: i32, %arg1: memref<1x8192x256xf32, #tpu.memory_space<vmem>>, %arg2: memref<1x256xf32, #tpu.memory_space<vmem>>, %arg3: memref<1x1xf32, #tpu.memory_space<vmem>>, %arg4: memref<8192xf32, #tpu.memory_space<vmem>>) attributes {dimension_semantics = [#tpu.dimension_semantics<parallel>], iteration_bounds = array<i64: 16>, scalar_prefetch = 0 : i64, scratch_operands = 0 : i64, tpu.core_type = #tpu.core_type<tc>, window_params = [{transform_indices = @transform_0, window_bounds = array<i64: 1, 8192, 256>}, {pipeline_mode = #tpu.pipeline_mode<synchronous>, transform_indices = @transform_1, window_bounds = array<i64: 1, 256>}, {pipeline_mode = #tpu.pipeline_mode<synchronous>, transform_indices = @transform_2, window_bounds = array<i64: 1, 1>}, {transform_indices = @transform_3, window_bounds = array<i64: 8192>}]} {
    %get3A = arith.constant 0 : index
    %get3A_0 = arith.constant 0 : index
    %get3A_1 = vector.load %arg2[%get3A, %get3A_0] : memref<1x256xf32, #tpu.memory_space<vmem>>, vector<1x256xf32>
    %get3A_2 = arith.constant 0 : index
    %get3A_3 = arith.constant 0 : index
    %get3A_4 = arith.constant 0 : index
    %get3A_5 = vector.load %arg1[%get3A_2, %get3A_3, %get3A_4] : memref<1x8192x256xf32, #tpu.memory_space<vmem>>, vector<1x1024x256xf32>
    %get3A_6 = vector.shape_cast %get3A_5 : vector<1x1024x256xf32> to vector<1024x256xf32>
    %dot_general3A = arith.constant dense<0.000000e+00> : vector<1x1024xf32>
    %dot_general3A_7 = tpu.matmul %get3A_1, %get3A_6, %dot_general3A {dimension_numbers = #tpu.dot_dimension_numbers<[1], [1], [0], [0], [0, 0, 1, 0], [], []>, transpose_lhs_hint = false} : vector<1x256xf32>, vector<1024x256xf32>, vector<1x1024xf32> -> vector<1x1024xf32>
    %get3A_8 = arith.constant 0 : index
    %get3A_9 = arith.constant 1024 : index
    %get3A_10 = arith.constant 0 : index
    %get3A_11 = vector.load %arg1[%get3A_8, %get3A_9, %get3A_10] : memref<1x8192x256xf32, #tpu.memory_space<vmem>>, vector<1x1024x256xf32>
    %get3A_12 = vector.shape_cast %get3A_11 : vector<1x1024x256xf32> to vector<1024x256xf32>
    %dot_general3A_13 = arith.constant dense<0.000000e+00> : vector<1x1024xf32>
    %dot_general3A_14 = tpu.matmul %get3A_1, %get3A_12, %dot_general3A_13 {dimension_numbers = #tpu.dot_dimension_numbers<[1], [1], [0], [0], [0, 0, 1, 0], [], []>, transpose_lhs_hint = false} : vector<1x256xf32>, vector<1024x256xf32>, vector<1x1024xf32> -> vector<1x1024xf32>
    %get3A_15 = arith.constant 0 : index
    %get3A_16 = arith.constant 2048 : index
    %get3A_17 = arith.constant 0 : index
    %get3A_18 = vector.load %arg1[%get3A_15, %get3A_16, %get3A_17] : memref<1x8192x256xf32, #tpu.memory_space<vmem>>, vector<1x1024x256xf32>
    %get3A_19 = vector.shape_cast %get3A_18 : vector<1x1024x256xf32> to vector<1024x256xf32>
    %dot_general3A_20 = arith.constant dense<0.000000e+00> : vector<1x1024xf32>
    %dot_general3A_21 = tpu.matmul %get3A_1, %get3A_19, %dot_general3A_20 {dimension_numbers = #tpu.dot_dimension_numbers<[1], [1], [0], [0], [0, 0, 1, 0], [], []>, transpose_lhs_hint = false} : vector<1x256xf32>, vector<1024x256xf32>, vector<1x1024xf32> -> vector<1x1024xf32>
    %get3A_22 = arith.constant 0 : index
    %get3A_23 = arith.constant 3072 : index
    %get3A_24 = arith.constant 0 : index
    %get3A_25 = vector.load %arg1[%get3A_22, %get3A_23, %get3A_24] : memref<1x8192x256xf32, #tpu.memory_space<vmem>>, vector<1x1024x256xf32>
    %get3A_26 = vector.shape_cast %get3A_25 : vector<1x1024x256xf32> to vector<1024x256xf32>
    %dot_general3A_27 = arith.constant dense<0.000000e+00> : vector<1x1024xf32>
    %dot_general3A_28 = tpu.matmul %get3A_1, %get3A_26, %dot_general3A_27 {dimension_numbers = #tpu.dot_dimension_numbers<[1], [1], [0], [0], [0, 0, 1, 0], [], []>, transpose_lhs_hint = false} : vector<1x256xf32>, vector<1024x256xf32>, vector<1x1024xf32> -> vector<1x1024xf32>
    %get3A_29 = arith.constant 0 : index
    %get3A_30 = arith.constant 4096 : index
    %get3A_31 = arith.constant 0 : index
    %get3A_32 = vector.load %arg1[%get3A_29, %get3A_30, %get3A_31] : memref<1x8192x256xf32, #tpu.memory_space<vmem>>, vector<1x1024x256xf32>
    %get3A_33 = vector.shape_cast %get3A_32 : vector<1x1024x256xf32> to vector<1024x256xf32>
    %dot_general3A_34 = arith.constant dense<0.000000e+00> : vector<1x1024xf32>
    %dot_general3A_35 = tpu.matmul %get3A_1, %get3A_33, %dot_general3A_34 {dimension_numbers = #tpu.dot_dimension_numbers<[1], [1], [0], [0], [0, 0, 1, 0], [], []>, transpose_lhs_hint = false} : vector<1x256xf32>, vector<1024x256xf32>, vector<1x1024xf32> -> vector<1x1024xf32>
    %get3A_36 = arith.constant 0 : index
    %get3A_37 = arith.constant 5120 : index
    %get3A_38 = arith.constant 0 : index
    %get3A_39 = vector.load %arg1[%get3A_36, %get3A_37, %get3A_38] : memref<1x8192x256xf32, #tpu.memory_space<vmem>>, vector<1x1024x256xf32>
    %get3A_40 = vector.shape_cast %get3A_39 : vector<1x1024x256xf32> to vector<1024x256xf32>
    %dot_general3A_41 = arith.constant dense<0.000000e+00> : vector<1x1024xf32>
    %dot_general3A_42 = tpu.matmul %get3A_1, %get3A_40, %dot_general3A_41 {dimension_numbers = #tpu.dot_dimension_numbers<[1], [1], [0], [0], [0, 0, 1, 0], [], []>, transpose_lhs_hint = false} : vector<1x256xf32>, vector<1024x256xf32>, vector<1x1024xf32> -> vector<1x1024xf32>
    %get3A_43 = arith.constant 0 : index
    %get3A_44 = arith.constant 6144 : index
    %get3A_45 = arith.constant 0 : index
    %get3A_46 = vector.load %arg1[%get3A_43, %get3A_44, %get3A_45] : memref<1x8192x256xf32, #tpu.memory_space<vmem>>, vector<1x1024x256xf32>
    %get3A_47 = vector.shape_cast %get3A_46 : vector<1x1024x256xf32> to vector<1024x256xf32>
    %dot_general3A_48 = arith.constant dense<0.000000e+00> : vector<1x1024xf32>
    %dot_general3A_49 = tpu.matmul %get3A_1, %get3A_47, %dot_general3A_48 {dimension_numbers = #tpu.dot_dimension_numbers<[1], [1], [0], [0], [0, 0, 1, 0], [], []>, transpose_lhs_hint = false} : vector<1x256xf32>, vector<1024x256xf32>, vector<1x1024xf32> -> vector<1x1024xf32>
    %get3A_50 = arith.constant 0 : index
    %get3A_51 = arith.constant 7168 : index
    %get3A_52 = arith.constant 0 : index
    %get3A_53 = vector.load %arg1[%get3A_50, %get3A_51, %get3A_52] : memref<1x8192x256xf32, #tpu.memory_space<vmem>>, vector<1x1024x256xf32>
    %get3A_54 = vector.shape_cast %get3A_53 : vector<1x1024x256xf32> to vector<1024x256xf32>
    %dot_general3A_55 = arith.constant dense<0.000000e+00> : vector<1x1024xf32>
    %dot_general3A_56 = tpu.matmul %get3A_1, %get3A_54, %dot_general3A_55 {dimension_numbers = #tpu.dot_dimension_numbers<[1], [1], [0], [0], [0, 0, 1, 0], [], []>, transpose_lhs_hint = false} : vector<1x256xf32>, vector<1024x256xf32>, vector<1x1024xf32> -> vector<1x1024xf32>
    %concatenate3A = tpu.concatenate %dot_general3A_7, %dot_general3A_14, %dot_general3A_21, %dot_general3A_28, %dot_general3A_35, %dot_general3A_42, %dot_general3A_49, %dot_general3A_56 in 1 : vector<1x1024xf32>, vector<1x1024xf32>, vector<1x1024xf32>, vector<1x1024xf32>, vector<1x1024xf32>, vector<1x1024xf32>, vector<1x1024xf32>, vector<1x1024xf32> -> vector<1x8192xf32>
    %get3A_57 = arith.constant 0 : index
    %get3A_58 = arith.constant 0 : index
    %get3A_59 = vector.load %arg3[%get3A_57, %get3A_58] : memref<1x1xf32, #tpu.memory_space<vmem>>, vector<1x1xf32>
    %add3A = vector.broadcast %get3A_59 : vector<1x1xf32> to vector<1x8192xf32>
    %add3A_60 = arith.addf %concatenate3A, %add3A : vector<1x8192xf32>
    %reshape3A = vector.shape_cast %add3A_60 : vector<1x8192xf32> to vector<8192xf32>
    %swap3A = arith.constant 0 : index
    %swap3A_61 = vector.load %arg4[%swap3A] : memref<8192xf32, #tpu.memory_space<vmem>>, vector<8192xf32>
    tpu.vector_store %arg4[%swap3A], %reshape3A {strides = array<i32>} : memref<8192xf32, #tpu.memory_space<vmem>>, vector<8192xf32>,
    return
  }
  func.func @transform_0(%arg0: i32) -> (i32, i32, i32) {
    %c0_i32 = arith.constant 0 : i32
    %c0_i32_0 = arith.constant 0 : i32
    %c0_i32_1 = arith.constant 0 : i32
    return %arg0, %c0_i32, %c0_i32_0 : i32, i32, i32
  }
  func.func @transform_1(%arg0: i32) -> (i32, i32) {
    %c0_i32 = arith.constant 0 : i32
    %c0_i32_0 = arith.constant 0 : i32
    %c0_i32_1 = arith.constant 0 : i32
    return %c0_i32, %c0_i32_0 : i32, i32
  }
  func.func @transform_2(%arg0: i32) -> (i32, i32) {
    %c0_i32 = arith.constant 0 : i32
    %c0_i32_0 = arith.constant 0 : i32
    %c0_i32_1 = arith.constant 0 : i32
    return %c0_i32, %c0_i32_0 : i32, i32
  }
  func.func @transform_3(%arg0: i32) -> i32 {
    %c0_i32 = arith.constant 0 : i32
    return %arg0 : i32
  }
}

</mosaic_0001>

<sc_bundles>
// kernel: kernel.4.cloned.1.call-start
scs
__scs_entry_jumppad:
0x0: {  	(pc) =	sbr.rel $0x88, $3  }
0x1: {  	(tag) =	ssettag $0x0;
	lr =	simm.s32 $0x1  }
0x2: {  	[smem:$0x3F9E] =	sst lr;
	_ =	strace $0xD0000000  }
0x3: {  	_ = 	snop  }
0x4: {  	_ = 	snop  }
0x5: {  	_ = 	snop  }
0x6: {  	_ = 	snop  }
0x7: {  	_ = 	snop  }
__scs_overlays_trampoline_lowered:
0x8: {  	[smem:$0x3FAD] =	sst s0  }
0x9: {  	[smem:$0x3FAE] =	sst s1  }
0xa: {  	[smem:$0x3FAF] =	sst s2  }
0xb: {  	[smem:$0x3FB0] =	sst s3  }
0xc: {  	[smem:$0x3FB1] =	sst s4  }
0xd: {  	[smem:$0x3FB2] =	sst s5  }
0xe: {  	[smem:$0x3FB3] =	sst s6  }
0xf: {  	[smem:$0x3FB4] =	sst s7  }
0x10: {  	[smem:$0x3FB5] =	sst s8  }
0x11: {  	[smem:$0x3FB6] =	sst s9;
	s0 =	simm.s32 @!p0 $0x0  }
0x12: {  	s1 =	sld [smem:$0x3F9C];
	s0 =	simm.s32 @p0 $0x1  }
0x13: {  	[smem:$0x3FB7] =	sst s0;
	s0 =	simm.s32 @!p1 $0x0  }
0x14: {  	s2 =	sld [smem:$0x3F9B];
	s0 =	simm.s32 @p1 $0x1  }
0x15: {  	[smem:$0x3FB8] =	sst s0;
	s0 =	simm.s32 @!p2 $0x0  }
0x16: {  	s3 =	sld [smem:$0x3FDB];
	s0 =	simm.s32 @p2 $0x1  }
0x17: {  	s4 =	simm.s32 $0x1BF5;
	[smem:$0x3FBA] =	sst s0  }
0x18: {  	s0 =	sld [smem:$0x3F9D];
	_ =	swait.ge [sflag:s4], $0x0  }
0x19: {  	s7 =	sld [smem:$0x3F9E]  }
0x1a: {  	s8 =	sadd.s32 $0xFFFFE003, lr  }
0x1b: {  	s9 =	sadd.s32 $0xFFFFFEF7, lr;
	s5 =	simm.s32 $0xFFFFFFFF;
	p2 =	slt.u32 s8, $0xFFFFF086  }
0x1c: {  	p1 =	slt.u32 s9, $0xF7A;
	s5 =	simm.s32 @!p2 $0x0  }
0x1d: {  	s5 =	simm.s32 @p1 $0x1;
	p0 =	seq.s32 s7, s2  }
0x1e: {  	s7 =	smul.u32 @!p0 $0xF7A, s2;
	p2 =	seq.s32 @!p0 s5, $0x0  }
0x1f: {  	s9 =	smul.u32 $0xF7A, s1;
	s8 =	simm.s32 @!p0 $0x1BF5;
	p2 =	por !p2, p0  }
0x20: {  	[sflag:s8] =	ssyncset.s32 @!p0 $0xFFFFF086;
	s6 =	sadd.s32 @!p0 s3, s7;
	s7 =	simm.s32 @!p0 $0x108  }
0x21: {  	s3 =	sadd.s32 s3, s9;
	s6 =	sadd.s32 @!p0 $0x88, s6;
	s7 =	simm.s32 @p2 $0x1082  }
0x22: {  	[simem:s7], [sflag:s8] =	dma.local @!p0 [hbm:s6], $0xF7A  }
0x23: {  	s9 =	sor.u32 $0xD0000000, s2;
	s6 =	simm.s32 $0x108;
	_ =	swait.ge @!p0 [sflag:s8], $0x0  }
0x24: {  	s3 =	sadd.s32 $0x88, s3;
	s6 =	simm.s32 @!p1 $0x1082;
	[sflag:s4] =	ssyncset.s32 $0xFFFFF086  }
0x25: {  	[simem:s6], [sflag:s4] =	dma.local [hbm:s3], $0xF7A  }
0x26: {  	[smem:$0x3F9E] =	sst s1;
	(tag) =	ssettag s2;
	_ =	strace s9  }
0x27: {  	s1 =	sld [smem:$0x3FAE]  }
0x28: {  	s2 =	sld [smem:$0x3FAF]  }
0x29: {  	s4 =	sld [smem:$0x3FB1]  }
0x2a: {  	p0 =	seq.s32 s5, $0x0;
	s5 =	sld [smem:$0x3FB2]  }
0x2b: {  	s6 =	sld [smem:$0x3FB3]  }
0x2c: {  	s7 =	sld [smem:$0x3FB4]  }
0x2d: {  	s3 =	simm.s32 $0x108;
	s8 =	sld [smem:$0x3FB5]  }
0x2e: {  	s3 =	simm.s32 @!p0 $0x1082;
	s9 =	sld [smem:$0x3FB6]  }
0x2f: {  	lr =	sadd.s32 s0, s3;
	s0 =	sld [smem:$0x3FAD]  }
0x30: {  	s3 =	sld [smem:$0x3FB0]  }
0x31: {  	[smem:$0x3FB9] =	sst s10  }
0x32: {  	s10 =	sld [smem:$0x3FB7];
	_ =	sdelay $0x3  }
0x33: {  	p0 =	seq.s32 s10, $0x1;
	s10 =	sld [smem:$0x3FB9];
	_ =	sdelay $0x3  }
0x34: {  	[smem:$0x3FB9] =	sst s10  }
0x35: {  	s10 =	sld [smem:$0x3FB8];
	_ =	sdelay $0x3  }
0x36: {  	p1 =	seq.s32 s10, $0x1;
	s10 =	sld [smem:$0x3FB9];
	_ =	sdelay $0x3  }
0x37: {  	[smem:$0x3FB9] =	sst s10  }
0x38: {  	s10 =	sld [smem:$0x3FBA]  }
0x39: {  	_ = 	snop;
	(pc) =	sbr.ind lr, $3  }
0x3a: {  	_ = 	snop  }
0x3b: {  	_ = 	snop  }
0x3c: {  	p2 =	seq.s32 s10, $0x1;
	s10 =	sld [smem:$0x3FB9]  }
0x3d: {  	_ =	shalt  }
0x3e: {  	_ =	shalt  }
0x3f: {  	_ =	shalt  }
0x40: {  	_ =	shalt  }
0x41: {  	_ =	shalt  }
0x42: {  	_ =	shalt  }
0x43: {  	_ =	shalt  }
0x44: {  	_ =	shalt  }
0x45: {  	_ =	shalt  }
0x46: {  	_ =	shalt  }
0x47: {  	_ =	shalt  }
0x48: {  	_ =	shalt  }
0x49: {  	_ =	shalt  }
0x4a: {  	_ =	shalt  }
0x4b: {  	_ =	shalt  }
0x4c: {  	_ =	shalt  }
0x4d: {  	_ =	shalt  }
0x4e: {  	_ =	shalt  }
0x4f: {  	_ =	shalt  }
0x50: {  	_ =	shalt  }
0x51: {  	_ =	shalt  }
0x52: {  	_ =	shalt  }
0x53: {  	_ =	shalt  }
0x54: {  	_ =	shalt  }
0x55: {  	_ =	shalt  }
0x56: {  	_ =	shalt  }
0x57: {  	_ =	shalt  }
0x58: {  	_ =	shalt  }
0x59: {  	_ =	shalt  }
0x5a: {  	_ =	shalt  }
0x5b: {  	_ =	shalt  }
0x5c: {  	_ =	shalt  }
0x5d: {  	_ =	shalt  }
0x5e: {  	_ =	shalt  }
0x5f: {  	_ =	shalt  }
0x60: {  	_ =	shalt  }
0x61: {  	_ =	shalt  }
0x62: {  	_ =	shalt  }
0x63: {  	_ =	shalt  }
0x64: {  	_ =	shalt  }
0x65: {  	_ =	shalt  }
0x66: {  	_ =	shalt  }
0x67: {  	_ =	shalt  }
0x68: {  	_ =	shalt  }
0x69: {  	_ =	shalt  }
0x6a: {  	_ =	shalt  }
0x6b: {  	_ =	shalt  }
0x6c: {  	_ =	shalt  }
0x6d: {  	_ =	shalt  }
0x6e: {  	_ =	shalt  }
0x6f: {  	_ =	shalt  }
0x70: {  	_ =	shalt  }
0x71: {  	_ =	shalt  }
0x72: {  	_ =	shalt  }
0x73: {  	_ =	shalt  }
0x74: {  	_ =	shalt  }
0x75: {  	_ =	shalt  }
0x76: {  	_ =	shalt  }
0x77: {  	_ =	shalt  }
0x78: {  	_ =	shalt  }
0x79: {  	_ =	shalt  }
0x7a: {  	_ =	shalt  }
0x7b: {  	_ =	shalt  }
0x7c: {  	_ =	shalt  }
0x7d: {  	_ =	shalt  }
0x7e: {  	_ =	shalt  }
0x7f: {  	_ =	shalt  }
0x80: {  	_ =	shalt  }
0x81: {  	_ =	shalt  }
0x82: {  	_ =	shalt  }
0x83: {  	_ =	shalt  }
0x84: {  	_ =	shalt  }
0x85: {  	_ =	shalt  }
0x86: {  	_ =	shalt  }
0x87: {  	_ =	shalt  }
.Lfunc_end0:
.L_simem_size_0:
called_computation_lowered:
.L_overlay_start_0:
0x88: {  	s2 =	sld [smem:$0x3FD9]  }
0x89: {  	s3 =	sld [smem:$0x3FFE];
	_ =	sdelay $0x1  }
0x8a: {  	s1 =	srdreg.scid  }
0x8b: {  	s0 =	sand.u32 $0x1, s1  }
0x8c: {  	s16 =	sshll.u32 s0, $0xA;
	s2 =	sadd.s32 s3, s2  }
0x8d: {  	s2 =	sadd.s32 s2, s16  }
0x8e: {  	[smem:$0x3FC5] =	sst s2  }
0x8f: {  	_ = 	snop  }
0x90: {  	(tm) =	ssettm $0x1  }
0x91: {  	s17 =	sld [smem:$0x3FFB];
	_ =	sdelay $0x3  }
0x92: {  	_ =	strace s17  }
0x93: {  	s2 =	sld [smem:$0x3FFC];
	_ =	sdelay $0x3  }
0x94: {  	_ =	strace s2  }
0x95: {  	s2 =	sld [smem:$0x3FFD];
	_ =	sdelay $0x3  }
0x96: {  	_ =	strace s2  }
0x97: {  	_ =	strace $0x8FFFFFFF  }
0x98: {  	s18 =	sld [smem:$0x3FDB];
	_ =	sdelay $0x1  }
0x99: {  	s19 =	simm.s32 $_scs_section_size  }
0x9a: {  	s4 =	simm.s32 $_size__tile_overlayer_lowered;
	s5 =	simm.s32 $_tile_overlayer_lowered  }
0x9b: {  	s22 =	simm.s32 $0x1BFF;
	s21 =	sshll.u32 s5, $0x1;
	s2 =	sadd.s32 s19, s18  }
0x9c: {  	s6 =	simm.s32 $0x0;
	s20 =	sshll.u32 s4, $0x1;
	s4 =	sadd.s32 s21, s2  }
0x9d: {  	[timem:s6], [sflag:s22] =	dma.local [hbm:s4], s20  }
0x9e: {  	_ =	swait.ge [sflag:s22], s20  }
0x9f: {  	s3 =	ssub.s32 $0x0, s20;
	[sflag:s22] =	ssyncset.done $0x0  }
0xa0: {  	[sflag:s22] =	ssyncadd.s32 s3;
	_ =	sdelay $0x1  }
0xa1: {  	s23 =	simm.s32 $0x1B8B  }
0xa2: {  	_ =	swait.ge [sflag:s23], $0x1  }
0xa3: {  	[sflag:s23] =	ssyncset.done $0x0  }
0xa4: {  	s25 =	simm.s32 $0x1B8E;
	s24 =	sld [smem:$0x3FFE];
	[sflag:s23] =	ssyncadd.s32 $0xFFFFFFFF  }
0xa5: {  	s26 =	simm.s32 $execute0_lowered;
	[smem:$0x3FD2] =	sst s25  }
0xa6: {  	s4 =	sshll.u32 s26, $0x1;
	_ =	strace $0x80000046;
	[dreg:$0x1] =	wrdreg $0xFFFFFFFF  }
0xa7: {  	s28 =	simm.s32 $_size_execute0_lowered;
	s2 =	sadd.s32 s2, s4;
	[dreg:$0x0] =	wrdreg $0x0  }
0xa8: {  	s4 =	sshll.u32 s28, $0x1;
	[dreg:$0x2] =	wrdreg s2  }
0xa9: {  	[dreg:$0x3] =	wrdreg s4  }
0xaa: {  	[dreg:$0x4] =	wrdreg $0xC0  }
0xab: {  	_ =	task [dreg:s6], $0x5FFFF  }
0xac: {  	[dreg:$0x1] =	wrdreg $0xFFFFFFFF  }
0xad: {  	[dreg:$0x0] =	wrdreg $0x60  }
0xae: {  	[dreg:$0x2] =	wrdreg s24  }
0xaf: {  	[dreg:$0x3] =	wrdreg $0x9  }
0xb0: {  	_ =	task.clear_ibuf [dreg:s6], $0x4FFFF;
	_ =	strace $0x90000046  }
0xb1: {  	s29 =	simm.s32 $0x9;
	_ =	strace $0x80000048  }
0xb2: {  	_ =	swait.ge [sflag:s29], $0x1  }
0xb3: {  	[sflag:s29] =	ssyncadd.s32 $0xFFFFFFFF  }
0xb4: {  	_ =	strace $0x90000048  }
0xb5: {  	_ =	sfence  }
0xb6: {  	s30 =	sld [smem:$0x0];
	_ =	sdelay $0x2  }
0xb7: {  	s31 =	sshll.u32 s1, $0xD;
	s1 =	sshrl.u32 s1, $0x2  }
0xb8: {  	s3 =	sand.u32 $0x4000, s31;
	s1 =	sadd.s32 s1, s30  }
0xb9: {  	s0 =	sor.u32 s3, s0;
	s1 =	sshll.u32 s1, $0x11  }
0xba: {  	s0 =	sor.u32 s1, s0  }
0xbb: {  	s0 =	sadd.s32 $0x8F2B, s0  }
0xbc: {  	[sflag:s0] =	ssyncadd.remote.s32 $0x1  }
0xbd: {  	_ =	sfence.sel $0xFFFF  }
0xbe: {  	[dreg:$0x0] =	wrdreg $0xFFFFFFFF;
	(pc) =	sbr.abs _section_cstart, $3  }
0xbf: {  	[dreg:$0x1] =	wrdreg $0xFFFFFFFF  }
0xc0: {  	_ =	task.clear_ibuf [dreg:s6], $0x2FFFF;
	_ =	strace $0x9FFFFFFF  }
0xc1: {  	(tm) =	ssettm $0x7FFFFFFF  }
tec
execute0_lowered:
.L_overlay_start_1:
0x0: {  	(tag) =	ssettag $0x1  }
0x1: {  	s2 =	srdreg.scid  }
0x2: {  	s2 =	sand.u32 $0x1, s2  }
0x3: {  	p0 =	seq.s32 s2, $0x1  }
.Ltmp0:
0x4: {  	_ = 	snop;
	(pc) =	sbr.rel @p0 .LBB2_4-.Ltmp0, $4  }
0x5: {  	_ = 	snop  }
0x6: {  	s0 =	rddreg [dreg:$0x0];
	s1 =	simm.s32 $0x0  }
0x7: {  	[smem:$0x7FF] =	sst s1  }
0x8: {  	s3 =	rddreg [dreg:$0x1];
	s4 =	stileid.u32;
	_ =	strace $0x80000047  }
0x9: {  	s2 =	sadd.s32 $0x400, s0;
	s3 =	sshll.u32 s4, $0xA  }
0xa: {  	s25 =	simm.s32 $0x1;
	s2 =	sadd.s32 s2, s3  }
0xb: {  	[tilespmem:s1], [sflag:$0x1] =	stream.linear.gather [hbm4b:s2+s1], $0x2000, $0x38;
	[tilespmem:$0x2080] =	vst v63  }
0xc: {  	_ =	swait.ge [sflag:s25], $0x2000  }
0xd: {  	[sflag:s25] =	ssyncset.done $0x0  }
0xe: {  	s26 =	simm.s32 $0x0;
	[sflag:s25] =	ssyncadd.s32 $0xFFFFE000  }
0xf: {  	v2 =	vld [tilespmem:s26+$0x0]  }
0x10: {  	s28 =	simm.s32 $0x10  }
0x11: {  	v33 =	vld [tilespmem:s28+$0x0];
	_ =	sdelay $0x1  }
0x12: {  	v4 =	vimm.f32 $+Inf;
	v0 =	vimm.f32 $-Inf  }
0x13: {  	v5 =	vmax.f32 v4, v2;
	v1 =	vmin.f32 v0, v2;
	v13 =	vmax.f32 v0, v2  }
0x14: {  	v34 =	vmin.f32 v4, v2;
	v9 =	vmax.f32 v4, v5;
	v3 =	vmin.f32 v0, v1  }
0x15: {  	v16 =	vmax.f32 v0, v1;
	v35 =	vmax.f32 v13, v33;
	v30 =	vmax.f32 v34, v33  }
0x16: {  	v7 =	vmin.f32 v4, v5;
	v5 =	vmin.f32 v13, v33;
	v10 =	vmax.f32 v4, v9  }
0x17: {  	v1 =	vmin.f32 v0, v3;
	v20 =	vmax.f32 v0, v3;
	v26 =	vmax.f32 v7, v30  }
0x18: {  	v25 =	vmin.f32 v4, v9;
	v29 =	vmax.f32 v16, v5;
	v5 =	vmin.f32 v16, v5  }
0x19: {  	v12 =	vmax.f32 v4, v10;
	v3 =	vmin.f32 v0, v1;
	v28 =	vmax.f32 v0, v1  }
0x1a: {  	v22 =	vmax.f32 v25, v26;
	v21 =	vmin.f32 v4, v10;
	v27 =	vmax.f32 v20, v5  }
0x1b: {  	v5 =	vmin.f32 v20, v5;
	v15 =	vmax.f32 v4, v12;
	v1 =	vmin.f32 v0, v3  }
0x1c: {  	v14 =	vmax.f32 v0, v3;
	v19 =	vmax.f32 v21, v22;
	v18 =	vmin.f32 v4, v12  }
0x1d: {  	v23 =	vmax.f32 v28, v5;
	v17 =	vmax.f32 v4, v15;
	v6 =	vmin.f32 v0, v1  }
0x1e: {  	v11 =	vmax.f32 v0, v1;
	v16 =	vmax.f32 v18, v19;
	v15 =	vmin.f32 v4, v15  }
0x1f: {  	s29 =	sshll.u32 s4, $0x4;
	v24 =	vmax.f32 v4, v17;
	v8 =	vmax.f32 v0, v6;
	v13 =	vmax.f32 v15, v16  }
0x20: {  	s30 =	sand.u32 $0x70, s29;
	v12 =	vmin.f32 v4, v17;
	v17 =	vmin.f32 v28, v5;
	v31 =	vmax.f32 v4, v24  }
0x21: {  	s31 =	sadd.s32 s30, s0;
	s1 =	sand.u32 $0x80, s29;
	v10 =	vmax.f32 v12, v13;
	v9 =	vmin.f32 v4, v24;
	v3 =	vmax.f32 v4, v31  }
0x22: {  	s0 =	sadd.s32 s1, s31;
	v5 =	vmax.f32 v9, v10;
	v1 =	vmin.f32 v4, v3;
	v3 =	vmin.f32 v0, v6  }
0x23: {  	s0 =	sadd.s32 $0x4400, s0;
	v20 =	vmovc v23;
	v4 =	vmin.f32 v4, v31;
	v6 =	vmax.f32 v0, v3;
	v3 =	vmin.f32 v0, v3  }
0x24: {  	s1 =	simm.s32 $0x20;
	[dreg:$0x2] =	wrdreg s0;
	s0 =	simm.s32 $0xC0;
	v28 =	vmovc v29;
	v24 =	vmovc v27;
	v31 =	vmov v35;
	v2 =	vmax.f32 v0, v3;
	v3 =	vmin.f32 v0, v3  }
.LBB2_2:
0x25: {  	p0 =	sne.s32 s0, $0x7FC0;
	v32 =	vld [tilespmem:s1+$0x0];
	v36 =	vmin.f32 v14, v17;
	v14 =	vmax.f32 v14, v17;
	v17 =	vmax.f32 v4, v5  }
0x26: {  	v37 =	vmin.f32 v11, v36;
	v11 =	vmax.f32 v11, v36;
	v1 =	vmin.f32 v1, v17  }
0x27: {  	v0 =	vmax.f32 v0, v3;
	v17 =	vmin.f32 v8, v37;
	v8 =	vmax.f32 v8, v37  }
0x28: {  	v36 =	vmin.f32 v6, v17;
	v6 =	vmax.f32 v6, v17  }
0x29: {  	v34 =	vmin.f32 v34, v33;
	v3 =	vmin.f32 v2, v36;
	v2 =	vmax.f32 v2, v36  }
0x2a: {  	v7 =	vmin.f32 v7, v30;
	v35 =	vmax.f32 v35, v32;
	v30 =	vmax.f32 v34, v32;
	v33 =	vmovc v32  }
0x2b: {  	v25 =	vmin.f32 v25, v26;
	v17 =	vmin.f32 v31, v33;
	v26 =	vmax.f32 v7, v30;
	v31 =	vmovc v35  }
0x2c: {  	v21 =	vmin.f32 v21, v22;
	v29 =	vmax.f32 v29, v17;
	v22 =	vmax.f32 v25, v26  }
.Ltmp1:
0x2d: {  	v18 =	vmin.f32 v18, v19;
	v17 =	vmin.f32 v28, v17;
	v19 =	vmax.f32 v21, v22;
	v28 =	vmovc v29;
	(pc) =	sbr.rel @p0 .LBB2_2-.Ltmp1, $4  }
0x2e: {  	v15 =	vmin.f32 v15, v16;
	v27 =	vmax.f32 v27, v17;
	v16 =	vmax.f32 v18, v19  }
0x2f: {  	v12 =	vmin.f32 v12, v13;
	v17 =	vmin.f32 v24, v17;
	v24 =	vmovc v27;
	v13 =	vmax.f32 v15, v16  }
0x30: {  	v9 =	vmin.f32 v9, v10;
	v23 =	vmax.f32 v23, v17;
	v10 =	vmax.f32 v12, v13  }
0x31: {  	s1 =	sshra.s32 s0, $0x2;
	s0 =	sadd.s32 $0x40, s0;
	v4 =	vmin.f32 v4, v5;
	v17 =	vmin.f32 v20, v17;
	v20 =	vmovc v23;
	v5 =	vmax.f32 v9, v10  }
0x32: {  	v32 =	vld [tilespmem:s1+$0x0];
	_ =	sdelay $0x4  }
0x33: {  	v34 =	vmin.f32 v34, v33;
	v35 =	vmax.f32 v35, v32  }
0x34: {  	v33 =	vmin.f32 v34, v32;
	(v2sf) =	vpush v35, $0x0  }
0x35: {  	(v2sf) =	vpush v33, $0x0;
	_ =	sdelay $0x1  }
0x36: {  	(v2sf) =	vpush v35, $0x1  }
0x37: {  	(v2sf) =	vpush v33, $0x1;
	_ =	sdelay $0x1  }
0x38: {  	(v2sf) =	vpush v35, $0x2  }
0x39: {  	(v2sf) =	vpush v33, $0x2;
	_ =	sdelay $0x4  }
0x3a: {  	(v2sf) =	vpush v35, $0x3  }
0x3b: {  	(v2sf) =	vpush v33, $0x3;
	_ =	sdelay $0x1  }
0x3c: {  	s15 =	spop (v2sf);
	(v2sf) =	vpush v35, $0x4  }
0x3d: {  	s16 =	spop (v2sf);
	(v2sf) =	vpush v33, $0x4;
	_ =	sdelay $0x1  }
0x3e: {  	s0 =	spop (v2sf);
	(v2sf) =	vpush v35, $0x5  }
0x3f: {  	p0 =	sgt.f32 s15, $-Inf;
	s1 =	spop (v2sf);
	(v2sf) =	vpush v33, $0x5  }
0x40: {  	p1 =	slt.f32 s16, $+Inf  }
0x41: {  	s15 =	simm.s32 @!p0 $0xFF800000;
	s2 =	spop (v2sf);
	(v2sf) =	vpush v35, $0x6  }
0x42: {  	s16 =	simm.s32 @!p1 $0x7F800000;
	p0 =	sgt.f32 s0, s15;
	s3 =	spop (v2sf);
	(v2sf) =	vpush v33, $0x6  }
0x43: {  	p1 =	slt.f32 s1, s16  }
0x44: {  	s15 =	smov.u32 @p0 s0;
	(v2sf) =	vpush v35, $0x7  }
0x45: {  	s0 =	simm.s32 $0x1;
	s16 =	smov.u32 @p1 s1;
	p2 =	sgt.f32 s2, s15;
	(v2sf) =	vpush v33, $0x7  }
0x46: {  	s0 =	simm.s32 @!p0 $0x0;
	s1 =	simm.s32 $0x1;
	p0 =	slt.f32 s3, s16  }
0x47: {  	s1 =	simm.s32 @!p1 $0x0;
	s15 =	smov.u32 @p2 s2;
	s2 =	spop (v2sf)  }
0x48: {  	s16 =	smov.u32 @p0 s3;
	s3 =	spop (v2sf);
	p1 =	sgt.f32 s2, s15  }
0x49: {  	s0 =	simm.s32 @p2 $0x2;
	p2 =	slt.f32 s3, s16  }
0x4a: {  	s1 =	simm.s32 @p0 $0x2;
	s15 =	smov.u32 @p1 s2;
	s2 =	spop (v2sf);
	(v2sf) =	vpush v35, $0x8  }
0x4b: {  	s16 =	smov.u32 @p2 s3;
	s3 =	spop (v2sf);
	p0 =	sgt.f32 s2, s15;
	(v2sf) =	vpush v33, $0x8  }
0x4c: {  	s0 =	simm.s32 @p1 $0x3;
	p1 =	slt.f32 s3, s16  }
0x4d: {  	s1 =	simm.s32 @p2 $0x3;
	s15 =	smov.u32 @p0 s2;
	s2 =	spop (v2sf);
	(v2sf) =	vpush v35, $0x9  }
0x4e: {  	s16 =	smov.u32 @p1 s3;
	s3 =	spop (v2sf);
	p2 =	sgt.f32 s2, s15;
	(v2sf) =	vpush v33, $0x9  }
0x4f: {  	s0 =	simm.s32 @p0 $0x4;
	p0 =	slt.f32 s3, s16  }
0x50: {  	s1 =	simm.s32 @p1 $0x4;
	s15 =	smov.u32 @p2 s2;
	s2 =	spop (v2sf);
	(v2sf) =	vpush v35, $0xA  }
0x51: {  	s16 =	smov.u32 @p0 s3;
	s3 =	spop (v2sf);
	p1 =	sgt.f32 s2, s15;
	(v2sf) =	vpush v33, $0xA  }
0x52: {  	s0 =	simm.s32 @p2 $0x5;
	p2 =	slt.f32 s3, s16  }
0x53: {  	s15 =	smov.u32 @p1 s2;
	s2 =	spop (v2sf);
	(v2sf) =	vpush v35, $0xB  }
0x54: {  	s16 =	smov.u32 @p2 s3;
	s3 =	spop (v2sf);
	(v2sf) =	vpush v33, $0xB;
	_ =	sdelay $0x2  }
0x55: {  	s1 =	simm.s32 @p0 $0x5;
	p0 =	sgt.f32 s2, s15  }
0x56: {  	s0 =	simm.s32 @p1 $0x6;
	p1 =	slt.f32 s3, s16  }
0x57: {  	s1 =	simm.s32 @p2 $0x6;
	s15 =	smov.u32 @p0 s2;
	s2 =	spop (v2sf);
	(v2sf) =	vpush v35, $0xC  }
0x58: {  	s16 =	smov.u32 @p1 s3;
	s3 =	spop (v2sf);
	p2 =	sgt.f32 s2, s15;
	(v2sf) =	vpush v33, $0xC  }
0x59: {  	s0 =	simm.s32 @p0 $0x7;
	p0 =	slt.f32 s3, s16  }
0x5a: {  	s1 =	simm.s32 @p1 $0x7;
	s15 =	smov.u32 @p2 s2;
	s2 =	spop (v2sf);
	(v2sf) =	vpush v35, $0xD  }
0x5b: {  	s16 =	smov.u32 @p0 s3;
	s3 =	spop (v2sf);
	p1 =	sgt.f32 s2, s15;
	(v2sf) =	vpush v33, $0xD  }
0x5c: {  	s0 =	simm.s32 @p2 $0x8;
	p2 =	slt.f32 s3, s16  }
0x5d: {  	s1 =	simm.s32 @p0 $0x8;
	s15 =	smov.u32 @p1 s2;
	s2 =	spop (v2sf);
	(v2sf) =	vpush v35, $0xE  }
0x5e: {  	s16 =	smov.u32 @p2 s3;
	s3 =	spop (v2sf);
	p0 =	sgt.f32 s2, s15;
	(v2sf) =	vpush v33, $0xE  }
0x5f: {  	s0 =	simm.s32 @p1 $0x9;
	p1 =	slt.f32 s3, s16  }
0x60: {  	s15 =	smov.u32 @p0 s2;
	s2 =	spop (v2sf);
	(v2sf) =	vpush v35, $0xF  }
0x61: {  	s16 =	smov.u32 @p1 s3;
	s3 =	spop (v2sf);
	(v2sf) =	vpush v33, $0xF;
	_ =	sdelay $0x2  }
0x62: {  	s1 =	simm.s32 @p2 $0x9;
	p2 =	sgt.f32 s2, s15  }
0x63: {  	s0 =	simm.s32 @p0 $0xA;
	p0 =	slt.f32 s3, s16  }
0x64: {  	s1 =	simm.s32 @p1 $0xA;
	s15 =	smov.u32 @p2 s2;
	s2 =	spop (v2sf)  }
0x65: {  	s16 =	smov.u32 @p0 s3;
	s3 =	spop (v2sf);
	p1 =	sgt.f32 s2, s15  }
0x66: {  	s0 =	simm.s32 @p2 $0xB;
	p2 =	slt.f32 s3, s16  }
0x67: {  	s1 =	simm.s32 @p0 $0xB;
	s15 =	smov.u32 @p1 s2;
	s2 =	spop (v2sf)  }
0x68: {  	s16 =	smov.u32 @p2 s3;
	s3 =	spop (v2sf);
	p0 =	sgt.f32 s2, s15  }
0x69: {  	s0 =	simm.s32 @p1 $0xC;
	p1 =	slt.f32 s3, s16  }
0x6a: {  	s1 =	simm.s32 @p2 $0xC;
	s15 =	smov.u32 @p0 s2;
	s2 =	spop (v2sf)  }
0x6b: {  	s16 =	smov.u32 @p1 s3;
	s3 =	spop (v2sf);
	p2 =	sgt.f32 s2, s15  }
0x6c: {  	s0 =	simm.s32 @p0 $0xD;
	p0 =	slt.f32 s3, s16  }
0x6d: {  	s1 =	simm.s32 @p1 $0xD;
	s15 =	smov.u32 @p2 s2;
	s5 =	spop (v2sf)  }
0x6e: {  	s16 =	smov.u32 @p0 s3;
	s4 =	spop (v2sf);
	p1 =	sgt.f32 s5, s15  }
0x6f: {  	s0 =	simm.s32 @p2 $0xE;
	p2 =	slt.f32 s4, s16  }
0x70: {  	v30 =	vmin.f32 v7, v30;
	v7 =	vlaneseq.u32;
	s1 =	simm.s32 @p0 $0xE;
	s0 =	simm.s32 @p1 $0xF  }
0x71: {  	v36 =	vmax.f32 v34, v32;
	v37 =	vmin.f32 v31, v32;
	s1 =	simm.s32 @p2 $0xF;
	v48 =	vmov s0  }
0x72: {  	v49 =	vmax.f32 v29, v37;
	vm0 =	veq.s32 v48, v7;
	v50 =	vmov s1  }
0x73: {  	v51 =	vmin.f32 v30, v36;
	vm1 =	veq.s32 v50, v7;
	v52 =	vsel vm0, v49, v35  }
0x74: {  	v53 =	vsel vm1, v51, v33;
	(v2sf) =	vpush v52, $0x0  }
0x75: {  	(v2sf) =	vpush v53, $0x0;
	_ =	sdelay $0x1  }
0x76: {  	(v2sf) =	vpush v52, $0x1  }
0x77: {  	(v2sf) =	vpush v53, $0x1  }
0x78: {  	(v2sf) =	vpush v52, $0x2  }
0x79: {  	(v2sf) =	vpush v53, $0x2;
	_ =	sdelay $0x2  }
0x7a: {  	(v2sf) =	vpush v52, $0x3  }
0x7b: {  	(v2sf) =	vpush v53, $0x3;
	_ =	sdelay $0x2  }
0x7c: {  	s2 =	simm.s32 @!p1 $0x0  }
0x7d: {  	s2 =	simm.s32 @p1 $0x1  }
0x7e: {  	[smem:$0x7ED] =	sst s2;
	(v2sf) =	vpush v52, $0x4;
	s8 =	spop (v2sf)  }
0x7f: {  	s2 =	simm.s32 @!p2 $0x0;
	(v2sf) =	vpush v53, $0x4;
	s6 =	spop (v2sf);
	p0 =	sgt.f32 s8, $-Inf  }
0x80: {  	s2 =	simm.s32 @p2 $0x1;
	p1 =	slt.f32 s6, $+Inf  }
0x81: {  	[smem:$0x7EE] =	sst s2;
	(v2sf) =	vpush v52, $0x5;
	s0 =	spop (v2sf);
	s8 =	simm.s32 @!p0 $0xFF800000  }
0x82: {  	(v2sf) =	vpush v53, $0x5;
	s1 =	spop (v2sf);
	s6 =	simm.s32 @!p1 $0x7F800000;
	p0 =	sgt.f32 s0, s8  }
0x83: {  	s2 =	spop (v2sf);
	p1 =	slt.f32 s1, s6  }
0x84: {  	(v2sf) =	vpush v52, $0x6;
	s3 =	spop (v2sf);
	s8 =	smov.u32 @p0 s0  }
0x85: {  	(v2sf) =	vpush v53, $0x6;
	s0 =	simm.s32 $0x1;
	s6 =	smov.u32 @p1 s1;
	p2 =	sgt.f32 s2, s8  }
0x86: {  	s0 =	simm.s32 @!p0 $0x0;
	p0 =	slt.f32 s3, s6  }
0x87: {  	s8 =	smov.u32 @p2 s2;
	s2 =	spop (v2sf);
	(v2sf) =	vpush v52, $0x7  }
0x88: {  	s6 =	smov.u32 @p0 s3;
	s3 =	spop (v2sf);
	(v2sf) =	vpush v53, $0x7;
	_ =	sdelay $0x1  }
0x89: {  	s1 =	simm.s32 $0x1  }
0x8a: {  	s1 =	simm.s32 @!p1 $0x0;
	p1 =	sgt.f32 s2, s8  }
0x8b: {  	s0 =	simm.s32 @p2 $0x2;
	p2 =	slt.f32 s3, s6  }
0x8c: {  	s1 =	simm.s32 @p0 $0x2;
	s8 =	smov.u32 @p1 s2;
	s2 =	spop (v2sf);
	(v2sf) =	vpush v52, $0x8  }
0x8d: {  	s6 =	smov.u32 @p2 s3;
	s3 =	spop (v2sf);
	p0 =	sgt.f32 s2, s8;
	(v2sf) =	vpush v53, $0x8  }
0x8e: {  	s0 =	simm.s32 @p1 $0x3;
	p1 =	slt.f32 s3, s6  }
0x8f: {  	s1 =	simm.s32 @p2 $0x3;
	s8 =	smov.u32 @p0 s2;
	s2 =	spop (v2sf);
	(v2sf) =	vpush v52, $0x9  }
0x90: {  	s6 =	smov.u32 @p1 s3;
	s3 =	spop (v2sf);
	p2 =	sgt.f32 s2, s8;
	(v2sf) =	vpush v53, $0x9  }
0x91: {  	s0 =	simm.s32 @p0 $0x4;
	p0 =	slt.f32 s3, s6  }
0x92: {  	s1 =	simm.s32 @p1 $0x4;
	s8 =	smov.u32 @p2 s2;
	s2 =	spop (v2sf);
	(v2sf) =	vpush v52, $0xA  }
0x93: {  	s6 =	smov.u32 @p0 s3;
	s3 =	spop (v2sf);
	p1 =	sgt.f32 s2, s8;
	(v2sf) =	vpush v53, $0xA  }
0x94: {  	s0 =	simm.s32 @p2 $0x5;
	p2 =	slt.f32 s3, s6  }
0x95: {  	s8 =	smov.u32 @p1 s2;
	s2 =	spop (v2sf);
	(v2sf) =	vpush v52, $0xB  }
0x96: {  	s6 =	smov.u32 @p2 s3;
	s3 =	spop (v2sf);
	(v2sf) =	vpush v53, $0xB;
	_ =	sdelay $0x2  }
0x97: {  	s1 =	simm.s32 @p0 $0x5;
	p0 =	sgt.f32 s2, s8  }
0x98: {  	s0 =	simm.s32 @p1 $0x6;
	p1 =	slt.f32 s3, s6  }
0x99: {  	s1 =	simm.s32 @p2 $0x6;
	s8 =	smov.u32 @p0 s2;
	s2 =	spop (v2sf);
	(v2sf) =	vpush v52, $0xC  }
0x9a: {  	s6 =	smov.u32 @p1 s3;
	s3 =	spop (v2sf);
	p2 =	sgt.f32 s2, s8;
	(v2sf) =	vpush v53, $0xC  }
0x9b: {  	s0 =	simm.s32 @p0 $0x7;
	p0 =	slt.f32 s3, s6  }
0x9c: {  	s1 =	simm.s32 @p1 $0x7;
	s8 =	smov.u32 @p2 s2;
	s2 =	spop (v2sf);
	(v2sf) =	vpush v52, $0xD  }
0x9d: {  	s6 =	smov.u32 @p0 s3;
	s3 =	spop (v2sf);
	p1 =	sgt.f32 s2, s8;
	(v2sf) =	vpush v53, $0xD  }
0x9e: {  	s0 =	simm.s32 @p2 $0x8;
	p2 =	slt.f32 s3, s6  }
0x9f: {  	s1 =	simm.s32 @p0 $0x8;
	s8 =	smov.u32 @p1 s2;
	s2 =	spop (v2sf);
	(v2sf) =	vpush v52, $0xE  }
0xa0: {  	s6 =	smov.u32 @p2 s3;
	s3 =	spop (v2sf);
	p0 =	sgt.f32 s2, s8;
	(v2sf) =	vpush v53, $0xE  }
0xa1: {  	s0 =	simm.s32 @p1 $0x9;
	p1 =	slt.f32 s3, s6  }
0xa2: {  	s8 =	smov.u32 @p0 s2;
	s2 =	spop (v2sf);
	(v2sf) =	vpush v52, $0xF  }
0xa3: {  	s6 =	smov.u32 @p1 s3;
	s3 =	spop (v2sf);
	(v2sf) =	vpush v53, $0xF;
	_ =	sdelay $0x2  }
0xa4: {  	s1 =	simm.s32 @p2 $0x9;
	p2 =	sgt.f32 s2, s8  }
0xa5: {  	s0 =	simm.s32 @p0 $0xA;
	p0 =	slt.f32 s3, s6  }
0xa6: {  	s1 =	simm.s32 @p1 $0xA;
	s8 =	smov.u32 @p2 s2;
	s2 =	spop (v2sf)  }
0xa7: {  	s6 =	smov.u32 @p0 s3;
	s3 =	spop (v2sf);
	p1 =	sgt.f32 s2, s8  }
0xa8: {  	s0 =	simm.s32 @p2 $0xB;
	p2 =	slt.f32 s3, s6  }
0xa9: {  	s1 =	simm.s32 @p0 $0xB;
	s8 =	smov.u32 @p1 s2;
	s2 =	spop (v2sf)  }
0xaa: {  	s6 =	smov.u32 @p2 s3;
	s3 =	spop (v2sf);
	p0 =	sgt.f32 s2, s8  }
0xab: {  	s0 =	simm.s32 @p1 $0xC;
	p1 =	slt.f32 s3, s6  }
0xac: {  	s1 =	simm.s32 @p2 $0xC;
	s8 =	smov.u32 @p0 s2;
	s2 =	spop (v2sf)  }
0xad: {  	s6 =	smov.u32 @p1 s3;
	s3 =	spop (v2sf);
	p2 =	sgt.f32 s2, s8  }
0xae: {  	s0 =	simm.s32 @p0 $0xD;
	p0 =	slt.f32 s3, s6  }
0xaf: {  	s1 =	simm.s32 @p1 $0xD;
	s8 =	smov.u32 @p2 s2;
	s20 =	spop (v2sf)  }
0xb0: {  	s6 =	smov.u32 @p0 s3;
	s21 =	spop (v2sf);
	p1 =	sgt.f32 s20, s8  }
0xb1: {  	s0 =	simm.s32 @p2 $0xE;
	p2 =	slt.f32 s21, s6  }
0xb2: {  	v54 =	vmin.f32 v25, v26;
	v30 =	vmax.f32 v30, v36;
	v55 =	vmin.f32 v28, v37;
	s1 =	simm.s32 @p0 $0xE;
	s0 =	simm.s32 @p1 $0xF  }
0xb3: {  	v56 =	vmax.f32 v27, v55;
	v25 =	vmin.f32 v54, v30;
	s1 =	simm.s32 @p2 $0xF;
	v57 =	vmov s0  }
0xb4: {  	v58 =	vsel vm0, v56, v49;
	vm2 =	veq.s32 v57, v7;
	v59 =	vmov s1  }
0xb5: {  	v60 =	vsel vm1, v25, v51;
	vm3 =	veq.s32 v59, v7;
	v35 =	vsel vm2, v58, v52  }
0xb6: {  	v61 =	vsel vm3, v60, v53;
	(v2sf) =	vpush v35, $0x0  }
0xb7: {  	(v2sf) =	vpush v61, $0x0;
	_ =	sdelay $0x1  }
0xb8: {  	(v2sf) =	vpush v35, $0x1  }
0xb9: {  	(v2sf) =	vpush v61, $0x1;
	_ =	sdelay $0x1  }
0xba: {  	(v2sf) =	vpush v35, $0x2  }
0xbb: {  	(v2sf) =	vpush v61, $0x2  }
0xbc: {  	(v2sf) =	vpush v35, $0x3  }
0xbd: {  	(v2sf) =	vpush v61, $0x3  }
0xbe: {  	(v2sf) =	vpush v35, $0x4;
	_ =	sdelay $0x4  }
0xbf: {  	(v2sf) =	vpush v61, $0x4;
	s10 =	spop (v2sf)  }
0xc0: {  	s2 =	simm.s32 @!p2 $0x0;
	s9 =	spop (v2sf);
	(v2sf) =	vpush v35, $0x5  }
0xc1: {  	s3 =	simm.s32 @!p1 $0x0;
	s2 =	simm.s32 @p2 $0x1;
	p0 =	sgt.f32 s10, $-Inf  }
0xc2: {  	s3 =	simm.s32 @p1 $0x1;
	[smem:$0x7F0] =	sst s2;
	s0 =	spop (v2sf);
	(v2sf) =	vpush v61, $0x5  }
0xc3: {  	p1 =	slt.f32 s9, $+Inf;
	s2 =	spop (v2sf);
	s10 =	simm.s32 @!p0 $0xFF800000;
	(v2sf) =	vpush v35, $0x6  }
0xc4: {  	p0 =	sgt.f32 s0, s10  }
0xc5: {  	[smem:$0x7EF] =	sst s3;
	s3 =	spop (v2sf);
	s9 =	simm.s32 @!p1 $0x7F800000;
	(v2sf) =	vpush v61, $0x6  }
0xc6: {  	s7 =	spop (v2sf);
	p3 =	slt.f32 s2, s9;
	(v2sf) =	vpush v35, $0x7;
	s10 =	smov.u32 @p0 s0  }
0xc7: {  	s11 =	spop (v2sf);
	p1 =	sgt.f32 s3, s10  }
0xc8: {  	(v2sf) =	vpush v61, $0x7;
	s12 =	spop (v2sf);
	s9 =	smov.u32 @p3 s2  }
0xc9: {  	s13 =	spop (v2sf);
	p4 =	slt.f32 s7, s9;
	(v2sf) =	vpush v35, $0x8;
	s10 =	smov.u32 @p1 s3  }
0xca: {  	p2 =	sgt.f32 s11, s10  }
0xcb: {  	s1 =	simm.s32 $0x1;
	s0 =	simm.s32 $0x1;
	s9 =	smov.u32 @p4 s7  }
0xcc: {  	s0 =	simm.s32 @!p3 $0x0;
	p3 =	slt.f32 s12, s9;
	s10 =	smov.u32 @p2 s11  }
0xcd: {  	s1 =	simm.s32 @!p0 $0x0;
	p0 =	sgt.f32 s13, s10  }
0xce: {  	s14 =	spop (v2sf);
	(v2sf) =	vpush v61, $0x8;
	s0 =	simm.s32 @p4 $0x2;
	s9 =	smov.u32 @p3 s12  }
0xcf: {  	(v2sf) =	vpush v35, $0x9;
	p4 =	slt.f32 s14, s9;
	s10 =	smov.u32 @p0 s13;
	s2 =	spop (v2sf)  }
0xd0: {  	s1 =	simm.s32 @p1 $0x2;
	p1 =	sgt.f32 s2, s10  }
0xd1: {  	s1 =	simm.s32 @p2 $0x3;
	s9 =	smov.u32 @p4 s14;
	(v2sf) =	vpush v61, $0x9;
	s3 =	spop (v2sf)  }
0xd2: {  	(v2sf) =	vpush v35, $0xA;
	p2 =	slt.f32 s3, s9;
	s10 =	smov.u32 @p1 s2;
	s2 =	spop (v2sf)  }
0xd3: {  	s1 =	simm.s32 @p0 $0x4;
	p0 =	sgt.f32 s2, s10  }
0xd4: {  	s0 =	simm.s32 @p3 $0x3;
	(v2sf) =	vpush v61, $0xA;
	s9 =	smov.u32 @p2 s3;
	s3 =	spop (v2sf)  }
0xd5: {  	(v2sf) =	vpush v35, $0xB;
	p3 =	slt.f32 s3, s9;
	s10 =	smov.u32 @p0 s2;
	s2 =	spop (v2sf)  }
0xd6: {  	s1 =	simm.s32 @p1 $0x5;
	p1 =	sgt.f32 s2, s10  }
0xd7: {  	s9 =	smov.u32 @p3 s3;
	s3 =	spop (v2sf);
	(v2sf) =	vpush v61, $0xB  }
0xd8: {  	s10 =	smov.u32 @p1 s2;
	s2 =	spop (v2sf);
	(v2sf) =	vpush v35, $0xC;
	_ =	sdelay $0x1  }
0xd9: {  	s0 =	simm.s32 @p4 $0x4  }
0xda: {  	s0 =	simm.s32 @p2 $0x5;
	p2 =	slt.f32 s3, s9  }
0xdb: {  	s1 =	simm.s32 @p0 $0x6;
	p0 =	sgt.f32 s2, s10  }
0xdc: {  	s0 =	simm.s32 @p3 $0x6;
	s9 =	smov.u32 @p2 s3;
	s3 =	spop (v2sf)  }
0xdd: {  	(v2sf) =	vpush v61, $0xC;
	p3 =	slt.f32 s3, s9;
	s10 =	smov.u32 @p0 s2;
	s2 =	spop (v2sf)  }
0xde: {  	s1 =	simm.s32 @p1 $0x7;
	(v2sf) =	vpush v35, $0xD;
	p1 =	sgt.f32 s2, s10  }
0xdf: {  	s0 =	simm.s32 @p2 $0x7;
	s9 =	smov.u32 @p3 s3;
	s3 =	spop (v2sf)  }
0xe0: {  	s10 =	smov.u32 @p1 s2;
	(v2sf) =	vpush v61, $0xD;
	s2 =	spop (v2sf);
	p2 =	slt.f32 s3, s9  }
0xe1: {  	s1 =	simm.s32 @p0 $0x8;
	(v2sf) =	vpush v35, $0xE;
	p0 =	sgt.f32 s2, s10  }
0xe2: {  	s0 =	simm.s32 @p3 $0x8;
	s9 =	smov.u32 @p2 s3;
	s3 =	spop (v2sf)  }
0xe3: {  	(v2sf) =	vpush v61, $0xE;
	s10 =	smov.u32 @p0 s2;
	s2 =	spop (v2sf);
	p3 =	slt.f32 s3, s9  }
0xe4: {  	s1 =	simm.s32 @p1 $0x9;
	(v2sf) =	vpush v35, $0xF;
	p1 =	sgt.f32 s2, s10  }
0xe5: {  	s9 =	smov.u32 @p3 s3;
	s3 =	spop (v2sf)  }
0xe6: {  	s10 =	smov.u32 @p1 s2;
	s2 =	spop (v2sf);
	(v2sf) =	vpush v61, $0xF;
	_ =	sdelay $0x3  }
0xe7: {  	p4 =	slt.f32 s3, s9  }
0xe8: {  	s0 =	simm.s32 @p2 $0x9;
	p2 =	sgt.f32 s2, s10  }
0xe9: {  	s9 =	smov.u32 @p4 s3;
	s3 =	spop (v2sf)  }
0xea: {  	p5 =	slt.f32 s3, s9;
	s10 =	smov.u32 @p2 s2;
	s2 =	spop (v2sf)  }
0xeb: {  	s1 =	simm.s32 @p0 $0xA;
	s0 =	simm.s32 @p3 $0xA;
	p3 =	sgt.f32 s2, s10  }
0xec: {  	s1 =	simm.s32 @p1 $0xB;
	s9 =	smov.u32 @p5 s3;
	s3 =	spop (v2sf)  }
0xed: {  	s10 =	smov.u32 @p3 s2;
	s2 =	spop (v2sf);
	p0 =	slt.f32 s3, s9  }
0xee: {  	s1 =	simm.s32 @p2 $0xC;
	p2 =	sgt.f32 s2, s10  }
0xef: {  	s0 =	simm.s32 @p4 $0xB;
	s9 =	smov.u32 @p0 s3;
	s3 =	spop (v2sf)  }
0xf0: {  	s10 =	smov.u32 @p2 s2;
	s22 =	spop (v2sf);
	p1 =	slt.f32 s3, s9  }
0xf1: {  	s0 =	simm.s32 @p5 $0xC;
	s1 =	simm.s32 @p3 $0xD;
	p3 =	sgt.f32 s22, s10  }
0xf2: {  	v62 =	vmin.f32 v24, v55;
	s1 =	simm.s32 @p2 $0xE;
	s9 =	smov.u32 @p1 s3;
	s23 =	spop (v2sf)  }
0xf3: {  	v21 =	vmin.f32 v21, v22;
	v26 =	vmax.f32 v23, v62;
	s0 =	simm.s32 @p0 $0xD;
	s1 =	simm.s32 @p3 $0xF;
	p0 =	slt.f32 s23, s9  }
0xf4: {  	v63 =	vmax.f32 v54, v30;
	v23 =	vsel vm0, v26, v56;
	s0 =	simm.s32 @p1 $0xE;
	v36 =	vmov s1  }
0xf5: {  	v38 =	vmin.f32 v21, v63;
	v37 =	vsel vm2, v23, v58;
	vm4 =	veq.s32 v36, v7;
	s0 =	simm.s32 @p0 $0xF  }
0xf6: {  	v39 =	vsel vm1, v38, v25;
	v28 =	vsel vm4, v37, v35;
	v40 =	vmov s0  }
0xf7: {  	v27 =	vsel vm3, v39, v60;
	(v2sf) =	vpush v28, $0x0;
	vm5 =	veq.s32 v40, v7  }
0xf8: {  	v29 =	vsel vm5, v27, v61  }
0xf9: {  	(v2sf) =	vpush v29, $0x0  }
0xfa: {  	(v2sf) =	vpush v28, $0x1;
	_ =	sdelay $0x1  }
0xfb: {  	(v2sf) =	vpush v29, $0x1  }
0xfc: {  	(v2sf) =	vpush v28, $0x2  }
0xfd: {  	(v2sf) =	vpush v29, $0x2  }
0xfe: {  	(v2sf) =	vpush v28, $0x3;
	_ =	sdelay $0x3  }
0xff: {  	(v2sf) =	vpush v29, $0x3  }
0x100: {  	s2 =	simm.s32 @!p3 $0x0;
	(v2sf) =	vpush v28, $0x4  }
0x101: {  	s2 =	simm.s32 @p3 $0x1  }
0x102: {  	[smem:$0x7F1] =	sst s2;
	s2 =	simm.s32 @!p0 $0x0;
	s13 =	spop (v2sf)  }
0x103: {  	s2 =	simm.s32 @p0 $0x1;
	(v2sf) =	vpush v29, $0x4;
	p0 =	sgt.f32 s13, $-Inf  }
0x104: {  	s14 =	spop (v2sf);
	(v2sf) =	vpush v28, $0x5  }
0x105: {  	s13 =	simm.s32 @!p0 $0xFF800000;
	s0 =	spop (v2sf)  }
0x106: {  	p0 =	slt.f32 s14, $+Inf;
	(v2sf) =	vpush v29, $0x5;
	p1 =	sgt.f32 s0, s13  }
0x107: {  	[smem:$0x7F2] =	sst s2;
	s1 =	spop (v2sf);
	(v2sf) =	vpush v28, $0x6  }
0x108: {  	s14 =	simm.s32 @!p0 $0x7F800000;
	s13 =	smov.u32 @p1 s0;
	s0 =	spop (v2sf)  }
0x109: {  	p3 =	slt.f32 s1, s14;
	s2 =	spop (v2sf);
	(v2sf) =	vpush v29, $0x6  }
0x10a: {  	p0 =	sgt.f32 s0, s13;
	s3 =	spop (v2sf);
	(v2sf) =	vpush v28, $0x7  }
0x10b: {  	s14 =	smov.u32 @p3 s1  }
0x10c: {  	s1 =	simm.s32 $0x1;
	s13 =	smov.u32 @p0 s0;
	p2 =	slt.f32 s2, s14  }
0x10d: {  	s1 =	simm.s32 @!p1 $0x0;
	p1 =	sgt.f32 s3, s13  }
0x10e: {  	s14 =	smov.u32 @p2 s2;
	s2 =	spop (v2sf);
	(v2sf) =	vpush v29, $0x7  }
0x10f: {  	s0 =	simm.s32 $0x1;
	s13 =	smov.u32 @p1 s3;
	s3 =	spop (v2sf);
	(v2sf) =	vpush v28, $0x8  }
0x110: {  	s0 =	simm.s32 @!p3 $0x0;
	p3 =	slt.f32 s2, s14  }
0x111: {  	s1 =	simm.s32 @p0 $0x2;
	p0 =	sgt.f32 s3, s13  }
0x112: {  	s0 =	simm.s32 @p2 $0x2;
	s14 =	smov.u32 @p3 s2;
	s2 =	spop (v2sf);
	(v2sf) =	vpush v29, $0x8  }
0x113: {  	s13 =	smov.u32 @p0 s3;
	p2 =	slt.f32 s2, s14;
	s3 =	spop (v2sf);
	(v2sf) =	vpush v28, $0x9  }
0x114: {  	s1 =	simm.s32 @p1 $0x3;
	p1 =	sgt.f32 s3, s13  }
0x115: {  	s0 =	simm.s32 @p3 $0x3;
	s14 =	smov.u32 @p2 s2;
	s2 =	spop (v2sf);
	(v2sf) =	vpush v29, $0x9  }
0x116: {  	p3 =	slt.f32 s2, s14;
	s13 =	smov.u32 @p1 s3;
	s3 =	spop (v2sf);
	(v2sf) =	vpush v28, $0xA  }
0x117: {  	s1 =	simm.s32 @p0 $0x4;
	p0 =	sgt.f32 s3, s13  }
0x118: {  	s14 =	smov.u32 @p3 s2;
	s2 =	spop (v2sf);
	(v2sf) =	vpush v29, $0xA  }
0x119: {  	s13 =	smov.u32 @p0 s3;
	s3 =	spop (v2sf);
	(v2sf) =	vpush v28, $0xB;
	_ =	sdelay $0x1  }
0x11a: {  	s0 =	simm.s32 @p2 $0x4;
	p2 =	slt.f32 s2, s14  }
0x11b: {  	s1 =	simm.s32 @p1 $0x5;
	p1 =	sgt.f32 s3, s13  }
0x11c: {  	s14 =	smov.u32 @p2 s2;
	s2 =	spop (v2sf);
	(v2sf) =	vpush v29, $0xB  }
0x11d: {  	s13 =	smov.u32 @p1 s3;
	s3 =	spop (v2sf);
	(v2sf) =	vpush v28, $0xC  }
0x11e: {  	s0 =	simm.s32 @p3 $0x5;
	p3 =	slt.f32 s2, s14  }
0x11f: {  	s1 =	simm.s32 @p0 $0x6;
	p0 =	sgt.f32 s3, s13  }
0x120: {  	s0 =	simm.s32 @p2 $0x6;
	s14 =	smov.u32 @p3 s2;
	s2 =	spop (v2sf);
	(v2sf) =	vpush v29, $0xC  }
0x121: {  	s13 =	smov.u32 @p0 s3;
	p2 =	slt.f32 s2, s14;
	s3 =	spop (v2sf);
	(v2sf) =	vpush v28, $0xD  }
0x122: {  	s1 =	simm.s32 @p1 $0x7;
	p1 =	sgt.f32 s3, s13  }
0x123: {  	s0 =	simm.s32 @p3 $0x7;
	s14 =	smov.u32 @p2 s2;
	s2 =	spop (v2sf);
	(v2sf) =	vpush v29, $0xD  }
0x124: {  	p3 =	slt.f32 s2, s14;
	s13 =	smov.u32 @p1 s3;
	s3 =	spop (v2sf);
	(v2sf) =	vpush v28, $0xE  }
0x125: {  	s1 =	simm.s32 @p0 $0x8;
	p0 =	sgt.f32 s3, s13  }
0x126: {  	s14 =	smov.u32 @p3 s2;
	s2 =	spop (v2sf);
	(v2sf) =	vpush v29, $0xE  }
0x127: {  	s13 =	smov.u32 @p0 s3;
	s3 =	spop (v2sf);
	(v2sf) =	vpush v28, $0xF;
	_ =	sdelay $0x1  }
0x128: {  	p4 =	slt.f32 s2, s14  }
0x129: {  	s1 =	simm.s32 @p1 $0x9;
	p1 =	sgt.f32 s3, s13  }
0x12a: {  	s14 =	smov.u32 @p4 s2;
	s2 =	spop (v2sf)  }
0x12b: {  	s13 =	smov.u32 @p1 s3;
	s3 =	spop (v2sf);
	(v2sf) =	vpush v29, $0xF  }
0x12c: {  	s0 =	simm.s32 @p2 $0x8;
	p5 =	slt.f32 s2, s14  }
0x12d: {  	s0 =	simm.s32 @p3 $0x9;
	p2 =	sgt.f32 s3, s13  }
0x12e: {  	s0 =	simm.s32 @p4 $0xA;
	s14 =	smov.u32 @p5 s2;
	s2 =	spop (v2sf)  }
0x12f: {  	s13 =	smov.u32 @p2 s3;
	p4 =	slt.f32 s2, s14;
	s3 =	spop (v2sf)  }
0x130: {  	s1 =	simm.s32 @p0 $0xA;
	p3 =	sgt.f32 s3, s13  }
0x131: {  	s1 =	simm.s32 @p1 $0xB;
	s14 =	smov.u32 @p4 s2;
	s2 =	spop (v2sf)  }
0x132: {  	p0 =	slt.f32 s2, s14;
	s13 =	smov.u32 @p3 s3;
	s3 =	spop (v2sf)  }
0x133: {  	s1 =	simm.s32 @p2 $0xC;
	p2 =	sgt.f32 s3, s13  }
0x134: {  	s14 =	smov.u32 @p0 s2;
	s2 =	spop (v2sf)  }
0x135: {  	s13 =	smov.u32 @p2 s3;
	s24 =	spop (v2sf)  }
0x136: {  	v41 =	vmax.f32 v14, v17;
	v20 =	vmin.f32 v20, v62;
	s1 =	simm.s32 @p3 $0xD;
	p3 =	sgt.f32 s24, s13  }
0x137: {  	v42 =	vmax.f32 v41, v20;
	s1 =	simm.s32 @p2 $0xE  }
0x138: {  	v43 =	vsel vm0, v42, v26;
	p1 =	slt.f32 s2, s14;
	s1 =	simm.s32 @p3 $0xF  }
0x139: {  	v23 =	vsel vm2, v43, v23;
	s0 =	simm.s32 @p5 $0xB;
	v45 =	vmov s1  }
0x13a: {  	v47 =	vsel vm4, v23, v37;
	s0 =	simm.s32 @p4 $0xC;
	s14 =	smov.u32 @p1 s2;
	s25 =	spop (v2sf);
	vm6 =	veq.s32 v45, v7  }
0x13b: {  	v44 =	vmin.f32 v18, v19;
	v32 =	vmax.f32 v21, v63;
	s0 =	simm.s32 @p0 $0xD;
	p0 =	slt.f32 s25, s14;
	v28 =	vsel vm6, v47, v28  }
0x13c: {  	v46 =	vmin.f32 v44, v32;
	s0 =	simm.s32 @p1 $0xE;
	(v2sf) =	vpush v28, $0x0  }
0x13d: {  	v48 =	vsel vm1, v46, v38;
	s0 =	simm.s32 @p0 $0xF  }
0x13e: {  	v24 =	vsel vm3, v48, v39;
	v49 =	vmov s0  }
0x13f: {  	v27 =	vsel vm5, v24, v27;
	vm7 =	veq.s32 v49, v7  }
0x140: {  	v29 =	vsel vm7, v27, v29  }
0x141: {  	(v2sf) =	vpush v29, $0x0  }
0x142: {  	(v2sf) =	vpush v28, $0x1;
	_ =	sdelay $0x1  }
0x143: {  	(v2sf) =	vpush v29, $0x1  }
0x144: {  	(v2sf) =	vpush v28, $0x2;
	_ =	sdelay $0x1  }
0x145: {  	(v2sf) =	vpush v29, $0x2  }
0x146: {  	(v2sf) =	vpush v28, $0x3;
	_ =	sdelay $0x1  }
0x147: {  	(v2sf) =	vpush v29, $0x3  }
0x148: {  	s17 =	spop (v2sf);
	(v2sf) =	vpush v28, $0x4;
	_ =	sdelay $0x2  }
0x149: {  	s1 =	simm.s32 @!p0 $0x0  }
0x14a: {  	s1 =	simm.s32 @p0 $0x1;
	p0 =	sgt.f32 s17, $-Inf  }
0x14b: {  	s3 =	simm.s32 @!p3 $0x0;
	s18 =	spop (v2sf);
	(v2sf) =	vpush v29, $0x4  }
0x14c: {  	s17 =	simm.s32 @!p0 $0xFF800000;
	s0 =	spop (v2sf);
	p0 =	slt.f32 s18, $+Inf;
	(v2sf) =	vpush v28, $0x5  }
0x14d: {  	s3 =	simm.s32 @p3 $0x1;
	p1 =	sgt.f32 s0, s17  }
0x14e: {  	[smem:$0x7F5] =	sst s1;
	s1 =	spop (v2sf);
	(v2sf) =	vpush v29, $0x5;
	s18 =	simm.s32 @!p0 $0x7F800000  }
0x14f: {  	s17 =	smov.u32 @p1 s0;
	s0 =	spop (v2sf);
	p3 =	slt.f32 s1, s18;
	(v2sf) =	vpush v28, $0x6  }
0x150: {  	[smem:$0x7F4] =	sst s3;
	p0 =	sgt.f32 s0, s17  }
0x151: {  	s2 =	spop (v2sf);
	(v2sf) =	vpush v29, $0x6;
	s18 =	smov.u32 @p3 s1;
	s1 =	simm.s32 $0x1  }
0x152: {  	s3 =	spop (v2sf);
	(v2sf) =	vpush v28, $0x7;
	s17 =	smov.u32 @p0 s0;
	p2 =	slt.f32 s2, s18  }
0x153: {  	s1 =	simm.s32 @!p1 $0x0;
	p1 =	sgt.f32 s3, s17  }
0x154: {  	s18 =	smov.u32 @p2 s2;
	s2 =	spop (v2sf);
	(v2sf) =	vpush v29, $0x7  }
0x155: {  	s17 =	smov.u32 @p1 s3;
	s3 =	spop (v2sf);
	(v2sf) =	vpush v28, $0x8;
	_ =	sdelay $0x1  }
0x156: {  	s0 =	simm.s32 $0x1  }
0x157: {  	s0 =	simm.s32 @!p3 $0x0;
	p3 =	slt.f32 s2, s18  }
0x158: {  	s1 =	simm.s32 @p0 $0x2;
	p0 =	sgt.f32 s3, s17  }
0x159: {  	s0 =	simm.s32 @p2 $0x2;
	s18 =	smov.u32 @p3 s2;
	s2 =	spop (v2sf);
	(v2sf) =	vpush v29, $0x8  }
0x15a: {  	s17 =	smov.u32 @p0 s3;
	s3 =	spop (v2sf);
	p2 =	slt.f32 s2, s18;
	(v2sf) =	vpush v28, $0x9  }
0x15b: {  	s1 =	simm.s32 @p1 $0x3;
	p1 =	sgt.f32 s3, s17  }
0x15c: {  	s0 =	simm.s32 @p3 $0x3;
	s18 =	smov.u32 @p2 s2;
	s2 =	spop (v2sf);
	(v2sf) =	vpush v29, $0x9  }
0x15d: {  	s17 =	smov.u32 @p1 s3;
	s3 =	spop (v2sf);
	p3 =	slt.f32 s2, s18;
	(v2sf) =	vpush v28, $0xA  }
0x15e: {  	s1 =	simm.s32 @p0 $0x4;
	p0 =	sgt.f32 s3, s17  }
0x15f: {  	s0 =	simm.s32 @p2 $0x4;
	s18 =	smov.u32 @p3 s2;
	s2 =	spop (v2sf);
	(v2sf) =	vpush v29, $0xA  }
0x160: {  	s17 =	smov.u32 @p0 s3;
	s3 =	spop (v2sf);
	p2 =	slt.f32 s2, s18;
	(v2sf) =	vpush v28, $0xB  }
0x161: {  	s1 =	simm.s32 @p1 $0x5;
	p1 =	sgt.f32 s3, s17  }
0x162: {  	s18 =	smov.u32 @p2 s2;
	s2 =	spop (v2sf);
	(v2sf) =	vpush v29, $0xB  }
0x163: {  	s17 =	smov.u32 @p1 s3;
	s3 =	spop (v2sf);
	(v2sf) =	vpush v28, $0xC;
	_ =	sdelay $0x2  }
0x164: {  	s0 =	simm.s32 @p3 $0x5;
	p3 =	slt.f32 s2, s18  }
0x165: {  	s1 =	simm.s32 @p0 $0x6;
	p0 =	sgt.f32 s3, s17  }
0x166: {  	s0 =	simm.s32 @p2 $0x6;
	s18 =	smov.u32 @p3 s2;
	s2 =	spop (v2sf)  }
0x167: {  	s17 =	smov.u32 @p0 s3;
	(v2sf) =	vpush v29, $0xC;
	s3 =	spop (v2sf);
	p2 =	slt.f32 s2, s18  }
0x168: {  	s1 =	simm.s32 @p1 $0x7;
	(v2sf) =	vpush v28, $0xD;
	p1 =	sgt.f32 s3, s17  }
0x169: {  	s0 =	simm.s32 @p3 $0x7;
	s18 =	smov.u32 @p2 s2;
	s2 =	spop (v2sf)  }
0x16a: {  	(v2sf) =	vpush v29, $0xD;
	s17 =	smov.u32 @p1 s3;
	s3 =	spop (v2sf);
	p3 =	slt.f32 s2, s18  }
0x16b: {  	s1 =	simm.s32 @p0 $0x8;
	(v2sf) =	vpush v28, $0xE;
	p0 =	sgt.f32 s3, s17  }
0x16c: {  	s18 =	smov.u32 @p3 s2;
	s2 =	spop (v2sf)  }
0x16d: {  	(v2sf) =	vpush v29, $0xE;
	s17 =	smov.u32 @p0 s3;
	s3 =	spop (v2sf);
	p4 =	slt.f32 s2, s18  }
0x16e: {  	s1 =	simm.s32 @p1 $0x9;
	(v2sf) =	vpush v28, $0xF;
	p1 =	sgt.f32 s3, s17  }
0x16f: {  	s18 =	smov.u32 @p4 s2;
	s2 =	spop (v2sf)  }
0x170: {  	s17 =	smov.u32 @p1 s3;
	s3 =	spop (v2sf);
	(v2sf) =	vpush v29, $0xF;
	_ =	sdelay $0x2  }
0x171: {  	s0 =	simm.s32 @p2 $0x8  }
0x172: {  	s0 =	simm.s32 @p3 $0x9;
	p3 =	slt.f32 s2, s18  }
0x173: {  	s1 =	simm.s32 @p0 $0xA;
	p2 =	sgt.f32 s3, s17  }
0x174: {  	s0 =	simm.s32 @p4 $0xA;
	s18 =	smov.u32 @p3 s2;
	s2 =	spop (v2sf)  }
0x175: {  	s17 =	smov.u32 @p2 s3;
	s3 =	spop (v2sf);
	p4 =	slt.f32 s2, s18  }
0x176: {  	s1 =	simm.s32 @p1 $0xB;
	p1 =	sgt.f32 s3, s17  }
0x177: {  	s18 =	smov.u32 @p4 s2;
	s2 =	spop (v2sf)  }
0x178: {  	s17 =	smov.u32 @p1 s3;
	s3 =	spop (v2sf);
	p0 =	slt.f32 s2, s18  }
0x179: {  	s0 =	simm.s32 @p3 $0xB;
	p3 =	sgt.f32 s3, s17  }
0x17a: {  	v50 =	vmin.f32 v14, v17;
	s1 =	simm.s32 @p2 $0xC;
	s18 =	smov.u32 @p0 s2;
	s2 =	spop (v2sf)  }
0x17b: {  	v20 =	vmin.f32 v41, v20;
	v51 =	vmax.f32 v11, v50;
	s17 =	smov.u32 @p3 s3;
	s26 =	spop (v2sf);
	p2 =	slt.f32 s2, s18  }
0x17c: {  	v52 =	vmax.f32 v51, v20;
	s0 =	simm.s32 @p4 $0xC;
	s1 =	simm.s32 @p1 $0xD;
	p1 =	sgt.f32 s26, s17  }
0x17d: {  	v16 =	vmin.f32 v15, v16;
	v54 =	vmax.f32 v44, v32;
	v53 =	vsel vm0, v52, v42;
	s1 =	simm.s32 @p3 $0xE;
	s18 =	smov.u32 @p2 s2;
	s28 =	spop (v2sf)  }
0x17e: {  	v56 =	vmin.f32 v16, v54;
	v55 =	vsel vm2, v53, v43;
	s0 =	simm.s32 @p0 $0xD;
	s1 =	simm.s32 @p1 $0xF;
	p0 =	slt.f32 s28, s18  }
0x17f: {  	v59 =	vsel vm1, v56, v46;
	v57 =	vsel vm4, v55, v23;
	s0 =	simm.s32 @p2 $0xE;
	v58 =	vmov s1  }
0x180: {  	v61 =	vsel vm3, v59, v48;
	v60 =	vsel vm6, v57, v47;
	vm8 =	veq.s32 v58, v7;
	s0 =	simm.s32 @p0 $0xF  }
0x181: {  	v63 =	vsel vm5, v61, v24;
	v62 =	vsel vm8, v60, v28;
	v32 =	vmov s0  }
0x182: {  	v27 =	vsel vm7, v63, v27;
	(v2sf) =	vpush v62, $0x0;
	vm9 =	veq.s32 v32, v7  }
0x183: {  	v29 =	vsel vm9, v27, v29  }
0x184: {  	(v2sf) =	vpush v29, $0x0  }
0x185: {  	(v2sf) =	vpush v62, $0x1;
	_ =	sdelay $0x1  }
0x186: {  	(v2sf) =	vpush v29, $0x1  }
0x187: {  	(v2sf) =	vpush v62, $0x2;
	_ =	sdelay $0x1  }
0x188: {  	(v2sf) =	vpush v29, $0x2  }
0x189: {  	(v2sf) =	vpush v62, $0x3;
	_ =	sdelay $0x2  }
0x18a: {  	(v2sf) =	vpush v29, $0x3;
	_ =	sdelay $0x1  }
0x18b: {  	(v2sf) =	vpush v62, $0x4  }
0x18c: {  	[dreg:$0x5] =	wrdreg s22;
	s1 =	simm.s32 @!p0 $0x0;
	s22 =	spop (v2sf)  }
0x18d: {  	s1 =	simm.s32 @p0 $0x1;
	p0 =	sgt.f32 s22, $-Inf  }
0x18e: {  	[dreg:$0x3] =	wrdreg s21;
	s3 =	simm.s32 @!p1 $0x0;
	s21 =	spop (v2sf)  }
0x18f: {  	s22 =	simm.s32 @!p0 $0xFF800000;
	s0 =	spop (v2sf);
	p0 =	slt.f32 s21, $+Inf  }
0x190: {  	s3 =	simm.s32 @p1 $0x1;
	p1 =	sgt.f32 s0, s22  }
0x191: {  	[smem:$0x7F7] =	sst s1;
	(v2sf) =	vpush v29, $0x4;
	s1 =	spop (v2sf);
	s21 =	simm.s32 @!p0 $0x7F800000  }
0x192: {  	s22 =	smov.u32 @p1 s0;
	s0 =	spop (v2sf);
	p2 =	slt.f32 s1, s21  }
0x193: {  	[dreg:$0x4] =	wrdreg s20;
	(v2sf) =	vpush v62, $0x5;
	p0 =	sgt.f32 s0, s22  }
0x194: {  	[dreg:$0x6] =	wrdreg s23;
	s21 =	smov.u32 @p2 s1;
	s1 =	spop (v2sf)  }
0x195: {  	[dreg:$0x7] =	wrdreg s24;
	(v2sf) =	vpush v29, $0x5;
	s22 =	smov.u32 @p0 s0;
	s0 =	spop (v2sf)  }
0x196: {  	p4 =	slt.f32 s1, s21;
	p3 =	sgt.f32 s0, s22  }
0x197: {  	[dreg:$0x8] =	wrdreg s25;
	(v2sf) =	vpush v62, $0x6  }
0x198: {  	s21 =	smov.u32 @p4 s1;
	s1 =	spop (v2sf);
	s2 =	simm.s32 @!p3 $0x0  }
0x199: {  	s22 =	smov.u32 @p3 s0;
	s2 =	simm.s32 @p3 $0x1;
	p3 =	slt.f32 s1, s21  }
0x19a: {  	[dreg:$0x9] =	wrdreg s26;
	s0 =	spop (v2sf)  }
0x19b: {  	(v2sf) =	vpush v29, $0x6;
	p5 =	sgt.f32 s0, s22;
	[smem:$0x799] =	sst s2;
	s2 =	simm.s32 @!p3 $0x0  }
0x19c: {  	[smem:$0x7F6] =	sst s3;
	s2 =	simm.s32 @p3 $0x1  }
0x19d: {  	(v2sf) =	vpush v62, $0x7;
	[smem:$0x79A] =	sst s2;
	s2 =	simm.s32 @!p5 $0x0  }
0x19e: {  	[dreg:$0xa] =	wrdreg s28;
	(v2sf) =	vpush v29, $0x7;
	s2 =	simm.s32 @p5 $0x1  }
0x19f: {  	(v2sf) =	vpush v62, $0x8;
	[smem:$0x79B] =	sst s2  }
0x1a0: {  	s21 =	smov.u32 @p3 s1;
	s1 =	spop (v2sf)  }
0x1a1: {  	s22 =	smov.u32 @p5 s0;
	s29 =	sld [smem:$0x799];
	p5 =	slt.f32 s1, s21  }
0x1a2: {  	s30 =	sld [smem:$0x79A];
	s0 =	spop (v2sf)  }
0x1a3: {  	s31 =	sld [smem:$0x79B];
	p3 =	sgt.f32 s0, s22;
	s2 =	simm.s32 @!p5 $0x0  }
0x1a4: {  	(v2sf) =	vpush v29, $0x8;
	s21 =	smov.u32 @p5 s1;
	s1 =	spop (v2sf);
	s2 =	simm.s32 @p5 $0x1  }
0x1a5: {  	s22 =	smov.u32 @p3 s0;
	[smem:$0x79C] =	sst s2;
	s2 =	simm.s32 @!p3 $0x0  }
0x1a6: {  	(v2sf) =	vpush v62, $0x9;
	s0 =	spop (v2sf);
	s2 =	simm.s32 @p3 $0x1;
	p3 =	slt.f32 s1, s21  }
0x1a7: {  	p5 =	sgt.f32 s0, s22;
	s7 =	sld [smem:$0x79C]  }
0x1a8: {  	[smem:$0x79D] =	sst s2;
	s2 =	simm.s32 @!p3 $0x0  }
0x1a9: {  	s22 =	smov.u32 @p5 s0;
	s21 =	smov.u32 @p3 s1;
	s2 =	simm.s32 @p3 $0x1  }
0x1aa: {  	s1 =	spop (v2sf);
	[smem:$0x79E] =	sst s2;
	s2 =	simm.s32 @!p5 $0x0  }
0x1ab: {  	(v2sf) =	vpush v29, $0x9;
	s11 =	sld [smem:$0x79D];
	s2 =	simm.s32 @p5 $0x1;
	p5 =	slt.f32 s1, s21  }
0x1ac: {  	s0 =	spop (v2sf);
	s12 =	sld [smem:$0x79E]  }
0x1ad: {  	(v2sf) =	vpush v62, $0xA;
	p3 =	sgt.f32 s0, s22;
	[smem:$0x79F] =	sst s2;
	s2 =	simm.s32 @!p5 $0x0  }
0x1ae: {  	s21 =	smov.u32 @p5 s1;
	s1 =	spop (v2sf);
	s2 =	simm.s32 @p5 $0x1  }
0x1af: {  	(v2sf) =	vpush v29, $0xA;
	p5 =	slt.f32 s1, s21;
	[smem:$0x7A0] =	sst s2;
	s2 =	simm.s32 @!p3 $0x0  }
0x1b0: {  	s22 =	smov.u32 @p3 s0;
	s0 =	spop (v2sf);
	s2 =	simm.s32 @p3 $0x1  }
0x1b1: {  	p3 =	sgt.f32 s0, s22;
	[smem:$0x7A1] =	sst s2;
	s2 =	simm.s32 @!p5 $0x0  }
0x1b2: {  	s19 =	sld [smem:$0x79F];
	s21 =	smov.u32 @p5 s1;
	s2 =	simm.s32 @p5 $0x1  }
0x1b3: {  	(v2sf) =	vpush v62, $0xB;
	s1 =	spop (v2sf);
	[smem:$0x7A2] =	sst s2;
	s2 =	simm.s32 @!p3 $0x0  }
0x1b4: {  	s22 =	smov.u32 @p3 s0;
	s2 =	simm.s32 @p3 $0x1;
	p3 =	slt.f32 s1, s21  }
0x1b5: {  	s20 =	sld [smem:$0x7A0];
	s0 =	spop (v2sf)  }
0x1b6: {  	p5 =	sgt.f32 s0, s22;
	[smem:$0x7A3] =	sst s2;
	s2 =	simm.s32 @!p3 $0x0  }
0x1b7: {  	(v2sf) =	vpush v29, $0xB;
	s23 =	sld [smem:$0x7A1];
	s2 =	simm.s32 @p3 $0x1  }
0x1b8: {  	[smem:$0x7A4] =	sst s2;
	s2 =	simm.s32 @!p5 $0x0  }
0x1b9: {  	s24 =	sld [smem:$0x7A2];
	s2 =	simm.s32 @p5 $0x1  }
0x1ba: {  	(v2sf) =	vpush v62, $0xC;
	s21 =	smov.u32 @p3 s1;
	[smem:$0x7A5] =	sst s2;
	s2 =	spop (v2sf)  }
0x1bb: {  	s22 =	smov.u32 @p5 s0;
	s25 =	sld [smem:$0x7A3];
	p5 =	slt.f32 s2, s21  }
0x1bc: {  	s26 =	sld [smem:$0x7A4];
	s0 =	spop (v2sf)  }
0x1bd: {  	s28 =	sld [smem:$0x7A5];
	p3 =	sgt.f32 s0, s22;
	s1 =	simm.s32 @!p5 $0x0  }
0x1be: {  	(v2sf) =	vpush v29, $0xC;
	s21 =	smov.u32 @p5 s2;
	s2 =	spop (v2sf);
	s1 =	simm.s32 @p5 $0x1  }
0x1bf: {  	s22 =	smov.u32 @p3 s0;
	[smem:$0x7A6] =	sst s1;
	s1 =	simm.s32 @!p3 $0x0  }
0x1c0: {  	s0 =	simm.s32 $0x1;
	s1 =	simm.s32 @p3 $0x1;
	p3 =	slt.f32 s2, s21  }
0x1c1: {  	(v2sf) =	vpush v62, $0xD;
	s0 =	simm.s32 @!p2 $0x0;
	[smem:$0x7A7] =	sst s1;
	s1 =	simm.s32 $0x1  }
0x1c2: {  	s3 =	simm.s32 @!p3 $0x0;
	s21 =	smov.u32 @p3 s2;
	s2 =	spop (v2sf)  }
0x1c3: {  	s1 =	simm.s32 @!p1 $0x0;
	s3 =	simm.s32 @p3 $0x1;
	p3 =	sgt.f32 s2, s22  }
0x1c4: {  	(v2sf) =	vpush v29, $0xD;
	s0 =	simm.s32 @p4 $0x2;
	s1 =	simm.s32 @p0 $0x2;
	p0 =	seq.s32 s29, $0x1  }
0x1c5: {  	s1 =	simm.s32 @p0 $0x3;
	p0 =	seq.s32 s30, $0x1;
	s22 =	smov.u32 @p3 s2  }
0x1c6: {  	s2 =	spop (v2sf);
	s0 =	simm.s32 @p0 $0x3;
	p0 =	seq.s32 s31, $0x1  }
0x1c7: {  	(v2sf) =	vpush v62, $0xE;
	p4 =	slt.f32 s2, s21;
	s1 =	simm.s32 @p0 $0x4;
	p0 =	seq.s32 s7, $0x1  }
0x1c8: {  	p6 =	seq.s32 s26, $0x1;
	s29 =	sld [smem:$0x7A6];
	s0 =	simm.s32 @p0 $0x4  }
0x1c9: {  	p0 =	seq.s32 s11, $0x1;
	s21 =	smov.u32 @p4 s2;
	s2 =	spop (v2sf)  }
0x1ca: {  	(v2sf) =	vpush v29, $0xE;
	s1 =	simm.s32 @p0 $0x5;
	p0 =	seq.s32 s12, $0x1;
	p2 =	sgt.f32 s2, s22  }
0x1cb: {  	[smem:$0x7A8] =	sst s3;
	(v2sf) =	vpush v62, $0xF;
	s0 =	simm.s32 @p0 $0x5;
	p0 =	seq.s32 s19, $0x1  }
0x1cc: {  	s1 =	simm.s32 @p0 $0x6;
	p0 =	seq.s32 s20, $0x1;
	s22 =	smov.u32 @p2 s2  }
0x1cd: {  	s2 =	spop (v2sf);
	s0 =	simm.s32 @p0 $0x6;
	(v2sf) =	vpush v29, $0xF;
	p0 =	seq.s32 s23, $0x1  }
0x1ce: {  	p1 =	slt.f32 s2, s21;
	s1 =	simm.s32 @p0 $0x7;
	p0 =	seq.s32 s24, $0x1  }
0x1cf: {  	s30 =	sld [smem:$0x7A7];
	s0 =	simm.s32 @p0 $0x7;
	p0 =	seq.s32 s25, $0x1  }
0x1d0: {  	s21 =	smov.u32 @p1 s2;
	s2 =	spop (v2sf);
	s1 =	simm.s32 @p0 $0x8  }
0x1d1: {  	s0 =	simm.s32 @p6 $0x8;
	p6 =	seq.s32 s28, $0x1;
	p0 =	sgt.f32 s2, s22  }
0x1d2: {  	s31 =	sld [smem:$0x7A8];
	s1 =	simm.s32 @p6 $0x9  }
0x1d3: {  	p6 =	seq.s32 s29, $0x1;
	s22 =	smov.u32 @p0 s2;
	s2 =	spop (v2sf)  }
0x1d4: {  	p5 =	seq.s32 s30, $0x1;
	s0 =	simm.s32 @p6 $0x9;
	p6 =	slt.f32 s2, s21  }
0x1d5: {  	s1 =	simm.s32 @p5 $0xA  }
0x1d6: {  	p5 =	seq.s32 s31, $0x1;
	s21 =	smov.u32 @p6 s2;
	s2 =	spop (v2sf)  }
0x1d7: {  	s0 =	simm.s32 @p5 $0xA;
	s1 =	simm.s32 @p3 $0xB;
	p3 =	sgt.f32 s2, s22  }
0x1d8: {  	v36 =	vmin.f32 v11, v50;
	s0 =	simm.s32 @p4 $0xB  }
0x1d9: {  	v39 =	vmin.f32 v51, v20;
	v37 =	vmax.f32 v8, v36;
	s1 =	simm.s32 @p2 $0xC;
	s22 =	smov.u32 @p3 s2;
	s2 =	spop (v2sf)  }
0x1da: {  	v40 =	vmax.f32 v37, v39;
	s0 =	simm.s32 @p1 $0xC;
	p1 =	slt.f32 s2, s21;
	s29 =	spop (v2sf)  }
0x1db: {  	v30 =	vmax.f32 v16, v54;
	v38 =	vmin.f32 v12, v13;
	v41 =	vsel vm0, v40, v52;
	s1 =	simm.s32 @p0 $0xD;
	p2 =	sgt.f32 s29, s22  }
0x1dc: {  	v12 =	vmin.f32 v38, v30;
	v18 =	vsel vm2, v41, v53;
	s1 =	simm.s32 @p3 $0xE;
	s21 =	smov.u32 @p1 s2;
	s28 =	spop (v2sf)  }
0x1dd: {  	v42 =	vsel vm1, v12, v56;
	v44 =	vsel vm4, v18, v55;
	s0 =	simm.s32 @p6 $0xD;
	p0 =	slt.f32 s28, s21;
	s1 =	simm.s32 @p2 $0xF  }
0x1de: {  	v43 =	vsel vm3, v42, v59;
	v47 =	vsel vm6, v44, v57;
	s0 =	simm.s32 @p1 $0xE;
	v46 =	vmov s1  }
0x1df: {  	v45 =	vsel vm5, v43, v61;
	v26 =	vsel vm8, v47, v60;
	s0 =	simm.s32 @p0 $0xF;
	vm10 =	veq.s32 v46, v7  }
0x1e0: {  	v21 =	vsel vm7, v45, v63;
	v48 =	vmov s0;
	v28 =	vsel vm10, v26, v62  }
0x1e1: {  	v27 =	vsel vm9, v21, v27;
	vm11 =	veq.s32 v48, v7;
	(v2sf) =	vpush v28, $0x0  }
0x1e2: {  	v29 =	vsel vm11, v27, v29  }
0x1e3: {  	(v2sf) =	vpush v29, $0x0  }
0x1e4: {  	(v2sf) =	vpush v28, $0x1;
	_ =	sdelay $0x1  }
0x1e5: {  	(v2sf) =	vpush v29, $0x1  }
0x1e6: {  	(v2sf) =	vpush v28, $0x2;
	_ =	sdelay $0x4  }
0x1e7: {  	(v2sf) =	vpush v29, $0x2  }
0x1e8: {  	(v2sf) =	vpush v28, $0x3  }
0x1e9: {  	s2 =	simm.s32 @!p2 $0x0  }
0x1ea: {  	s2 =	simm.s32 @p2 $0x1  }
0x1eb: {  	[smem:$0x7F8] =	sst s2;
	s2 =	simm.s32 @!p0 $0x0;
	s26 =	spop (v2sf)  }
0x1ec: {  	s2 =	simm.s32 @p0 $0x1;
	p0 =	sgt.f32 s26, $-Inf  }
0x1ed: {  	(v2sf) =	vpush v29, $0x3;
	s25 =	spop (v2sf)  }
0x1ee: {  	(v2sf) =	vpush v28, $0x4;
	s26 =	simm.s32 @!p0 $0xFF800000;
	s0 =	spop (v2sf)  }
0x1ef: {  	p1 =	slt.f32 s25, $+Inf;
	p6 =	sgt.f32 s0, s26  }
0x1f0: {  	s1 =	spop (v2sf)  }
0x1f1: {  	s25 =	simm.s32 @!p1 $0x7F800000;
	s26 =	smov.u32 @p6 s0;
	s0 =	spop (v2sf)  }
0x1f2: {  	p1 =	slt.f32 s1, s25;
	p0 =	sgt.f32 s0, s26  }
0x1f3: {  	(v2sf) =	vpush v29, $0x4  }
0x1f4: {  	(v2sf) =	vpush v28, $0x5;
	s25 =	smov.u32 @p1 s1;
	s1 =	simm.s32 @!p0 $0x0  }
0x1f5: {  	[smem:$0x7F9] =	sst s2;
	s1 =	simm.s32 @p0 $0x1  }
0x1f6: {  	[smem:$0x7AA] =	sst s1;
	s1 =	spop (v2sf)  }
0x1f7: {  	s2 =	simm.s32 @!p1 $0x0;
	s26 =	smov.u32 @p0 s0;
	s0 =	spop (v2sf)  }
0x1f8: {  	s2 =	simm.s32 @p1 $0x1;
	p1 =	slt.f32 s1, s25;
	p0 =	sgt.f32 s0, s26  }
0x1f9: {  	(v2sf) =	vpush v29, $0x5  }
0x1fa: {  	(v2sf) =	vpush v28, $0x6;
	s25 =	smov.u32 @p1 s1;
	s1 =	simm.s32 @!p0 $0x0  }
0x1fb: {  	[smem:$0x7A9] =	sst s2;
	s1 =	simm.s32 @p0 $0x1  }
0x1fc: {  	[smem:$0x7AC] =	sst s1;
	s1 =	spop (v2sf)  }
0x1fd: {  	s2 =	simm.s32 @!p1 $0x0;
	s26 =	smov.u32 @p0 s0;
	s0 =	spop (v2sf)  }
0x1fe: {  	s2 =	simm.s32 @p1 $0x1;
	p1 =	slt.f32 s1, s25;
	p0 =	sgt.f32 s0, s26  }
0x1ff: {  	(v2sf) =	vpush v29, $0x6  }
0x200: {  	(v2sf) =	vpush v28, $0x7;
	s25 =	smov.u32 @p1 s1;
	s1 =	simm.s32 @!p0 $0x0  }
0x201: {  	[smem:$0x7AB] =	sst s2;
	s1 =	simm.s32 @p0 $0x1  }
0x202: {  	[smem:$0x7AE] =	sst s1;
	s1 =	spop (v2sf)  }
0x203: {  	s2 =	simm.s32 @!p1 $0x0;
	s26 =	smov.u32 @p0 s0;
	s0 =	spop (v2sf)  }
0x204: {  	s2 =	simm.s32 @p1 $0x1;
	p1 =	slt.f32 s1, s25;
	p0 =	sgt.f32 s0, s26  }
0x205: {  	(v2sf) =	vpush v29, $0x7  }
0x206: {  	(v2sf) =	vpush v28, $0x8;
	s25 =	smov.u32 @p1 s1;
	s1 =	simm.s32 @!p0 $0x0  }
0x207: {  	[smem:$0x7AD] =	sst s2;
	s1 =	simm.s32 @p0 $0x1  }
0x208: {  	[smem:$0x7B0] =	sst s1;
	s1 =	spop (v2sf)  }
0x209: {  	s2 =	simm.s32 @!p1 $0x0;
	s26 =	smov.u32 @p0 s0;
	s0 =	spop (v2sf)  }
0x20a: {  	s2 =	simm.s32 @p1 $0x1;
	p1 =	slt.f32 s1, s25;
	p0 =	sgt.f32 s0, s26  }
0x20b: {  	(v2sf) =	vpush v29, $0x8  }
0x20c: {  	(v2sf) =	vpush v28, $0x9;
	s25 =	smov.u32 @p1 s1;
	s1 =	simm.s32 @!p0 $0x0  }
0x20d: {  	[smem:$0x7AF] =	sst s2;
	s1 =	simm.s32 @p0 $0x1  }
0x20e: {  	[smem:$0x7B2] =	sst s1;
	s1 =	spop (v2sf)  }
0x20f: {  	s2 =	simm.s32 @!p1 $0x0;
	s26 =	smov.u32 @p0 s0;
	s0 =	spop (v2sf)  }
0x210: {  	s2 =	simm.s32 @p1 $0x1;
	p1 =	slt.f32 s1, s25;
	p0 =	sgt.f32 s0, s26  }
0x211: {  	(v2sf) =	vpush v29, $0x9  }
0x212: {  	(v2sf) =	vpush v28, $0xA;
	s25 =	smov.u32 @p1 s1;
	s1 =	simm.s32 @!p0 $0x0  }
0x213: {  	[smem:$0x7B1] =	sst s2;
	s1 =	simm.s32 @p0 $0x1  }
0x214: {  	[smem:$0x7B4] =	sst s1;
	s1 =	spop (v2sf)  }
0x215: {  	s2 =	simm.s32 @!p1 $0x0;
	s26 =	smov.u32 @p0 s0;
	s0 =	spop (v2sf)  }
0x216: {  	s2 =	simm.s32 @p1 $0x1;
	p1 =	slt.f32 s1, s25;
	p0 =	sgt.f32 s0, s26  }
0x217: {  	(v2sf) =	vpush v29, $0xA  }
0x218: {  	(v2sf) =	vpush v28, $0xB;
	s25 =	smov.u32 @p1 s1;
	s1 =	simm.s32 @!p0 $0x0  }
0x219: {  	[smem:$0x7B3] =	sst s2;
	s1 =	simm.s32 @p0 $0x1  }
0x21a: {  	[smem:$0x7B6] =	sst s1;
	s1 =	spop (v2sf)  }
0x21b: {  	s2 =	simm.s32 @!p1 $0x0;
	s26 =	smov.u32 @p0 s0;
	s0 =	spop (v2sf)  }
0x21c: {  	s2 =	simm.s32 @p1 $0x1;
	p1 =	slt.f32 s1, s25;
	p0 =	sgt.f32 s0, s26  }
0x21d: {  	(v2sf) =	vpush v29, $0xB  }
0x21e: {  	(v2sf) =	vpush v28, $0xC;
	s25 =	smov.u32 @p1 s1;
	s1 =	simm.s32 @!p0 $0x0  }
0x21f: {  	[smem:$0x7B5] =	sst s2;
	s1 =	simm.s32 @p0 $0x1  }
0x220: {  	(v2sf) =	vpush v29, $0xC;
	[smem:$0x7B8] =	sst s1;
	s1 =	spop (v2sf)  }
0x221: {  	(v2sf) =	vpush v28, $0xD;
	s2 =	simm.s32 @!p1 $0x0;
	s26 =	smov.u32 @p0 s0;
	s0 =	spop (v2sf)  }
0x222: {  	s2 =	simm.s32 @p1 $0x1;
	p1 =	slt.f32 s1, s25;
	p0 =	sgt.f32 s0, s26  }
0x223: {  	s7 =	sld [smem:$0x7A9];
	(v2sf) =	vpush v29, $0xD  }
0x224: {  	s11 =	sld [smem:$0x7AA];
	(v2sf) =	vpush v28, $0xE;
	s25 =	smov.u32 @p1 s1;
	s1 =	simm.s32 @!p0 $0x0  }
0x225: {  	[smem:$0x7B7] =	sst s2;
	s1 =	simm.s32 @p0 $0x1  }
0x226: {  	[smem:$0x7BA] =	sst s1;
	s1 =	spop (v2sf);
	(v2sf) =	vpush v29, $0xE  }
0x227: {  	s2 =	simm.s32 @!p1 $0x0;
	s26 =	smov.u32 @p0 s0;
	s0 =	spop (v2sf)  }
0x228: {  	s2 =	simm.s32 @p1 $0x1;
	p1 =	slt.f32 s1, s25;
	p0 =	sgt.f32 s0, s26  }
0x229: {  	s12 =	sld [smem:$0x7AB]  }
0x22a: {  	s19 =	sld [smem:$0x7AC];
	s25 =	smov.u32 @p1 s1;
	s1 =	simm.s32 @!p0 $0x0  }
0x22b: {  	[smem:$0x7B9] =	sst s2;
	s2 =	simm.s32 @!p1 $0x0;
	s1 =	simm.s32 @p0 $0x1  }
0x22c: {  	s2 =	simm.s32 @p1 $0x1;
	[smem:$0x7BC] =	sst s1;
	s1 =	spop (v2sf)  }
0x22d: {  	s26 =	smov.u32 @p0 s0;
	p1 =	slt.f32 s1, s25;
	s0 =	spop (v2sf)  }
0x22e: {  	[smem:$0x7BB] =	sst s2;
	p4 =	sgt.f32 s0, s26  }
0x22f: {  	s2 =	simm.s32 @!p1 $0x0;
	s25 =	smov.u32 @p1 s1;
	s1 =	spop (v2sf)  }
0x230: {  	p3 =	slt.f32 s1, s25;
	s26 =	smov.u32 @p4 s0;
	s0 =	spop (v2sf)  }
0x231: {  	s20 =	sld [smem:$0x7AD];
	s2 =	simm.s32 @p1 $0x1;
	p1 =	sgt.f32 s0, s26  }
0x232: {  	s23 =	sld [smem:$0x7AE];
	s25 =	smov.u32 @p3 s1;
	s1 =	spop (v2sf)  }
0x233: {  	p2 =	slt.f32 s1, s25;
	s26 =	smov.u32 @p1 s0;
	s0 =	spop (v2sf)  }
0x234: {  	s24 =	sld [smem:$0x7AF];
	p5 =	sgt.f32 s0, s26  }
0x235: {  	s30 =	sld [smem:$0x7B0];
	s25 =	smov.u32 @p2 s1;
	s1 =	spop (v2sf)  }
0x236: {  	p0 =	slt.f32 s1, s25;
	s26 =	smov.u32 @p5 s0;
	s0 =	simm.s32 $0x1  }
0x237: {  	s31 =	sld [smem:$0x7B1];
	s0 =	simm.s32 @!p6 $0x0  }
0x238: {  	p6 =	seq.s32 s7, $0x1;
	s25 =	smov.u32 @p0 s1;
	s1 =	simm.s32 $0x1  }
0x239: {  	s3 =	sld [smem:$0x7B2];
	s1 =	simm.s32 @!p6 $0x0;
	p6 =	seq.s32 s11, $0x1  }
0x23a: {  	[smem:$0x7BD] =	sst s2;
	s0 =	simm.s32 @p6 $0x2;
	p6 =	seq.s32 s12, $0x1  }
0x23b: {  	(v2sf) =	vpush v28, $0xF;
	s7 =	sld [smem:$0x7B3];
	s1 =	simm.s32 @p6 $0x2;
	p6 =	seq.s32 s19, $0x1  }
0x23c: {  	(v2sf) =	vpush v29, $0xF;
	s2 =	simm.s32 @!p0 $0x0;
	s0 =	simm.s32 @p6 $0x3;
	p6 =	seq.s32 s20, $0x1  }
0x23d: {  	s2 =	simm.s32 @p0 $0x1;
	s1 =	simm.s32 @p6 $0x3;
	p6 =	seq.s32 s23, $0x1  }
0x23e: {  	s11 =	sld [smem:$0x7B4];
	s0 =	simm.s32 @p6 $0x4;
	p6 =	seq.s32 s24, $0x1  }
0x23f: {  	[smem:$0x7BE] =	sst s2;
	s1 =	simm.s32 @p6 $0x4;
	p6 =	seq.s32 s30, $0x1  }
0x240: {  	s12 =	sld [smem:$0x7B5];
	s0 =	simm.s32 @p6 $0x5;
	p6 =	seq.s32 s31, $0x1  }
0x241: {  	s19 =	sld [smem:$0x7B6];
	s1 =	simm.s32 @p6 $0x5;
	p6 =	seq.s32 s3, $0x1  }
0x242: {  	s20 =	sld [smem:$0x7B7];
	s0 =	simm.s32 @p6 $0x6;
	p6 =	seq.s32 s7, $0x1  }
0x243: {  	s23 =	sld [smem:$0x7B8];
	s1 =	simm.s32 @p6 $0x6;
	p6 =	seq.s32 s11, $0x1  }
0x244: {  	s24 =	sld [smem:$0x7B9];
	s0 =	simm.s32 @p6 $0x7;
	p6 =	seq.s32 s12, $0x1  }
0x245: {  	s30 =	sld [smem:$0x7BA];
	s1 =	simm.s32 @p6 $0x7;
	p6 =	seq.s32 s19, $0x1  }
0x246: {  	s31 =	sld [smem:$0x7BB];
	s0 =	simm.s32 @p6 $0x8;
	p6 =	seq.s32 s20, $0x1  }
0x247: {  	s3 =	sld [smem:$0x7BC];
	s1 =	simm.s32 @p6 $0x8;
	p6 =	seq.s32 s23, $0x1  }
0x248: {  	s7 =	sld [smem:$0x7BD];
	s0 =	simm.s32 @p6 $0x9;
	p6 =	seq.s32 s24, $0x1  }
0x249: {  	v49 =	vmin.f32 v8, v36;
	s11 =	sld [smem:$0x7BE];
	s1 =	simm.s32 @p6 $0x9;
	p6 =	seq.s32 s30, $0x1  }
0x24a: {  	v50 =	vmin.f32 v37, v39;
	v24 =	vmax.f32 v6, v49;
	p0 =	seq.s32 s3, $0x1;
	s20 =	spop (v2sf);
	s0 =	simm.s32 @p6 $0xA  }
0x24b: {  	v53 =	vmax.f32 v24, v50;
	s23 =	spop (v2sf);
	p6 =	seq.s32 s31, $0x1;
	s0 =	simm.s32 @p0 $0xB  }
0x24c: {  	v51 =	vmax.f32 v38, v30;
	v52 =	vmin.f32 v9, v10;
	v54 =	vsel vm0, v53, v40;
	s1 =	simm.s32 @p6 $0xA;
	p0 =	seq.s32 s7, $0x1;
	s0 =	simm.s32 @p4 $0xC  }
0x24d: {  	v31 =	vmin.f32 v52, v51;
	v56 =	vsel vm2, v54, v41;
	s1 =	simm.s32 @p0 $0xB;
	s0 =	simm.s32 @p1 $0xD;
	p1 =	sgt.f32 s20, s26  }
0x24e: {  	v55 =	vsel vm1, v31, v12;
	v16 =	vsel vm4, v56, v18;
	p0 =	slt.f32 s23, s25;
	s1 =	simm.s32 @p3 $0xC;
	s0 =	simm.s32 @p5 $0xE  }
0x24f: {  	v57 =	vsel vm3, v55, v42;
	v18 =	vsel vm6, v16, v44;
	s1 =	simm.s32 @p2 $0xD;
	p2 =	seq.s32 s11, $0x1;
	s0 =	simm.s32 @p1 $0xF  }
0x250: {  	v59 =	vsel vm5, v57, v43;
	v20 =	vsel vm8, v18, v47;
	s1 =	simm.s32 @p2 $0xE;
	v58 =	vmov s0  }
0x251: {  	v61 =	vsel vm7, v59, v45;
	v62 =	vsel vm10, v20, v26;
	s1 =	simm.s32 @p0 $0xF;
	vm12 =	veq.s32 v58, v7  }
0x252: {  	v21 =	vsel vm9, v61, v21;
	v60 =	vmov s1;
	v28 =	vsel vm12, v62, v28  }
0x253: {  	v27 =	vsel vm11, v21, v27;
	vm13 =	veq.s32 v60, v7;
	(v2sf) =	vpush v28, $0x0  }
0x254: {  	v29 =	vsel vm13, v27, v29  }
0x255: {  	(v2sf) =	vpush v29, $0x0  }
0x256: {  	(v2sf) =	vpush v28, $0x1;
	_ =	sdelay $0x1  }
0x257: {  	(v2sf) =	vpush v29, $0x1  }
0x258: {  	(v2sf) =	vpush v28, $0x2;
	_ =	sdelay $0x4  }
0x259: {  	(v2sf) =	vpush v29, $0x2  }
0x25a: {  	(v2sf) =	vpush v28, $0x3  }
0x25b: {  	s2 =	simm.s32 @!p1 $0x0  }
0x25c: {  	s2 =	simm.s32 @p1 $0x1  }
0x25d: {  	[smem:$0x7FA] =	sst s2;
	s2 =	simm.s32 @!p0 $0x0;
	s31 =	spop (v2sf)  }
0x25e: {  	s2 =	simm.s32 @p0 $0x1;
	p0 =	sgt.f32 s31, $-Inf  }
0x25f: {  	(v2sf) =	vpush v29, $0x3;
	s30 =	spop (v2sf)  }
0x260: {  	(v2sf) =	vpush v28, $0x4;
	s0 =	spop (v2sf);
	s31 =	simm.s32 @!p0 $0xFF800000  }
0x261: {  	p1 =	slt.f32 s30, $+Inf;
	p6 =	sgt.f32 s0, s31  }
0x262: {  	s1 =	spop (v2sf)  }
0x263: {  	s30 =	simm.s32 @!p1 $0x7F800000;
	s31 =	smov.u32 @p6 s0;
	s0 =	spop (v2sf)  }
0x264: {  	p1 =	slt.f32 s1, s30;
	p0 =	sgt.f32 s0, s31  }
0x265: {  	(v2sf) =	vpush v29, $0x4  }
0x266: {  	(v2sf) =	vpush v28, $0x5;
	s30 =	smov.u32 @p1 s1;
	s1 =	simm.s32 @!p0 $0x0  }
0x267: {  	[smem:$0x7FB] =	sst s2;
	s1 =	simm.s32 @p0 $0x1  }
0x268: {  	[smem:$0x7C0] =	sst s1;
	s1 =	spop (v2sf)  }
0x269: {  	s2 =	simm.s32 @!p1 $0x0;
	s31 =	smov.u32 @p0 s0;
	s0 =	spop (v2sf)  }
0x26a: {  	s2 =	simm.s32 @p1 $0x1;
	p1 =	slt.f32 s1, s30;
	p0 =	sgt.f32 s0, s31  }
0x26b: {  	(v2sf) =	vpush v29, $0x5  }
0x26c: {  	(v2sf) =	vpush v28, $0x6;
	s30 =	smov.u32 @p1 s1;
	s1 =	simm.s32 @!p0 $0x0  }
0x26d: {  	[smem:$0x7BF] =	sst s2;
	s1 =	simm.s32 @p0 $0x1  }
0x26e: {  	[smem:$0x7C2] =	sst s1;
	s1 =	spop (v2sf)  }
0x26f: {  	s2 =	simm.s32 @!p1 $0x0;
	s31 =	smov.u32 @p0 s0;
	s0 =	spop (v2sf)  }
0x270: {  	s2 =	simm.s32 @p1 $0x1;
	p1 =	slt.f32 s1, s30;
	p0 =	sgt.f32 s0, s31  }
0x271: {  	(v2sf) =	vpush v29, $0x6  }
0x272: {  	(v2sf) =	vpush v28, $0x7;
	s30 =	smov.u32 @p1 s1;
	s1 =	simm.s32 @!p0 $0x0  }
0x273: {  	[smem:$0x7C1] =	sst s2;
	s1 =	simm.s32 @p0 $0x1  }
0x274: {  	[smem:$0x7C4] =	sst s1;
	s1 =	spop (v2sf)  }
0x275: {  	s2 =	simm.s32 @!p1 $0x0;
	s31 =	smov.u32 @p0 s0;
	s0 =	spop (v2sf)  }
0x276: {  	s2 =	simm.s32 @p1 $0x1;
	p1 =	slt.f32 s1, s30;
	p0 =	sgt.f32 s0, s31  }
0x277: {  	(v2sf) =	vpush v29, $0x7  }
0x278: {  	(v2sf) =	vpush v28, $0x8;
	s30 =	smov.u32 @p1 s1;
	s1 =	simm.s32 @!p0 $0x0  }
0x279: {  	[smem:$0x7C3] =	sst s2;
	s1 =	simm.s32 @p0 $0x1  }
0x27a: {  	[smem:$0x7C6] =	sst s1;
	s1 =	spop (v2sf)  }
0x27b: {  	s2 =	simm.s32 @!p1 $0x0;
	s31 =	smov.u32 @p0 s0;
	s0 =	spop (v2sf)  }
0x27c: {  	s2 =	simm.s32 @p1 $0x1;
	p1 =	slt.f32 s1, s30;
	p0 =	sgt.f32 s0, s31  }
0x27d: {  	(v2sf) =	vpush v29, $0x8  }
0x27e: {  	(v2sf) =	vpush v28, $0x9;
	s30 =	smov.u32 @p1 s1;
	s1 =	simm.s32 @!p0 $0x0  }
0x27f: {  	[smem:$0x7C5] =	sst s2;
	s1 =	simm.s32 @p0 $0x1  }
0x280: {  	[smem:$0x7C8] =	sst s1;
	s1 =	spop (v2sf)  }
0x281: {  	s2 =	simm.s32 @!p1 $0x0;
	s31 =	smov.u32 @p0 s0;
	s0 =	spop (v2sf)  }
0x282: {  	s2 =	simm.s32 @p1 $0x1;
	p1 =	slt.f32 s1, s30;
	p0 =	sgt.f32 s0, s31  }
0x283: {  	(v2sf) =	vpush v29, $0x9  }
0x284: {  	(v2sf) =	vpush v28, $0xA;
	s30 =	smov.u32 @p1 s1;
	s1 =	simm.s32 @!p0 $0x0  }
0x285: {  	[smem:$0x7C7] =	sst s2;
	s1 =	simm.s32 @p0 $0x1  }
0x286: {  	[smem:$0x7CA] =	sst s1;
	s1 =	spop (v2sf)  }
0x287: {  	s2 =	simm.s32 @!p1 $0x0;
	s31 =	smov.u32 @p0 s0;
	s0 =	spop (v2sf)  }
0x288: {  	s2 =	simm.s32 @p1 $0x1;
	p1 =	slt.f32 s1, s30;
	p0 =	sgt.f32 s0, s31  }
0x289: {  	(v2sf) =	vpush v29, $0xA  }
0x28a: {  	(v2sf) =	vpush v28, $0xB;
	s30 =	smov.u32 @p1 s1;
	s1 =	simm.s32 @!p0 $0x0  }
0x28b: {  	[smem:$0x7C9] =	sst s2;
	s1 =	simm.s32 @p0 $0x1  }
0x28c: {  	[smem:$0x7CC] =	sst s1;
	s1 =	spop (v2sf)  }
0x28d: {  	s2 =	simm.s32 @!p1 $0x0;
	s31 =	smov.u32 @p0 s0;
	s0 =	spop (v2sf)  }
0x28e: {  	s2 =	simm.s32 @p1 $0x1;
	p1 =	slt.f32 s1, s30;
	p0 =	sgt.f32 s0, s31  }
0x28f: {  	(v2sf) =	vpush v29, $0xB  }
0x290: {  	(v2sf) =	vpush v28, $0xC;
	s30 =	smov.u32 @p1 s1;
	s1 =	simm.s32 @!p0 $0x0  }
0x291: {  	[smem:$0x7CB] =	sst s2;
	s1 =	simm.s32 @p0 $0x1  }
0x292: {  	(v2sf) =	vpush v29, $0xC;
	[smem:$0x7CE] =	sst s1;
	s1 =	spop (v2sf)  }
0x293: {  	(v2sf) =	vpush v28, $0xD;
	s2 =	simm.s32 @!p1 $0x0;
	s31 =	smov.u32 @p0 s0;
	s0 =	spop (v2sf)  }
0x294: {  	s2 =	simm.s32 @p1 $0x1;
	p1 =	slt.f32 s1, s30;
	p0 =	sgt.f32 s0, s31  }
0x295: {  	(v2sf) =	vpush v29, $0xD  }
0x296: {  	(v2sf) =	vpush v28, $0xE;
	s30 =	smov.u32 @p1 s1;
	s1 =	simm.s32 @!p0 $0x0  }
0x297: {  	[smem:$0x7CD] =	sst s2;
	s1 =	simm.s32 @p0 $0x1  }
0x298: {  	[smem:$0x7D0] =	sst s1;
	s1 =	spop (v2sf)  }
0x299: {  	s2 =	simm.s32 @!p1 $0x0;
	s31 =	smov.u32 @p0 s0;
	s0 =	spop (v2sf)  }
0x29a: {  	s2 =	simm.s32 @p1 $0x1;
	p1 =	slt.f32 s1, s30;
	p0 =	sgt.f32 s0, s31  }
0x29b: {  	(v2sf) =	vpush v29, $0xE  }
0x29c: {  	s30 =	smov.u32 @p1 s1;
	s1 =	simm.s32 @!p0 $0x0  }
0x29d: {  	[smem:$0x7CF] =	sst s2;
	s2 =	simm.s32 @!p1 $0x0;
	s1 =	simm.s32 @p0 $0x1  }
0x29e: {  	s2 =	simm.s32 @p1 $0x1;
	[smem:$0x7D2] =	sst s1;
	s1 =	spop (v2sf)  }
0x29f: {  	s31 =	smov.u32 @p0 s0;
	p1 =	slt.f32 s1, s30;
	s0 =	spop (v2sf)  }
0x2a0: {  	s12 =	sld [smem:$0x7BF];
	p4 =	sgt.f32 s0, s31  }
0x2a1: {  	s19 =	sld [smem:$0x7C0];
	s30 =	smov.u32 @p1 s1;
	s1 =	spop (v2sf)  }
0x2a2: {  	p5 =	slt.f32 s1, s30;
	s31 =	smov.u32 @p4 s0;
	s0 =	spop (v2sf)  }
0x2a3: {  	s24 =	sld [smem:$0x7C1];
	p2 =	sgt.f32 s0, s31  }
0x2a4: {  	[smem:$0x7D1] =	sst s2;
	s30 =	smov.u32 @p5 s1;
	s1 =	spop (v2sf)  }
0x2a5: {  	s2 =	simm.s32 @!p1 $0x0;
	s31 =	smov.u32 @p2 s0;
	s0 =	spop (v2sf)  }
0x2a6: {  	s2 =	simm.s32 @p1 $0x1;
	p3 =	slt.f32 s1, s30;
	p1 =	sgt.f32 s0, s31  }
0x2a7: {  	s3 =	sld [smem:$0x7C2]  }
0x2a8: {  	s7 =	sld [smem:$0x7C3];
	s30 =	smov.u32 @p3 s1;
	s1 =	simm.s32 @!p1 $0x0  }
0x2a9: {  	s11 =	sld [smem:$0x7C4];
	s1 =	simm.s32 @p1 $0x1  }
0x2aa: {  	[smem:$0x7D4] =	sst s1;
	s1 =	spop (v2sf)  }
0x2ab: {  	s31 =	smov.u32 @p1 s0;
	s0 =	simm.s32 $0x1;
	p0 =	slt.f32 s1, s30  }
0x2ac: {  	[smem:$0x7D3] =	sst s2;
	s0 =	simm.s32 @!p6 $0x0  }
0x2ad: {  	p6 =	seq.s32 s12, $0x1;
	s12 =	sld [smem:$0x7C5];
	s2 =	simm.s32 @!p0 $0x0  }
0x2ae: {  	s30 =	smov.u32 @p0 s1;
	s1 =	simm.s32 $0x1;
	s2 =	simm.s32 @p0 $0x1  }
0x2af: {  	s1 =	simm.s32 @!p6 $0x0;
	p6 =	seq.s32 s19, $0x1;
	s19 =	sld [smem:$0x7C6]  }
0x2b0: {  	[smem:$0x7D5] =	sst s2  }
0x2b1: {  	s0 =	simm.s32 @p6 $0x2;
	p6 =	seq.s32 s24, $0x1;
	s24 =	sld [smem:$0x7C7]  }
0x2b2: {  	(v2sf) =	vpush v28, $0xF;
	s1 =	simm.s32 @p6 $0x2;
	p6 =	seq.s32 s3, $0x1;
	s3 =	sld [smem:$0x7C8]  }
0x2b3: {  	s0 =	simm.s32 @p6 $0x3;
	p6 =	seq.s32 s7, $0x1;
	s7 =	sld [smem:$0x7C9]  }
0x2b4: {  	(v2sf) =	vpush v29, $0xF;
	s1 =	simm.s32 @p6 $0x3;
	p6 =	seq.s32 s11, $0x1;
	s11 =	sld [smem:$0x7CA]  }
0x2b5: {  	s0 =	simm.s32 @p6 $0x4;
	p6 =	seq.s32 s12, $0x1;
	s12 =	sld [smem:$0x7CB]  }
0x2b6: {  	s1 =	simm.s32 @p6 $0x4;
	p6 =	seq.s32 s19, $0x1;
	s19 =	sld [smem:$0x7CC]  }
0x2b7: {  	s0 =	simm.s32 @p6 $0x5;
	p6 =	seq.s32 s24, $0x1;
	s24 =	sld [smem:$0x7CD]  }
0x2b8: {  	s1 =	simm.s32 @p6 $0x5;
	p6 =	seq.s32 s3, $0x1;
	s3 =	sld [smem:$0x7CE]  }
0x2b9: {  	s0 =	simm.s32 @p6 $0x6;
	p6 =	seq.s32 s7, $0x1;
	s7 =	sld [smem:$0x7CF]  }
0x2ba: {  	s1 =	simm.s32 @p6 $0x6;
	p6 =	seq.s32 s11, $0x1;
	s11 =	sld [smem:$0x7D0]  }
0x2bb: {  	s0 =	simm.s32 @p6 $0x7;
	p6 =	seq.s32 s12, $0x1;
	s12 =	sld [smem:$0x7D1]  }
0x2bc: {  	s1 =	simm.s32 @p6 $0x7;
	p6 =	seq.s32 s19, $0x1;
	s19 =	sld [smem:$0x7D2]  }
0x2bd: {  	s0 =	simm.s32 @p6 $0x8;
	p6 =	seq.s32 s24, $0x1;
	p0 =	seq.s32 s11, $0x1  }
0x2be: {  	s24 =	sld [smem:$0x7D3];
	s1 =	simm.s32 @p6 $0x8;
	p6 =	seq.s32 s3, $0x1  }
0x2bf: {  	v33 =	vmin.f32 v6, v49;
	s3 =	sld [smem:$0x7D4];
	s0 =	simm.s32 @p6 $0x9;
	p6 =	seq.s32 s7, $0x1  }
0x2c0: {  	v63 =	vmax.f32 v2, v33;
	v36 =	vmin.f32 v24, v50;
	s1 =	simm.s32 @p6 $0x9;
	s0 =	simm.s32 @p0 $0xA;
	p0 =	seq.s32 s12, $0x1  }
0x2c1: {  	v24 =	vmax.f32 v63, v36;
	s12 =	spop (v2sf);
	s1 =	simm.s32 @p0 $0xA;
	p0 =	seq.s32 s19, $0x1  }
0x2c2: {  	v38 =	vmin.f32 v4, v5;
	v37 =	vmax.f32 v52, v51;
	v40 =	vsel vm0, v24, v53;
	s7 =	sld [smem:$0x7D5];
	p1 =	sgt.f32 s12, s31;
	s0 =	simm.s32 @p0 $0xB  }
0x2c3: {  	v39 =	vmin.f32 v38, v37;
	v9 =	vsel vm2, v40, v54;
	s19 =	spop (v2sf);
	p0 =	seq.s32 s24, $0x1;
	s0 =	simm.s32 @p4 $0xC  }
0x2c4: {  	v41 =	vsel vm1, v39, v31;
	v42 =	vsel vm4, v9, v56;
	s1 =	simm.s32 @p0 $0xB;
	p0 =	seq.s32 s3, $0x1;
	s0 =	simm.s32 @p2 $0xD  }
0x2c5: {  	v10 =	vsel vm3, v41, v55;
	v44 =	vsel vm6, v42, v16;
	s1 =	simm.s32 @p5 $0xC;
	p2 =	seq.s32 s7, $0x1;
	s0 =	simm.s32 @p0 $0xE  }
0x2c6: {  	v43 =	vsel vm5, v10, v57;
	v47 =	vsel vm8, v44, v18;
	s1 =	simm.s32 @p3 $0xD;
	p0 =	slt.f32 s19, s30;
	s0 =	simm.s32 @p1 $0xF  }
0x2c7: {  	v46 =	vsel vm7, v43, v59;
	v50 =	vsel vm10, v47, v20;
	s1 =	simm.s32 @p2 $0xE;
	v45 =	vmov s0  }
0x2c8: {  	v49 =	vsel vm9, v46, v61;
	v52 =	vsel vm12, v50, v62;
	s1 =	simm.s32 @p0 $0xF;
	vm14 =	veq.s32 v45, v7  }
0x2c9: {  	v51 =	vsel vm11, v49, v21;
	v48 =	vmov s1;
	v54 =	vsel vm14, v52, v28  }
0x2ca: {  	v53 =	vsel vm13, v51, v27;
	vm15 =	veq.s32 v48, v7;
	(v2sf) =	vpush v54, $0x0  }
0x2cb: {  	v55 =	vsel vm15, v53, v29  }
0x2cc: {  	(v2sf) =	vpush v55, $0x0  }
0x2cd: {  	(v2sf) =	vpush v54, $0x1;
	_ =	sdelay $0x1  }
0x2ce: {  	(v2sf) =	vpush v55, $0x1  }
0x2cf: {  	(v2sf) =	vpush v54, $0x2;
	_ =	sdelay $0x4  }
0x2d0: {  	(v2sf) =	vpush v55, $0x2  }
0x2d1: {  	(v2sf) =	vpush v54, $0x3  }
0x2d2: {  	s2 =	simm.s32 @!p1 $0x0  }
0x2d3: {  	s2 =	simm.s32 @p1 $0x1  }
0x2d4: {  	[smem:$0x7FC] =	sst s2;
	s2 =	simm.s32 @!p0 $0x0;
	s3 =	spop (v2sf)  }
0x2d5: {  	s2 =	simm.s32 @p0 $0x1;
	p0 =	sgt.f32 s3, $-Inf  }
0x2d6: {  	[smem:$0x7FD] =	sst s2;
	(v2sf) =	vpush v55, $0x3;
	s2 =	spop (v2sf)  }
0x2d7: {  	(v2sf) =	vpush v54, $0x4;
	s0 =	spop (v2sf);
	s3 =	simm.s32 @!p0 $0xFF800000  }
0x2d8: {  	p1 =	slt.f32 s2, $+Inf;
	p6 =	sgt.f32 s0, s3  }
0x2d9: {  	s1 =	spop (v2sf)  }
0x2da: {  	s2 =	simm.s32 @!p1 $0x7F800000;
	s3 =	smov.u32 @p6 s0;
	s0 =	spop (v2sf)  }
0x2db: {  	p1 =	slt.f32 s1, s2;
	p0 =	sgt.f32 s0, s3  }
0x2dc: {  	(v2sf) =	vpush v55, $0x4  }
0x2dd: {  	(v2sf) =	vpush v54, $0x5;
	s2 =	smov.u32 @p1 s1;
	s1 =	simm.s32 @!p0 $0x0  }
0x2de: {  	s1 =	simm.s32 @p0 $0x1  }
0x2df: {  	[smem:$0x7D7] =	sst s1;
	s1 =	spop (v2sf)  }
0x2e0: {  	s7 =	simm.s32 @!p1 $0x0;
	s3 =	smov.u32 @p0 s0;
	s0 =	spop (v2sf)  }
0x2e1: {  	s7 =	simm.s32 @p1 $0x1;
	p1 =	slt.f32 s1, s2;
	p0 =	sgt.f32 s0, s3  }
0x2e2: {  	(v2sf) =	vpush v55, $0x5  }
0x2e3: {  	(v2sf) =	vpush v54, $0x6;
	s2 =	smov.u32 @p1 s1;
	s1 =	simm.s32 @!p0 $0x0  }
0x2e4: {  	[smem:$0x7D6] =	sst s7;
	s1 =	simm.s32 @p0 $0x1  }
0x2e5: {  	[smem:$0x7D9] =	sst s1;
	s1 =	spop (v2sf)  }
0x2e6: {  	s7 =	simm.s32 @!p1 $0x0;
	s3 =	smov.u32 @p0 s0;
	s0 =	spop (v2sf)  }
0x2e7: {  	s7 =	simm.s32 @p1 $0x1;
	p1 =	slt.f32 s1, s2;
	p0 =	sgt.f32 s0, s3  }
0x2e8: {  	(v2sf) =	vpush v55, $0x6  }
0x2e9: {  	(v2sf) =	vpush v54, $0x7;
	s2 =	smov.u32 @p1 s1;
	s1 =	simm.s32 @!p0 $0x0  }
0x2ea: {  	[smem:$0x7D8] =	sst s7;
	s1 =	simm.s32 @p0 $0x1  }
0x2eb: {  	[smem:$0x7DB] =	sst s1;
	s1 =	spop (v2sf)  }
0x2ec: {  	s7 =	simm.s32 @!p1 $0x0;
	s3 =	smov.u32 @p0 s0;
	s0 =	spop (v2sf)  }
0x2ed: {  	s7 =	simm.s32 @p1 $0x1;
	p1 =	slt.f32 s1, s2;
	p0 =	sgt.f32 s0, s3  }
0x2ee: {  	(v2sf) =	vpush v55, $0x7  }
0x2ef: {  	(v2sf) =	vpush v54, $0x8;
	s2 =	smov.u32 @p1 s1;
	s1 =	simm.s32 @!p0 $0x0  }
0x2f0: {  	[smem:$0x7DA] =	sst s7;
	s1 =	simm.s32 @p0 $0x1  }
0x2f1: {  	[smem:$0x7DD] =	sst s1;
	s1 =	spop (v2sf)  }
0x2f2: {  	s7 =	simm.s32 @!p1 $0x0;
	s3 =	smov.u32 @p0 s0;
	s0 =	spop (v2sf)  }
0x2f3: {  	s7 =	simm.s32 @p1 $0x1;
	p1 =	slt.f32 s1, s2;
	p0 =	sgt.f32 s0, s3  }
0x2f4: {  	(v2sf) =	vpush v55, $0x8  }
0x2f5: {  	(v2sf) =	vpush v54, $0x9;
	s2 =	smov.u32 @p1 s1;
	s1 =	simm.s32 @!p0 $0x0  }
0x2f6: {  	[smem:$0x7DC] =	sst s7;
	s1 =	simm.s32 @p0 $0x1  }
0x2f7: {  	[smem:$0x7DF] =	sst s1;
	s1 =	spop (v2sf)  }
0x2f8: {  	s7 =	simm.s32 @!p1 $0x0;
	s3 =	smov.u32 @p0 s0;
	s0 =	spop (v2sf)  }
0x2f9: {  	s7 =	simm.s32 @p1 $0x1;
	p1 =	slt.f32 s1, s2;
	p0 =	sgt.f32 s0, s3  }
0x2fa: {  	(v2sf) =	vpush v55, $0x9  }
0x2fb: {  	(v2sf) =	vpush v54, $0xA;
	s2 =	smov.u32 @p1 s1;
	s1 =	simm.s32 @!p0 $0x0  }
0x2fc: {  	[smem:$0x7DE] =	sst s7;
	s1 =	simm.s32 @p0 $0x1  }
0x2fd: {  	[smem:$0x7E1] =	sst s1;
	s1 =	spop (v2sf)  }
0x2fe: {  	s7 =	simm.s32 @!p1 $0x0;
	s3 =	smov.u32 @p0 s0;
	s0 =	spop (v2sf)  }
0x2ff: {  	s7 =	simm.s32 @p1 $0x1;
	p1 =	slt.f32 s1, s2;
	p0 =	sgt.f32 s0, s3  }
0x300: {  	(v2sf) =	vpush v55, $0xA  }
0x301: {  	s2 =	smov.u32 @p1 s1;
	s1 =	simm.s32 @!p0 $0x0  }
0x302: {  	(v2sf) =	vpush v54, $0xB;
	[smem:$0x7E0] =	sst s7;
	s1 =	simm.s32 @p0 $0x1  }
0x303: {  	(v2sf) =	vpush v55, $0xB;
	[smem:$0x7E3] =	sst s1;
	s1 =	spop (v2sf)  }
0x304: {  	s7 =	simm.s32 @!p1 $0x0;
	s3 =	smov.u32 @p0 s0;
	s0 =	spop (v2sf)  }
0x305: {  	(v2sf) =	vpush v54, $0xC;
	s7 =	simm.s32 @p1 $0x1;
	p1 =	slt.f32 s1, s2;
	p0 =	sgt.f32 s0, s3  }
0x306: {  	_ = 	snop  }
0x307: {  	(v2sf) =	vpush v55, $0xC;
	s2 =	smov.u32 @p1 s1;
	s1 =	simm.s32 @!p0 $0x0  }
0x308: {  	[smem:$0x7E2] =	sst s7;
	(v2sf) =	vpush v54, $0xD;
	s1 =	simm.s32 @p0 $0x1  }
0x309: {  	[smem:$0x7E5] =	sst s1;
	s1 =	spop (v2sf)  }
0x30a: {  	s7 =	simm.s32 @!p1 $0x0;
	s3 =	smov.u32 @p0 s0;
	(v2sf) =	vpush v55, $0xD;
	s0 =	spop (v2sf)  }
0x30b: {  	s7 =	simm.s32 @p1 $0x1;
	p1 =	slt.f32 s1, s2;
	(v2sf) =	vpush v54, $0xE;
	p0 =	sgt.f32 s0, s3  }
0x30c: {  	_ = 	snop  }
0x30d: {  	s2 =	smov.u32 @p1 s1;
	s1 =	simm.s32 @!p0 $0x0  }
0x30e: {  	[smem:$0x7E4] =	sst s7;
	s1 =	simm.s32 @p0 $0x1  }
0x30f: {  	s7 =	simm.s32 @!p1 $0x0;
	[smem:$0x7E7] =	sst s1;
	s1 =	spop (v2sf)  }
0x310: {  	s7 =	simm.s32 @p1 $0x1;
	(v2sf) =	vpush v55, $0xE;
	p1 =	slt.f32 s1, s2  }
0x311: {  	s3 =	smov.u32 @p0 s0;
	s0 =	spop (v2sf)  }
0x312: {  	p5 =	sgt.f32 s0, s3;
	s2 =	smov.u32 @p1 s1;
	s1 =	spop (v2sf)  }
0x313: {  	[smem:$0x7E6] =	sst s7;
	s7 =	simm.s32 @!p1 $0x0;
	p0 =	slt.f32 s1, s2  }
0x314: {  	s7 =	simm.s32 @p1 $0x1;
	s3 =	smov.u32 @p5 s0;
	s0 =	spop (v2sf)  }
0x315: {  	[smem:$0x7E8] =	sst s7;
	p4 =	sgt.f32 s0, s3;
	s7 =	simm.s32 @!p0 $0x0  }
0x316: {  	s2 =	smov.u32 @p0 s1;
	s1 =	spop (v2sf);
	s7 =	simm.s32 @p0 $0x1  }
0x317: {  	p0 =	slt.f32 s1, s2;
	s3 =	smov.u32 @p4 s0;
	s0 =	spop (v2sf)  }
0x318: {  	p2 =	sgt.f32 s0, s3  }
0x319: {  	s2 =	smov.u32 @p0 s1;
	s1 =	spop (v2sf)  }
0x31a: {  	s3 =	smov.u32 @p2 s0;
	s0 =	spop (v2sf)  }
0x31b: {  	p3 =	slt.f32 s1, s2;
	p1 =	sgt.f32 s0, s3  }
0x31c: {  	s11 =	sld [smem:$0x7D6]  }
0x31d: {  	s24 =	sld [smem:$0x7D7];
	s2 =	smov.u32 @p3 s1;
	s1 =	simm.s32 @!p1 $0x0  }
0x31e: {  	[smem:$0x7E9] =	sst s7;
	s7 =	simm.s32 @!p0 $0x0;
	s1 =	simm.s32 @p1 $0x1  }
0x31f: {  	s7 =	simm.s32 @p0 $0x1;
	[smem:$0x7EB] =	sst s1;
	s1 =	spop (v2sf)  }
0x320: {  	s3 =	smov.u32 @p1 s0;
	s0 =	simm.s32 $0x1;
	p0 =	slt.f32 s1, s2  }
0x321: {  	s0 =	simm.s32 @!p6 $0x0;
	p6 =	seq.s32 s11, $0x1  }
0x322: {  	s11 =	sld [smem:$0x7D8];
	s2 =	smov.u32 @p0 s1;
	s1 =	simm.s32 $0x1  }
0x323: {  	s1 =	simm.s32 @!p6 $0x0;
	p6 =	seq.s32 s24, $0x1;
	s24 =	sld [smem:$0x7D9]  }
0x324: {  	_ = 	snop  }
0x325: {  	s0 =	simm.s32 @p6 $0x2;
	p6 =	seq.s32 s11, $0x1;
	s11 =	sld [smem:$0x7DA]  }
0x326: {  	s1 =	simm.s32 @p6 $0x2;
	p6 =	seq.s32 s24, $0x1;
	s24 =	sld [smem:$0x7DB]  }
0x327: {  	_ = 	snop  }
0x328: {  	s0 =	simm.s32 @p6 $0x3;
	p6 =	seq.s32 s11, $0x1;
	s11 =	sld [smem:$0x7DC]  }
0x329: {  	s1 =	simm.s32 @p6 $0x3;
	p6 =	seq.s32 s24, $0x1;
	s24 =	sld [smem:$0x7DD]  }
0x32a: {  	_ = 	snop  }
0x32b: {  	s0 =	simm.s32 @p6 $0x4;
	p6 =	seq.s32 s11, $0x1;
	s11 =	sld [smem:$0x7DE]  }
0x32c: {  	s1 =	simm.s32 @p6 $0x4;
	p6 =	seq.s32 s24, $0x1;
	s24 =	sld [smem:$0x7DF]  }
0x32d: {  	_ = 	snop  }
0x32e: {  	s0 =	simm.s32 @p6 $0x5;
	p6 =	seq.s32 s11, $0x1;
	s11 =	sld [smem:$0x7E0]  }
0x32f: {  	s1 =	simm.s32 @p6 $0x5;
	p6 =	seq.s32 s24, $0x1;
	s24 =	sld [smem:$0x7E1]  }
0x330: {  	(v2sf) =	vpush v54, $0xF  }
0x331: {  	s0 =	simm.s32 @p6 $0x6;
	p6 =	seq.s32 s11, $0x1;
	s11 =	sld [smem:$0x7E2]  }
0x332: {  	s1 =	simm.s32 @p6 $0x6;
	p6 =	seq.s32 s24, $0x1;
	s24 =	sld [smem:$0x7E3]  }
0x333: {  	_ = 	snop  }
0x334: {  	(v2sf) =	vpush v55, $0xF;
	s0 =	simm.s32 @p6 $0x7;
	p6 =	seq.s32 s11, $0x1;
	s11 =	sld [smem:$0x7E4]  }
0x335: {  	s1 =	simm.s32 @p6 $0x7;
	p6 =	seq.s32 s24, $0x1;
	s24 =	sld [smem:$0x7E5]  }
0x336: {  	_ = 	snop  }
0x337: {  	s0 =	simm.s32 @p6 $0x8;
	p6 =	seq.s32 s11, $0x1;
	s11 =	sld [smem:$0x7E6]  }
0x338: {  	s1 =	simm.s32 @p6 $0x8;
	p6 =	seq.s32 s24, $0x1;
	s24 =	sld [smem:$0x7E7]  }
0x339: {  	[smem:$0x7EA] =	sst s7;
	s7 =	simm.s32 @!p0 $0x0  }
0x33a: {  	s0 =	simm.s32 @p6 $0x9;
	p6 =	seq.s32 s11, $0x1;
	s11 =	sld [smem:$0x7E8]  }
0x33b: {  	s7 =	simm.s32 @p0 $0x1;
	p0 =	seq.s32 s24, $0x1;
	s24 =	sld [smem:$0x7E9]  }
0x33c: {  	v0 =	vmax.f32 v0, v3;
	v56 =	vmin.f32 v2, v33;
	s1 =	simm.s32 @p6 $0x9  }
0x33d: {  	v57 =	vmax.f32 v4, v5;
	v0 =	vmax.f32 v0, v56;
	s0 =	simm.s32 @p0 $0xA;
	p0 =	seq.s32 s11, $0x1;
	s11 =	sld [smem:$0x7EA]  }
0x33e: {  	v1 =	vmin.f32 v1, v57;
	v59 =	vmax.f32 v38, v37;
	v58 =	vmin.f32 v63, v36;
	s1 =	simm.s32 @p0 $0xA;
	p0 =	seq.s32 s24, $0x1;
	s24 =	sld [smem:$0x7EB]  }
0x33f: {  	v1 =	vmin.f32 v1, v59;
	v0 =	vmax.f32 v0, v58;
	[smem:$0x7EC] =	sst s7;
	s7 =	spop (v2sf)  }
0x340: {  	v1 =	vsel vm1, v1, v39;
	v0 =	vsel vm0, v0, v24;
	s0 =	simm.s32 @p5 $0xB;
	s1 =	simm.s32 @p0 $0xB;
	p0 =	seq.s32 s11, $0x1  }
0x341: {  	v1 =	vsel vm3, v1, v41;
	v0 =	vsel vm2, v0, v40;
	s1 =	simm.s32 @p0 $0xC;
	p0 =	seq.s32 s24, $0x1;
	s24 =	sld [smem:$0x7EC]  }
0x342: {  	v1 =	vsel vm5, v1, v10;
	v0 =	vsel vm4, v0, v9;
	p1 =	sgt.f32 s7, s3;
	s0 =	simm.s32 @p4 $0xC  }
0x343: {  	v1 =	vsel vm7, v1, v43;
	v0 =	vsel vm6, v0, v42;
	s0 =	simm.s32 @p2 $0xD;
	s11 =	spop (v2sf);
	s1 =	simm.s32 @p3 $0xD  }
0x344: {  	v1 =	vsel vm9, v1, v46;
	v0 =	vsel vm8, v0, v44;
	s0 =	simm.s32 @p0 $0xE;
	p0 =	slt.f32 s11, s2;
	p2 =	seq.s32 s24, $0x1  }
0x345: {  	v1 =	vsel vm11, v1, v49;
	v0 =	vsel vm10, v0, v47;
	s0 =	simm.s32 @p1 $0xF;
	s1 =	simm.s32 @p2 $0xE  }
0x346: {  	v1 =	vsel vm13, v1, v51;
	v0 =	vsel vm12, v0, v50;
	v60 =	vmov s0;
	s1 =	simm.s32 @p0 $0xF  }
0x347: {  	v0 =	vsel vm14, v0, v52;
	vm14 =	veq.s32 v60, v7;
	v61 =	vmov s1  }
0x348: {  	v1 =	vsel vm15, v1, v53;
	v2 =	vsel vm14, v0, v54;
	vm15 =	veq.s32 v61, v7  }
0x349: {  	(v2sf) =	vpush v2, $0x0;
	v62 =	vsel vm15, v1, v55  }
0x34a: {  	(v2sf) =	vpush v62, $0x0  }
0x34b: {  	(v2sf) =	vpush v2, $0x1  }
0x34c: {  	s24 =	sld [smem:$0x7ED];
	(v2sf) =	vpush v62, $0x1;
	_ =	sdelay $0x1  }
0x34d: {  	s1 =	sld [smem:$0x7EE]  }
0x34e: {  	p2 =	seq.s32 s24, $0x1;
	s24 =	sld [smem:$0x7F1];
	_ =	sdelay $0x1  }
0x34f: {  	s0 =	rddreg [dreg:$0x4];
	s15 =	smov.u32 @p2 s5  }
0x350: {  	p2 =	seq.s32 s1, $0x1;
	p3 =	seq.s32 s24, $0x1;
	s24 =	sld [smem:$0x7F2];
	(v2sf) =	vpush v2, $0x2  }
0x351: {  	s16 =	smov.u32 @p2 s4;
	s4 =	sld [smem:$0x7EF]  }
0x352: {  	s5 =	sld [smem:$0x7F0];
	(v2sf) =	vpush v62, $0x2  }
0x353: {  	p4 =	seq.s32 s24, $0x1;
	s24 =	rddreg [dreg:$0x7];
	(v2sf) =	vpush v2, $0x3  }
0x354: {  	p2 =	seq.s32 s4, $0x1;
	s4 =	rddreg [dreg:$0x5]  }
0x355: {  	s8 =	smov.u32 @p2 s0;
	s0 =	rddreg [dreg:$0x3]  }
0x356: {  	p2 =	seq.s32 s5, $0x1;
	s10 =	smov.u32 @p3 s4;
	(v2sf) =	vpush v62, $0x3;
	s1 =	spop (v2sf)  }
0x357: {  	s4 =	rddreg [dreg:$0x6];
	s6 =	smov.u32 @p2 s0;
	(v2sf) =	vpush v2, $0x4;
	s0 =	spop (v2sf)  }
0x358: {  	s9 =	smov.u32 @p4 s4;
	(v2sf) =	vpush v62, $0x4;
	p2 =	sgt.f32 s1, $-Inf;
	s4 =	spop (v2sf)  }
0x359: {  	(v2sf) =	vpush v2, $0x5;
	s5 =	spop (v2sf);
	[smem:$0x7F3] =	sst s2  }
0x35a: {  	p3 =	slt.f32 s0, $+Inf;
	s2 =	sld [smem:$0x7F4]  }
0x35b: {  	s1 =	simm.s32 @!p2 $0xFF800000  }
0x35c: {  	s15 =	sadd.f32 $0.0e+00, s15;
	p2 =	sgt.f32 s4, s1;
	s0 =	simm.s32 @!p3 $0x7F800000  }
0x35d: {  	p3 =	slt.f32 s5, s0;
	p4 =	seq.s32 s2, $0x1;
	s2 =	sld [smem:$0x7F3];
	(v2sf) =	vpush v62, $0x5  }
0x35e: {  	s1 =	smov.u32 @p2 s4;
	s4 =	sadd.f32 s8, s15  }
0x35f: {  	s0 =	smov.u32 @p3 s5;
	s5 =	sadd.f32 $0.0e+00, s16;
	s8 =	spop (v2sf)  }
0x360: {  	s13 =	smov.u32 @p4 s24;
	(v2sf) =	vpush v2, $0x6;
	p2 =	sgt.f32 s8, s1;
	s24 =	sld [smem:$0x7F5]  }
0x361: {  	s16 =	rddreg [dreg:$0x8];
	s15 =	spop (v2sf)  }
0x362: {  	(v2sf) =	vpush v62, $0x6;
	s5 =	sadd.f32 s6, s5;
	s6 =	spop (v2sf);
	s1 =	smov.u32 @p2 s8  }
0x363: {  	(v2sf) =	vpush v2, $0x7;
	p3 =	seq.s32 s24, $0x1;
	p2 =	sgt.f32 s6, s1;
	s24 =	sld [smem:$0x7F6]  }
0x364: {  	s14 =	smov.u32 @p3 s16;
	p3 =	slt.f32 s15, s0  }
0x365: {  	s4 =	sadd.f32 s10, s4;
	s8 =	spop (v2sf);
	s1 =	smov.u32 @p2 s6  }
0x366: {  	(v2sf) =	vpush v62, $0x7;
	s0 =	smov.u32 @p3 s15;
	s15 =	rddreg [dreg:$0x9];
	p3 =	seq.s32 s24, $0x1  }
0x367: {  	s6 =	spop (v2sf);
	(v2sf) =	vpush v2, $0x8;
	s17 =	smov.u32 @p3 s15;
	p3 =	slt.f32 s8, s0  }
0x368: {  	s5 =	sadd.f32 s9, s5  }
0x369: {  	p2 =	sgt.f32 s6, s1;
	s0 =	smov.u32 @p3 s8;
	s8 =	spop (v2sf);
	(v2sf) =	vpush v62, $0x8  }
0x36a: {  	s16 =	sld [smem:$0x7F9];
	p3 =	slt.f32 s8, s0  }
0x36b: {  	s4 =	sadd.f32 s13, s4;
	s1 =	smov.u32 @p2 s6;
	s6 =	spop (v2sf);
	(v2sf) =	vpush v2, $0x9  }
0x36c: {  	s5 =	sadd.f32 s14, s5;
	s0 =	smov.u32 @p3 s8;
	s8 =	spop (v2sf);
	(v2sf) =	vpush v62, $0x9  }
0x36d: {  	s24 =	sld [smem:$0x7F7];
	p2 =	sgt.f32 s6, s1;
	p3 =	seq.s32 s16, $0x1  }
0x36e: {  	s15 =	rddreg [dreg:$0xa];
	s21 =	smov.u32 @p3 s28  }
0x36f: {  	s1 =	smov.u32 @p2 s6;
	p3 =	slt.f32 s8, s0;
	s6 =	spop (v2sf);
	(v2sf) =	vpush v2, $0xA  }
0x370: {  	s4 =	sadd.f32 s17, s4;
	p4 =	seq.s32 s24, $0x1;
	p2 =	sgt.f32 s6, s1  }
0x371: {  	s24 =	sld [smem:$0x7F8];
	s0 =	smov.u32 @p3 s8;
	s8 =	spop (v2sf);
	(v2sf) =	vpush v62, $0xA  }
0x372: {  	s18 =	smov.u32 @p4 s15;
	s1 =	smov.u32 @p2 s6;
	s6 =	spop (v2sf);
	(v2sf) =	vpush v2, $0xB  }
0x373: {  	s5 =	sadd.f32 s18, s5;
	p3 =	slt.f32 s8, s0  }
0x374: {  	s18 =	sld [smem:$0x7FA];
	p4 =	seq.s32 s24, $0x1;
	p2 =	sgt.f32 s6, s1  }
0x375: {  	s22 =	smov.u32 @p4 s29;
	s0 =	smov.u32 @p3 s8;
	s8 =	spop (v2sf);
	(v2sf) =	vpush v62, $0xB  }
0x376: {  	p3 =	slt.f32 s8, s0;
	s1 =	smov.u32 @p2 s6;
	s6 =	spop (v2sf)  }
0x377: {  	s4 =	sadd.f32 s22, s4;
	(v2sf) =	vpush v2, $0xC;
	p2 =	sgt.f32 s6, s1  }
0x378: {  	s0 =	smov.u32 @p3 s8;
	p3 =	seq.s32 s18, $0x1;
	s8 =	spop (v2sf);
	(v2sf) =	vpush v62, $0xC  }
0x379: {  	s22 =	sld [smem:$0x7FB];
	s26 =	smov.u32 @p3 s20;
	p3 =	slt.f32 s8, s0  }
0x37a: {  	s1 =	smov.u32 @p2 s6;
	s6 =	spop (v2sf);
	(v2sf) =	vpush v2, $0xD  }
0x37b: {  	s0 =	smov.u32 @p3 s8;
	s8 =	spop (v2sf);
	(v2sf) =	vpush v62, $0xD  }
0x37c: {  	p2 =	sgt.f32 s6, s1;
	p3 =	seq.s32 s22, $0x1  }
0x37d: {  	s24 =	sld [smem:$0x7FC];
	s25 =	smov.u32 @p3 s23;
	(v2sf) =	vpush v2, $0xE  }
0x37e: {  	s1 =	smov.u32 @p2 s6;
	p3 =	slt.f32 s8, s0;
	s6 =	spop (v2sf);
	(v2sf) =	vpush v62, $0xE  }
0x37f: {  	s4 =	sadd.f32 s26, s4;
	p2 =	sgt.f32 s6, s1  }
0x380: {  	s26 =	sld [smem:$0x7FD];
	s0 =	smov.u32 @p3 s8;
	s8 =	spop (v2sf);
	(v2sf) =	vpush v2, $0xF  }
0x381: {  	p3 =	seq.s32 s24, $0x1;
	s1 =	smov.u32 @p2 s6;
	s6 =	spop (v2sf);
	(v2sf) =	vpush v62, $0xF  }
0x382: {  	s31 =	smov.u32 @p3 s12;
	p3 =	slt.f32 s8, s0  }
0x383: {  	p2 =	sgt.f32 s6, s1  }
0x384: {  	s0 =	smov.u32 @p3 s8;
	s8 =	spop (v2sf);
	p3 =	seq.s32 s26, $0x1  }
0x385: {  	s30 =	smov.u32 @p3 s19;
	p3 =	slt.f32 s8, s0  }
0x386: {  	s1 =	smov.u32 @p2 s6;
	s6 =	spop (v2sf)  }
0x387: {  	p2 =	sgt.f32 s6, s1;
	s0 =	smov.u32 @p3 s8;
	s8 =	spop (v2sf)  }
0x388: {  	s3 =	smov.u32 @p1 s7;
	p1 =	slt.f32 s8, s0  }
0x389: {  	s5 =	sadd.f32 s21, s5;
	s1 =	smov.u32 @p2 s6;
	s6 =	spop (v2sf)  }
0x38a: {  	s0 =	smov.u32 @p1 s8;
	p1 =	sgt.f32 s6, s1;
	s7 =	spop (v2sf)  }
0x38b: {  	s2 =	smov.u32 @p0 s11;
	p0 =	slt.f32 s7, s0  }
0x38c: {  	s5 =	sadd.f32 s25, s5;
	s1 =	smov.u32 @p1 s6;
	s6 =	spop (v2sf)  }
0x38d: {  	s0 =	smov.u32 @p0 s7;
	s7 =	spop (v2sf);
	p0 =	sgt.f32 s6, s1  }
0x38e: {  	s4 =	sadd.f32 s31, s4;
	p1 =	slt.f32 s7, s0  }
0x38f: {  	s5 =	sadd.f32 s30, s5;
	s8 =	spop (v2sf);
	s1 =	smov.u32 @p0 s6  }
0x390: {  	s6 =	spop (v2sf);
	s0 =	smov.u32 @p1 s7;
	p0 =	sgt.f32 s8, s1  }
0x391: {  	s3 =	sadd.f32 s3, s4;
	p1 =	slt.f32 s6, s0  }
0x392: {  	s2 =	sadd.f32 s2, s5;
	s1 =	smov.u32 @p0 s8  }
0x393: {  	s0 =	smov.u32 @p1 s6;
	s1 =	sadd.f32 s1, s3  }
0x394: {  	s0 =	sadd.f32 s0, s2;
	_ =	sdelay $0x1  }
0x395: {  	s0 =	sadd.f32 s0, s1;
	_ =	sdelay $0x1  }
0x396: {  	s0 =	smul.f32 $5.000000070e-02, s0;
	_ =	sdelay $0x1  }
0x397: {  	v63 =	vmov s0  }
0x398: {  	v0 =	vsub.f32 $0.0e+00, v63;
	_ =	sdelay $0x1  }
0x399: {  	v0 =	vmul.f32 $1.442695020e+00, v0;
	_ =	sdelay $0x1  }
0x39a: {  	v0 =	vbroadcast v0, $0x0;
	_ =	sdelay $0x1  }
0x39b: {  	(erf) = vpow2.f32 v0;
	_ =	sdelay $0x8  }
0x39c: {  	v0 =	vpop (erf)  }
0x39d: {  	v0 =	vadd.f32 $1.000000000e+00, v0;
	_ =	sdelay $0x1  }
0x39e: {  	(erf) = vrcp.f32 v0;
	_ =	sdelay $0x8  }
0x39f: {  	s28 =	simm.s32 $0x1;
	v0 =	vpop (erf)  }
0x3a0: {  	s29 =	simm.s32 $0x0;
	s31 =	rddreg [dreg:$0x2];
	s30 =	simm.s32 $0x2000;
	[tilespmem:$0x2000] =	vst v0  }
0x3a1: {  	[hbm4b:s31+s29] =	stream.linear.scatter [tilespmem:s30], [sflag:$0x1], $0x80, $0x38;
	[tilespmem:$0x2080] =	vst v63  }
0x3a2: {  	_ =	swait.ge [sflag:s28], $0x80  }
0x3a3: {  	[sflag:s28] =	ssyncset.done $0x0  }
0x3a4: {  	[sflag:s28] =	ssyncadd.s32 $0xFFFFFF80  }
0x3a5: {  	s4 =	stileid.u32;
	s3 =	rddreg [dreg:$0x1]  }
.LBB2_4:
0x3a6: {  	_ =	sfence.sel $0x180000  }
0x3a7: {  	[bflag:$0x0] =	sbarrier.arrive $0xFFFF  }
0x3a8: {  	p0 =	sne.s32 s4, $0x0;
	_ =	strace $0x90000047  }
0x3a9: {  	s0 =	sadd.s32 @!p0 $0x100000, s3;
	[bflag:$0x2] =	sbarrier.arrive $0xFFFF  }
0x3aa: {  	[sflag:s0] =	ssyncadd.tile.s32 @!p0 $0x1;
	_ =	shalt  }
.Lfunc_end2:
_tile_overlayer_lowered:
.L_overlay_start_2:
0x3ab: {  	(tag) =	ssettag $0x2  }
0x3ac: {  	s0 =	rddreg [dreg:$0x0];
	s2 =	stileid.u32  }
0x3ad: {  	s1 =	rddreg [dreg:$0x1];
	p0 =	sne.s32 s2, $0x0  }
0x3ae: {  	s3 =	rddreg [dreg:$0x2];
	[bflag:$0x3] =	sbarrier.arrive $0xFFFF;
	s2 =	simm.s32 @!p0 $0x1C01  }
0x3af: {  	[timem:s3], [sflag:s2] =	dma.local @!p0 [hbm:s0], s1  }
0x3b0: {  	s0 =	simm.s32 @!p0 $0x1  }
0x3b1: {  	_ =	swait.ge @!p0 [sflag:s0], s1  }
0x3b2: {  	s1 =	ssub.s32 @!p0 $0x0, s1;
	[sflag:s0] =	ssyncset.done @!p0 $0x0  }
0x3b3: {  	[sflag:s0] =	ssyncadd.s32 @!p0 s1  }
0x3b4: {  	[bflag:$0x3] =	sbarrier.arrive $0xFFFF  }
0x3b5: {  	_ =	shalt  }

</sc_bundles>
